<compile_context>
chip_gen: v7x
topology: tpu7x:2x2x1
jax: 0.10.2.dev20260603
libtpu: 0.0.44.dev20260713+nightly
codegen_flags: <defaults>
</compile_context>

<pallas_src>
import functools

import jax
import jax.numpy as jnp
from jax import lax
from jax.experimental import pallas as pl
from jax.experimental.pallas import tpu as pltpu
from jax.experimental.pallas import tpu_sc as plsc

_NLY = 2
_LANES = 16


def _adj_body(n, n_edges, rows_per_w, eye_hbm, src_hbm, dst_hbm, c_hbm,
              src_v, dst_v, cloc):
    wid = lax.axis_index("s") * 2 + lax.axis_index("c")
    base = wid * rows_per_w
    fbase = base * n
    nloc = rows_per_w * n
    pltpu.sync_copy(src_hbm, src_v)
    pltpu.sync_copy(dst_hbm, dst_v)
    pltpu.sync_copy(eye_hbm.at[pl.ds(fbase, nloc)], cloc)

    ones = jnp.ones((_LANES,), jnp.float32)

    def body(i, carry):
        s = src_v[pl.ds(i * _LANES, _LANES)]
        d = dst_v[pl.ds(i * _LANES, _LANES)]
        m = (d >= base) & (d < base + rows_per_w)
        idx = jnp.where(m, (d - base) * n + s, 0)
        plsc.addupdate_scatter(cloc, [idx], ones, mask=m)
        return carry

    lax.fori_loop(0, n_edges // _LANES, body, 0)
    pltpu.sync_copy(cloc, c_hbm.at[pl.ds(fbase, nloc)])


def _build_adj(n, src, dst):
    n_edges = src.shape[0]
    rows_per_w = n // 32
    mesh = plsc.VectorSubcoreMesh(core_axis_name="c", subcore_axis_name="s")
    eye = jnp.eye(n, dtype=jnp.float32).reshape(n * n)
    fn = pl.kernel(
        functools.partial(_adj_body, n, n_edges, rows_per_w),
        out_type=jax.ShapeDtypeStruct((n * n,), jnp.float32),
        mesh=mesh,
        scratch_types=[
            pltpu.VMEM((n_edges,), jnp.int32),
            pltpu.VMEM((n_edges,), jnp.int32),
            pltpu.VMEM((rows_per_w * n,), jnp.float32),
        ],
        compiler_params=pltpu.CompilerParams(needs_layout_passes=False),
    )
    return fn(eye, src, dst).reshape(n, n)


def _gat_one(h, c, w_ref, asrc_ref, adst_ref, b_ref):
    for i in range(_NLY):
        w = w_ref[i]
        xl = lax.dot_general(h.astype(jnp.bfloat16), w.astype(jnp.bfloat16),
                             (((1,), (1,)), ((), ())),
                             preferred_element_type=jnp.float32)
        att2 = jnp.concatenate([asrc_ref[i:i + 1], adst_ref[i:i + 1]],
                               axis=0)
        watt = lax.dot_general(att2, w, (((1,), (0,)), ((), ())),
                               preferred_element_type=jnp.float32)
        a_row = lax.dot_general(watt, h, (((1,), (1,)), ((), ())),
                                preferred_element_type=jnp.float32)
        a_col = lax.dot_general(h, watt, (((1,), (1,)), ((), ())),
                                preferred_element_type=jnp.float32)
        arow0 = a_row[0:1, :]
        acol1 = a_col[:, 1:2]
        zm = acol1 + jnp.max(arow0)
        am = jnp.maximum(zm, 0.2 * zm)
        z = acol1 + arow0
        al = jnp.maximum(z, 0.2 * z)
        ex = c * jnp.exp(al - am)
        den = jnp.sum(ex, axis=1, keepdims=True)
        out = jnp.dot(ex.astype(jnp.bfloat16), xl.astype(jnp.bfloat16),
                      preferred_element_type=jnp.float32)
        out = out / (den + 1e-16)
        h = jnp.maximum(out + b_ref[i][None, :], 0.0)
    return h


def _gat_body(rep, x_ref, e_ref, c_ref, w_ref, asrc_ref, adst_ref, b_ref,
              o_ref):
    c = c_ref[...]
    for r in range(rep):
        h = jnp.concatenate([x_ref[r], e_ref[r]], axis=0)
        o_ref[r] = _gat_one(h, c, w_ref, asrc_ref, adst_ref,
                            b_ref).astype(jnp.bfloat16)


def _run_gat(x3, e3, c, gat_W, gat_att_src, gat_att_dst, gat_bias, rep=16):
    bt, nx, d = x3.shape
    ne = e3.shape[1]
    n = nx + ne
    return pl.pallas_call(
        functools.partial(_gat_body, rep),
        grid=(bt // rep,),
        in_specs=[
            pl.BlockSpec((rep, nx, d), lambda i: (i, 0, 0)),
            pl.BlockSpec((rep, ne, d), lambda i: (i, 0, 0)),
            pl.BlockSpec((n, n), lambda i: (0, 0)),
            pl.BlockSpec((_NLY, d, d), lambda i: (0, 0, 0)),
            pl.BlockSpec((_NLY, d), lambda i: (0, 0)),
            pl.BlockSpec((_NLY, d), lambda i: (0, 0)),
            pl.BlockSpec((_NLY, d), lambda i: (0, 0)),
        ],
        out_specs=pl.BlockSpec((rep, n, d), lambda i: (i, 0, 0)),
        out_shape=jax.ShapeDtypeStruct((bt, n, d), jnp.bfloat16),
        compiler_params=pltpu.CompilerParams(
            dimension_semantics=("arbitrary",)),
    )(x3, e3, c, gat_W, gat_att_src, gat_att_dst, gat_bias)


def _conv_body(kern, t, nb, nxb, bb, h_ref, w_ref, b_ref, ox_ref, oe_ref):
    d = h_ref.shape[-1]
    j = pl.program_id(1)
    for r in range(bb):
        h = h_ref[r]
        for i in range(_NLY):
            dil = 2 ** i
            hb = h.astype(jnp.bfloat16)
            acc = None
            for k in range(kern):
                s = (kern - 1 - k) * dil
                if s == 0:
                    src = hb
                else:
                    src = jnp.concatenate(
                        [jnp.zeros((s, nb, d), jnp.bfloat16), hb[: t - s]],
                        axis=0)
                y = jnp.dot(src.reshape(t * nb, d), w_ref[i, k],
                            preferred_element_type=jnp.float32)
                acc = y if acc is None else acc + y
            h = jnp.maximum(acc + b_ref[i][None, :], 0.0).reshape(t, nb, d)

        @pl.when(j < nxb)
        def _():
            ox_ref[r] = h

        @pl.when(j == nxb)
        def _():
            oe_ref[r] = h


def _run_conv(h4, conv_W, conv_b, nx, bb=4):
    b, t, n, d = h4.shape
    nb = 64
    kern = conv_W.shape[-1]
    nxb = nx // nb
    w_r = jnp.transpose(conv_W, (0, 3, 2, 1)).astype(jnp.bfloat16)
    return pl.pallas_call(
        functools.partial(_conv_body, kern, t, nb, nxb, bb),
        grid=(b // bb, n // nb),
        in_specs=[
            pl.BlockSpec((bb, t, nb, d), lambda i, j: (i, 0, j, 0)),
            pl.BlockSpec((_NLY, kern, d, d), lambda i, j: (0, 0, 0, 0)),
            pl.BlockSpec((_NLY, d), lambda i, j: (0, 0)),
        ],
        out_specs=[
            pl.BlockSpec((bb, t, nb, d),
                         lambda i, j: (i, 0, jnp.minimum(j, nxb - 1), 0)),
            pl.BlockSpec((bb, t, nb, d), lambda i, j: (i, 0, 0, 0)),
        ],
        out_shape=[
            jax.ShapeDtypeStruct((b, t, nx, d), jnp.float32),
            jax.ShapeDtypeStruct((b, t, n - nx, d), jnp.float32),
        ],
        compiler_params=pltpu.CompilerParams(
            dimension_semantics=("parallel", "arbitrary")),
    )(h4, w_r, conv_b)


def kernel(x, e, edge_ind, gat_W, gat_att_src, gat_att_dst, gat_bias,
           conv_W, conv_b):
    b, t, nx, d = x.shape
    ne = e.shape[2]
    n = nx + ne
    ei = edge_ind.astype(jnp.int32)
    c = _build_adj(n, ei[0], ei[1])
    hf = _run_gat(x.reshape(b * t, nx, d), e.reshape(b * t, ne, d), c,
                  gat_W, gat_att_src, gat_att_dst, gat_bias)
    h4 = hf.reshape(b, t, n, d)
    x_out, e_out = _run_conv(h4, conv_W, conv_b, nx)
    return x_out, e_out

# --- scband reference (transcript-rebuilt; emitter-appended) ---
"""Pipeline reference for scband-stblock2-35201551958057 (READ-ONLY COPY).

The authoritative reference and input builder live on the scoring server;
editing this copy changes nothing except your own understanding.
"""

import jax, jax.numpy as jnp
import numpy as np

NLY = 2
DIM = 128
KERNEL = 3

def _forward(x, e, edge_ind, gat_W, gat_att_src, gat_att_dst, gat_bias, conv_W, conv_b):
    b, t, n_x, d = x.shape
    n_e = e.shape[2]
    n = n_x + n_e
    h = jnp.concatenate([x, e], axis=2)  # [b,t,n,d]
    Bt = b * t
    N = Bt * n
    # batched edge index: repeat 'p e -> p e b', add arange(Bt)*n, rearrange 'p e b -> p (e b)'
    offsets = (jnp.arange(Bt) * n).astype(edge_ind.dtype)
    src = (edge_ind[0][:, None] + offsets[None, :]).reshape(-1)
    dst = (edge_ind[1][:, None] + offsets[None, :]).reshape(-1)
    loop = jnp.arange(N, dtype=src.dtype)
    s_all = jnp.concatenate([src, loop])
    d_all = jnp.concatenate([dst, loop])
    hf = h.reshape(N, d)
    for i in range(NLY):
        W = gat_W[i]
        xl = hf @ W.T  # PyG Linear: y = x W^T
        a_src = xl @ gat_att_src[i]  # [N]
        a_dst = xl @ gat_att_dst[i]  # [N]
        alpha = a_src[s_all] + a_dst[d_all]
        alpha = jax.nn.leaky_relu(alpha, 0.2)
        amax = jax.ops.segment_max(alpha, d_all, num_segments=N)
        ealpha = jnp.exp(alpha - amax[d_all])
        denom = jax.ops.segment_sum(ealpha, d_all, num_segments=N)
        coef = ealpha / (denom[d_all] + 1e-16)
        msg = xl[s_all] * coef[:, None]
        out = jax.ops.segment_sum(msg, d_all, num_segments=N)
        out = out + gat_bias[i]
        hf = jax.nn.relu(out)
    # rearrange 'b t n d -> (b n) d t'
    h4 = hf.reshape(b, t, n, d)
    hc = jnp.transpose(h4, (0, 2, 3, 1)).reshape(b * n, d, t)
    for i in range(NLY):
        dil = 2 ** i
        pad = (KERNEL - 1) * dil
        hp = jnp.pad(hc, ((0, 0), (0, 0), (pad, 0)))
        out = jax.lax.conv_general_dilated(
            hp, conv_W[i], window_strides=(1,), padding='VALID',
            rhs_dilation=(dil,), dimension_numbers=('NCH', 'OIH', 'NCH'))
        hc = jax.nn.relu(out + conv_b[i][None, :, None])
    # rearrange '(b n) d t -> b t n d'
    h4 = hc.reshape(b, n, d, t).transpose(0, 3, 1, 2)
    x_out = h4[:, :, :n_x, :]
    e_out = h4[:, :, n_x:, :]
    return (x_out, e_out)


def setup_inputs(seed: int = 0):
    key = jax.random.key(seed)
    ks = jax.random.split(key, 10)
    x = jax.random.normal(ks[0], (4, 16, 448, 128), dtype=jnp.float32)
    e = jax.random.normal(ks[1], (4, 16, 64, 128), dtype=jnp.float32)
    edge_ind = jax.random.randint(ks[2], (2, 8192), 0, 512)
    gat_W = jax.random.normal(ks[3], (NLY, DIM, DIM), dtype=jnp.float32) * 0.05
    gat_att_src = jax.random.normal(ks[4], (NLY, DIM), dtype=jnp.float32) * 0.05
    gat_att_dst = jax.random.normal(ks[5], (NLY, DIM), dtype=jnp.float32) * 0.05
    gat_bias = jax.random.normal(ks[6], (NLY, DIM), dtype=jnp.float32) * 0.05
    conv_W = jax.random.normal(ks[7], (NLY, DIM, DIM, KERNEL), dtype=jnp.float32) * 0.05
    conv_b = jax.random.normal(ks[8], (NLY, DIM), dtype=jnp.float32) * 0.05
    return {"x": x, "e": e, "edge_ind": edge_ind, "gat_W": gat_W,
            "gat_att_src": gat_att_src, "gat_att_dst": gat_att_dst,
            "gat_bias": gat_bias, "conv_W": conv_W, "conv_b": conv_b}


def reference(x, e, edge_ind, gat_W, gat_att_src, gat_att_dst, gat_bias, conv_W, conv_b):
    return _forward(x, e, edge_ind, gat_W, gat_att_src, gat_att_dst, gat_bias, conv_W, conv_b)

if __name__ == "__main__":
    import jax
    _d = setup_inputs()
    print(jax.jit(kernel)(*tuple(_d.values())))

</pallas_src>

<mosaic_0001>
#map = affine_map<(d0, d1) -> (0)>
module attributes {stable_mosaic.version = 14 : i64} {
  func.func @_adj_body(%arg0: i32, %arg1: i32, %arg2: memref<262144xf32, #tpu.memory_space<hbm>>, %arg3: memref<8192xi32, #tpu.memory_space<hbm>>, %arg4: memref<8192xi32, #tpu.memory_space<hbm>>, %arg5: memref<262144xf32, #tpu.memory_space<hbm>>, %arg6: memref<8192xi32, #tpu.memory_space<vmem>>, %arg7: memref<8192xi32, #tpu.memory_space<vmem>>, %arg8: memref<8192xf32, #tpu.memory_space<vmem>>) attributes {dimension_semantics = [#tpu.dimension_semantics<core_parallel>, #tpu.dimension_semantics<subcore_parallel>], iteration_bounds = array<i64: 2, 16>, scalar_prefetch = 0 : i64, scratch_operands = 3 : i64, tpu.core_type = #tpu.core_type<sc_vector_subcore>, window_params = [{transform_indices = #map}, {transform_indices = #map}, {transform_indices = #map}, {transform_indices = #map}]} {
    %mul3A = arith.constant 2 : i32
    %mul3A_0 = arith.muli %arg1, %mul3A : i32
    %add3A = arith.addi %mul3A_0, %arg0 : i32
    %mul3A_1 = arith.constant 16 : i32
    %mul3A_2 = arith.muli %add3A, %mul3A_1 : i32
    %mul3A_3 = arith.constant 512 : i32
    %mul3A_4 = arith.muli %mul3A_2, %mul3A_3 : i32
    "tpu.region"() ({
      %run_scoped3A = tpu.sem_alloc : memref<!tpu.dma_semaphore, #tpu.memory_space<semaphore_mem>>
      tpu.enqueue_dma source(%arg3 : memref<8192xi32, #tpu.memory_space<hbm>>) target(%arg6 : memref<8192xi32, #tpu.memory_space<vmem>>) target_semaphore(%run_scoped3A : memref<!tpu.dma_semaphore, #tpu.memory_space<semaphore_mem>>)
      tpu.wait_dma2 semaphore(%run_scoped3A : memref<!tpu.dma_semaphore, #tpu.memory_space<semaphore_mem>>) src(%arg3 : memref<8192xi32, #tpu.memory_space<hbm>>) dst(%arg6 : memref<8192xi32, #tpu.memory_space<vmem>>)
      tpu.yield
    }) : () -> ()
    "tpu.region"() ({
      %run_scoped3A = tpu.sem_alloc : memref<!tpu.dma_semaphore, #tpu.memory_space<semaphore_mem>>
      tpu.enqueue_dma source(%arg4 : memref<8192xi32, #tpu.memory_space<hbm>>) target(%arg7 : memref<8192xi32, #tpu.memory_space<vmem>>) target_semaphore(%run_scoped3A : memref<!tpu.dma_semaphore, #tpu.memory_space<semaphore_mem>>)
      tpu.wait_dma2 semaphore(%run_scoped3A : memref<!tpu.dma_semaphore, #tpu.memory_space<semaphore_mem>>) src(%arg4 : memref<8192xi32, #tpu.memory_space<hbm>>) dst(%arg7 : memref<8192xi32, #tpu.memory_space<vmem>>)
      tpu.yield
    }) : () -> ()
    "tpu.region"() ({
      %run_scoped3A = tpu.sem_alloc : memref<!tpu.dma_semaphore, #tpu.memory_space<semaphore_mem>>
      %dma_start3A = tpu.memref_slice %arg2[%mul3A_4] : memref<262144xf32, #tpu.memory_space<hbm>> -> memref<8192xf32, #tpu.memory_space<hbm>>
      %dma_start3A_11 = tpu.memref_slice %arg2[%mul3A_4] : memref<262144xf32, #tpu.memory_space<hbm>> -> memref<8192xf32, #tpu.memory_space<hbm>>
      tpu.enqueue_dma source(%dma_start3A_11 : memref<8192xf32, #tpu.memory_space<hbm>>) target(%arg8 : memref<8192xf32, #tpu.memory_space<vmem>>) target_semaphore(%run_scoped3A : memref<!tpu.dma_semaphore, #tpu.memory_space<semaphore_mem>>)
      %dma_wait3A = tpu.memref_slice %arg2[%mul3A_4] : memref<262144xf32, #tpu.memory_space<hbm>> -> memref<8192xf32, #tpu.memory_space<hbm>>
      %dma_wait3A_12 = tpu.memref_slice %arg2[%mul3A_4] : memref<262144xf32, #tpu.memory_space<hbm>> -> memref<8192xf32, #tpu.memory_space<hbm>>
      tpu.wait_dma2 semaphore(%run_scoped3A : memref<!tpu.dma_semaphore, #tpu.memory_space<semaphore_mem>>) src(%dma_wait3A_12 : memref<8192xf32, #tpu.memory_space<hbm>>) dst(%arg8 : memref<8192xf32, #tpu.memory_space<vmem>>)
      tpu.yield
    }) : () -> ()
    %broadcast_in_dim3A = arith.constant 1.000000e+00 : f32
    %broadcast_in_dim3A_5 = vector.broadcast %broadcast_in_dim3A : f32 to vector<16xf32>
    %scan3A = arith.constant 0 : i32
    %scan3A_6 = arith.constant 0 : i32
    %scan3A_7 = arith.constant 512 : i32
    %scan3A_8 = arith.addi %scan3A_6, %scan3A_7 : i32
    %scan3A_9 = arith.constant 1 : i32
    scf.for %scan3A_11 = %scan3A_6 to %scan3A_8 step %scan3A_9  : i32 {
      %mul3A_12 = arith.constant 16 : i32
      %mul3A_13 = arith.muli %scan3A_11, %mul3A_12 : i32
      %get3A = arith.index_cast %mul3A_13 : i32 to index
      %get3A_14 = tpu.vector_load %arg6[%get3A] {strides = array<i32>} : memref<8192xi32, #tpu.memory_space<vmem>>, vector<16xi32>,
      %mul3A_15 = arith.constant 16 : i32
      %mul3A_16 = arith.muli %scan3A_11, %mul3A_15 : i32
      %get3A_17 = arith.index_cast %mul3A_16 : i32 to index
      %get3A_18 = tpu.vector_load %arg7[%get3A_17] {strides = array<i32>} : memref<8192xi32, #tpu.memory_space<vmem>>, vector<16xi32>,
      %ge3A = vector.broadcast %mul3A_2 : i32 to vector<16xi32>
      %ge3A_19 = arith.cmpi sge, %get3A_18, %ge3A : vector<16xi32>
      %add3A_20 = arith.constant 16 : i32
      %add3A_21 = arith.addi %mul3A_2, %add3A_20 : i32
      %lt3A = vector.broadcast %add3A_21 : i32 to vector<16xi32>
      %lt3A_22 = arith.cmpi slt, %get3A_18, %lt3A : vector<16xi32>
      %and3A = arith.andi %ge3A_19, %lt3A_22 : vector<16xi1>
      %sub3A = vector.broadcast %mul3A_2 : i32 to vector<16xi32>
      %sub3A_23 = arith.subi %get3A_18, %sub3A : vector<16xi32>
      %mul3A_24 = arith.constant 512 : i32
      %mul3A_25 = vector.broadcast %mul3A_24 : i32 to vector<16xi32>
      %mul3A_26 = arith.muli %sub3A_23, %mul3A_25 : vector<16xi32>
      %add3A_27 = arith.addi %mul3A_26, %get3A_14 : vector<16xi32>
      %jit3A = arith.constant 0 : i32
      %broadcast_in_dim3A_28 = vector.broadcast %jit3A : i32 to vector<16xi32>
      %select_n3A = arith.select %and3A, %add3A_27, %broadcast_in_dim3A_28 : vector<16xi1>, vector<16xi32>
      tpu.vector_store_idx %arg8[%select_n3A], %broadcast_in_dim3A_5 masked %and3A {add = true} : memref<8192xf32, #tpu.memory_space<vmem>>[vector<16xi32>], vector<16xf32>, vector<16xi1>
    }
    %scan3A_10 = arith.constant 512 : i32
    "tpu.region"() ({
      %run_scoped3A = tpu.sem_alloc : memref<!tpu.dma_semaphore, #tpu.memory_space<semaphore_mem>>
      %dma_start3A = tpu.memref_slice %arg5[%mul3A_4] : memref<262144xf32, #tpu.memory_space<hbm>> -> memref<8192xf32, #tpu.memory_space<hbm>>
      %dma_start3A_11 = tpu.memref_slice %arg5[%mul3A_4] : memref<262144xf32, #tpu.memory_space<hbm>> -> memref<8192xf32, #tpu.memory_space<hbm>>
      tpu.enqueue_dma source(%arg8 : memref<8192xf32, #tpu.memory_space<vmem>>) target(%dma_start3A_11 : memref<8192xf32, #tpu.memory_space<hbm>>) target_semaphore(%run_scoped3A : memref<!tpu.dma_semaphore, #tpu.memory_space<semaphore_mem>>)
      %dma_wait3A = tpu.memref_slice %arg5[%mul3A_4] : memref<262144xf32, #tpu.memory_space<hbm>> -> memref<8192xf32, #tpu.memory_space<hbm>>
      %dma_wait3A_12 = tpu.memref_slice %arg5[%mul3A_4] : memref<262144xf32, #tpu.memory_space<hbm>> -> memref<8192xf32, #tpu.memory_space<hbm>>
      tpu.wait_dma2 semaphore(%run_scoped3A : memref<!tpu.dma_semaphore, #tpu.memory_space<semaphore_mem>>) src(%arg8 : memref<8192xf32, #tpu.memory_space<vmem>>) dst(%dma_wait3A_12 : memref<8192xf32, #tpu.memory_space<hbm>>)
      tpu.yield
    }) : () -> ()
    return
  }
}

module attributes {stable_mosaic.version = 14 : i64} {
  func.func @_conv_body(%arg0: i32, %arg1: i32, %arg2: memref<4x16x64x128xbf16, #tpu.memory_space<vmem>>, %arg3: memref<2x3x128x128xbf16, #tpu.memory_space<vmem>>, %arg4: memref<2x128xf32, #tpu.memory_space<vmem>>, %arg5: memref<4x16x64x128xf32, #tpu.memory_space<vmem>>, %arg6: memref<4x16x64x128xf32, #tpu.memory_space<vmem>>) attributes {dimension_semantics = [#tpu.dimension_semantics<parallel>, #tpu.dimension_semantics<arbitrary>], iteration_bounds = array<i64: 1, 8>, scalar_prefetch = 0 : i64, scratch_operands = 0 : i64, tpu.core_type = #tpu.core_type<tc>, window_params = [{transform_indices = @transform_0, window_bounds = array<i64: 4, 16, 64, 128>}, {pipeline_mode = #tpu.pipeline_mode<synchronous>, transform_indices = @transform_1, window_bounds = array<i64: 2, 3, 128, 128>}, {pipeline_mode = #tpu.pipeline_mode<synchronous>, transform_indices = @transform_2, window_bounds = array<i64: 2, 128>}, {transform_indices = @transform_3, window_bounds = array<i64: 4, 16, 64, 128>}, {transform_indices = @transform_4, window_bounds = array<i64: 4, 16, 64, 128>}]} {
    %get3A = arith.constant 0 : index
    %get3A_0 = arith.constant 0 : index
    %get3A_1 = arith.constant 0 : index
    %get3A_2 = arith.constant 0 : index
    %get3A_3 = vector.load %arg2[%get3A, %get3A_0, %get3A_1, %get3A_2] : memref<4x16x64x128xbf16, #tpu.memory_space<vmem>>, vector<1x16x64x128xbf16>
    %get3A_4 = vector.shape_cast %get3A_3 : vector<1x16x64x128xbf16> to vector<16x64x128xbf16>
    %broadcast_in_dim3A = arith.constant 0.000000e+00 : bf16
    %broadcast_in_dim3A_5 = vector.broadcast %broadcast_in_dim3A : bf16 to vector<2x64x128xbf16>
    %slice3A = vector.extract_strided_slice %get3A_4 {offsets = [0, 0, 0], sizes = [14, 64, 128], strides = [1, 1, 1]} : vector<16x64x128xbf16> to vector<14x64x128xbf16>
    %concatenate3A = tpu.concatenate %broadcast_in_dim3A_5, %slice3A in 0 : vector<2x64x128xbf16>, vector<14x64x128xbf16> -> vector<16x64x128xbf16>
    %reshape3A = vector.shape_cast %concatenate3A : vector<16x64x128xbf16> to vector<1024x128xbf16>
    %get3A_6 = arith.constant 0 : index
    %get3A_7 = arith.constant 0 : index
    %get3A_8 = arith.constant 0 : index
    %get3A_9 = arith.constant 0 : index
    %get3A_10 = vector.load %arg3[%get3A_6, %get3A_7, %get3A_8, %get3A_9] : memref<2x3x128x128xbf16, #tpu.memory_space<vmem>>, vector<1x1x128x128xbf16>
    %get3A_11 = vector.shape_cast %get3A_10 : vector<1x1x128x128xbf16> to vector<128x128xbf16>
    %dot_general3A = arith.constant dense<0.000000e+00> : vector<1024x128xf32>
    %dot_general3A_12 = tpu.matmul %reshape3A, %get3A_11, %dot_general3A {dimension_numbers = #tpu.dot_dimension_numbers<[1], [0], [0], [1], [0, 0, 1, 1], [], []>, transpose_lhs_hint = false} : vector<1024x128xbf16>, vector<128x128xbf16>, vector<1024x128xf32> -> vector<1024x128xf32>
    %broadcast_in_dim3A_13 = arith.constant 0.000000e+00 : bf16
    %broadcast_in_dim3A_14 = vector.broadcast %broadcast_in_dim3A_13 : bf16 to vector<1x64x128xbf16>
    %slice3A_15 = vector.extract_strided_slice %get3A_4 {offsets = [0, 0, 0], sizes = [15, 64, 128], strides = [1, 1, 1]} : vector<16x64x128xbf16> to vector<15x64x128xbf16>
    %concatenate3A_16 = tpu.concatenate %broadcast_in_dim3A_14, %slice3A_15 in 0 : vector<1x64x128xbf16>, vector<15x64x128xbf16> -> vector<16x64x128xbf16>
    %reshape3A_17 = vector.shape_cast %concatenate3A_16 : vector<16x64x128xbf16> to vector<1024x128xbf16>
    %get3A_18 = arith.constant 0 : index
    %get3A_19 = arith.constant 1 : index
    %get3A_20 = arith.constant 0 : index
    %get3A_21 = arith.constant 0 : index
    %get3A_22 = vector.load %arg3[%get3A_18, %get3A_19, %get3A_20, %get3A_21] : memref<2x3x128x128xbf16, #tpu.memory_space<vmem>>, vector<1x1x128x128xbf16>
    %get3A_23 = vector.shape_cast %get3A_22 : vector<1x1x128x128xbf16> to vector<128x128xbf16>
    %dot_general3A_24 = arith.constant dense<0.000000e+00> : vector<1024x128xf32>
    %dot_general3A_25 = tpu.matmul %reshape3A_17, %get3A_23, %dot_general3A_24 {dimension_numbers = #tpu.dot_dimension_numbers<[1], [0], [0], [1], [0, 0, 1, 1], [], []>, transpose_lhs_hint = false} : vector<1024x128xbf16>, vector<128x128xbf16>, vector<1024x128xf32> -> vector<1024x128xf32>
    %add3A = arith.addf %dot_general3A_12, %dot_general3A_25 : vector<1024x128xf32>
    %reshape3A_26 = vector.shape_cast %get3A_4 : vector<16x64x128xbf16> to vector<1024x128xbf16>
    %get3A_27 = arith.constant 0 : index
    %get3A_28 = arith.constant 2 : index
    %get3A_29 = arith.constant 0 : index
    %get3A_30 = arith.constant 0 : index
    %get3A_31 = vector.load %arg3[%get3A_27, %get3A_28, %get3A_29, %get3A_30] : memref<2x3x128x128xbf16, #tpu.memory_space<vmem>>, vector<1x1x128x128xbf16>
    %get3A_32 = vector.shape_cast %get3A_31 : vector<1x1x128x128xbf16> to vector<128x128xbf16>
    %dot_general3A_33 = arith.constant dense<0.000000e+00> : vector<1024x128xf32>
    %dot_general3A_34 = tpu.matmul %reshape3A_26, %get3A_32, %dot_general3A_33 {dimension_numbers = #tpu.dot_dimension_numbers<[1], [0], [0], [1], [0, 0, 1, 1], [], []>, transpose_lhs_hint = false} : vector<1024x128xbf16>, vector<128x128xbf16>, vector<1024x128xf32> -> vector<1024x128xf32>
    %add3A_35 = arith.addf %add3A, %dot_general3A_34 : vector<1024x128xf32>
    %get3A_36 = arith.constant 0 : index
    %get3A_37 = arith.constant 0 : index
    %get3A_38 = vector.load %arg4[%get3A_36, %get3A_37] : memref<2x128xf32, #tpu.memory_space<vmem>>, vector<1x128xf32>
    %get3A_39 = vector.shape_cast %get3A_38 : vector<1x128xf32> to vector<128xf32>
    %broadcast_in_dim3A_40 = vector.shape_cast %get3A_39 : vector<128xf32> to vector<1x128xf32>
    %add3A_41 = vector.broadcast %broadcast_in_dim3A_40 : vector<1x128xf32> to vector<1024x128xf32>
    %add3A_42 = arith.addf %add3A_35, %add3A_41 : vector<1024x128xf32>
    %max3A = arith.constant 0.000000e+00 : f32
    %max3A_43 = vector.broadcast %max3A : f32 to vector<1024x128xf32>
    %max3A_44 = arith.maximumf %add3A_42, %max3A_43 : vector<1024x128xf32>
    %reshape3A_45 = vector.shape_cast %max3A_44 : vector<1024x128xf32> to vector<16x64x128xf32>
    %convert_element_type3A = arith.truncf %reshape3A_45 : vector<16x64x128xf32> to vector<16x64x128xbf16>
    %broadcast_in_dim3A_46 = arith.constant 0.000000e+00 : bf16
    %broadcast_in_dim3A_47 = vector.broadcast %broadcast_in_dim3A_46 : bf16 to vector<4x64x128xbf16>
    %slice3A_48 = vector.extract_strided_slice %convert_element_type3A {offsets = [0, 0, 0], sizes = [12, 64, 128], strides = [1, 1, 1]} : vector<16x64x128xbf16> to vector<12x64x128xbf16>
    %concatenate3A_49 = tpu.concatenate %broadcast_in_dim3A_47, %slice3A_48 in 0 : vector<4x64x128xbf16>, vector<12x64x128xbf16> -> vector<16x64x128xbf16>
    %reshape3A_50 = vector.shape_cast %concatenate3A_49 : vector<16x64x128xbf16> to vector<1024x128xbf16>
    %get3A_51 = arith.constant 1 : index
    %get3A_52 = arith.constant 0 : index
    %get3A_53 = arith.constant 0 : index
    %get3A_54 = arith.constant 0 : index
    %get3A_55 = vector.load %arg3[%get3A_51, %get3A_52, %get3A_53, %get3A_54] : memref<2x3x128x128xbf16, #tpu.memory_space<vmem>>, vector<1x1x128x128xbf16>
    %get3A_56 = vector.shape_cast %get3A_55 : vector<1x1x128x128xbf16> to vector<128x128xbf16>
    %dot_general3A_57 = arith.constant dense<0.000000e+00> : vector<1024x128xf32>
    %dot_general3A_58 = tpu.matmul %reshape3A_50, %get3A_56, %dot_general3A_57 {dimension_numbers = #tpu.dot_dimension_numbers<[1], [0], [0], [1], [0, 0, 1, 1], [], []>, transpose_lhs_hint = false} : vector<1024x128xbf16>, vector<128x128xbf16>, vector<1024x128xf32> -> vector<1024x128xf32>
    %broadcast_in_dim3A_59 = arith.constant 0.000000e+00 : bf16
    %broadcast_in_dim3A_60 = vector.broadcast %broadcast_in_dim3A_59 : bf16 to vector<2x64x128xbf16>
    %slice3A_61 = vector.extract_strided_slice %convert_element_type3A {offsets = [0, 0, 0], sizes = [14, 64, 128], strides = [1, 1, 1]} : vector<16x64x128xbf16> to vector<14x64x128xbf16>
    %concatenate3A_62 = tpu.concatenate %broadcast_in_dim3A_60, %slice3A_61 in 0 : vector<2x64x128xbf16>, vector<14x64x128xbf16> -> vector<16x64x128xbf16>
    %reshape3A_63 = vector.shape_cast %concatenate3A_62 : vector<16x64x128xbf16> to vector<1024x128xbf16>
    %get3A_64 = arith.constant 1 : index
    %get3A_65 = arith.constant 1 : index
    %get3A_66 = arith.constant 0 : index
    %get3A_67 = arith.constant 0 : index
    %get3A_68 = vector.load %arg3[%get3A_64, %get3A_65, %get3A_66, %get3A_67] : memref<2x3x128x128xbf16, #tpu.memory_space<vmem>>, vector<1x1x128x128xbf16>
    %get3A_69 = vector.shape_cast %get3A_68 : vector<1x1x128x128xbf16> to vector<128x128xbf16>
    %dot_general3A_70 = arith.constant dense<0.000000e+00> : vector<1024x128xf32>
    %dot_general3A_71 = tpu.matmul %reshape3A_63, %get3A_69, %dot_general3A_70 {dimension_numbers = #tpu.dot_dimension_numbers<[1], [0], [0], [1], [0, 0, 1, 1], [], []>, transpose_lhs_hint = false} : vector<1024x128xbf16>, vector<128x128xbf16>, vector<1024x128xf32> -> vector<1024x128xf32>
    %add3A_72 = arith.addf %dot_general3A_58, %dot_general3A_71 : vector<1024x128xf32>
    %reshape3A_73 = vector.shape_cast %convert_element_type3A : vector<16x64x128xbf16> to vector<1024x128xbf16>
    %get3A_74 = arith.constant 1 : index
    %get3A_75 = arith.constant 2 : index
    %get3A_76 = arith.constant 0 : index
    %get3A_77 = arith.constant 0 : index
    %get3A_78 = vector.load %arg3[%get3A_74, %get3A_75, %get3A_76, %get3A_77] : memref<2x3x128x128xbf16, #tpu.memory_space<vmem>>, vector<1x1x128x128xbf16>
    %get3A_79 = vector.shape_cast %get3A_78 : vector<1x1x128x128xbf16> to vector<128x128xbf16>
    %dot_general3A_80 = arith.constant dense<0.000000e+00> : vector<1024x128xf32>
    %dot_general3A_81 = tpu.matmul %reshape3A_73, %get3A_79, %dot_general3A_80 {dimension_numbers = #tpu.dot_dimension_numbers<[1], [0], [0], [1], [0, 0, 1, 1], [], []>, transpose_lhs_hint = false} : vector<1024x128xbf16>, vector<128x128xbf16>, vector<1024x128xf32> -> vector<1024x128xf32>
    %add3A_82 = arith.addf %add3A_72, %dot_general3A_81 : vector<1024x128xf32>
    %get3A_83 = arith.constant 1 : index
    %get3A_84 = arith.constant 0 : index
    %get3A_85 = vector.load %arg4[%get3A_83, %get3A_84] : memref<2x128xf32, #tpu.memory_space<vmem>>, vector<1x128xf32>
    %get3A_86 = vector.shape_cast %get3A_85 : vector<1x128xf32> to vector<128xf32>
    %broadcast_in_dim3A_87 = vector.shape_cast %get3A_86 : vector<128xf32> to vector<1x128xf32>
    %add3A_88 = vector.broadcast %broadcast_in_dim3A_87 : vector<1x128xf32> to vector<1024x128xf32>
    %add3A_89 = arith.addf %add3A_82, %add3A_88 : vector<1024x128xf32>
    %max3A_90 = arith.constant 0.000000e+00 : f32
    %max3A_91 = vector.broadcast %max3A_90 : f32 to vector<1024x128xf32>
    %max3A_92 = arith.maximumf %add3A_89, %max3A_91 : vector<1024x128xf32>
    %reshape3A_93 = vector.shape_cast %max3A_92 : vector<1024x128xf32> to vector<16x64x128xf32>
    %lt3A = arith.constant 7 : i32
    %lt3A_94 = arith.cmpi slt, %arg1, %lt3A : i32
    %convert_element_type3A_95 = arith.extui %lt3A_94 : i1 to i32
    %cond3A = arith.constant 0 : i32
    %cond3A_96 = arith.cmpi ne, %convert_element_type3A_95, %cond3A : i32
    scf.if %cond3A_96 {
      %swap3A = arith.constant 0 : index
      %swap3A_440 = arith.constant 0 : index
      %swap3A_441 = arith.constant 0 : index
      %swap3A_442 = arith.constant 0 : index
      %swap3A_443 = vector.load %arg5[%swap3A, %swap3A_440, %swap3A_441, %swap3A_442] : memref<4x16x64x128xf32, #tpu.memory_space<vmem>>, vector<1x16x64x128xf32>
      %swap3A_444 = vector.shape_cast %swap3A_443 : vector<1x16x64x128xf32> to vector<16x64x128xf32>
      %swap3A_445 = vector.shape_cast %reshape3A_93 : vector<16x64x128xf32> to vector<1x16x64x128xf32>
      tpu.vector_store %arg5[%swap3A, %swap3A_440, %swap3A_441, %swap3A_442], %swap3A_445 {strides = array<i32>} : memref<4x16x64x128xf32, #tpu.memory_space<vmem>>, vector<1x16x64x128xf32>,
    } else {
    }
    %eq3A = arith.constant 7 : i32
    %eq3A_97 = arith.cmpi eq, %arg1, %eq3A : i32
    %convert_element_type3A_98 = arith.extui %eq3A_97 : i1 to i32
    %cond3A_99 = arith.constant 0 : i32
    %cond3A_100 = arith.cmpi ne, %convert_element_type3A_98, %cond3A_99 : i32
    scf.if %cond3A_100 {
      %swap3A = arith.constant 0 : index
      %swap3A_440 = arith.constant 0 : index
      %swap3A_441 = arith.constant 0 : index
      %swap3A_442 = arith.constant 0 : index
      %swap3A_443 = vector.load %arg6[%swap3A, %swap3A_440, %swap3A_441, %swap3A_442] : memref<4x16x64x128xf32, #tpu.memory_space<vmem>>, vector<1x16x64x128xf32>
      %swap3A_444 = vector.shape_cast %swap3A_443 : vector<1x16x64x128xf32> to vector<16x64x128xf32>
      %swap3A_445 = vector.shape_cast %reshape3A_93 : vector<16x64x128xf32> to vector<1x16x64x128xf32>
      tpu.vector_store %arg6[%swap3A, %swap3A_440, %swap3A_441, %swap3A_442], %swap3A_445 {strides = array<i32>} : memref<4x16x64x128xf32, #tpu.memory_space<vmem>>, vector<1x16x64x128xf32>,
    } else {
    }
    %get3A_101 = arith.constant 1 : index
    %get3A_102 = arith.constant 0 : index
    %get3A_103 = arith.constant 0 : index
    %get3A_104 = arith.constant 0 : index
    %get3A_105 = vector.load %arg2[%get3A_101, %get3A_102, %get3A_103, %get3A_104] : memref<4x16x64x128xbf16, #tpu.memory_space<vmem>>, vector<1x16x64x128xbf16>
    %get3A_106 = vector.shape_cast %get3A_105 : vector<1x16x64x128xbf16> to vector<16x64x128xbf16>
    %broadcast_in_dim3A_107 = arith.constant 0.000000e+00 : bf16
    %broadcast_in_dim3A_108 = vector.broadcast %broadcast_in_dim3A_107 : bf16 to vector<2x64x128xbf16>
    %slice3A_109 = vector.extract_strided_slice %get3A_106 {offsets = [0, 0, 0], sizes = [14, 64, 128], strides = [1, 1, 1]} : vector<16x64x128xbf16> to vector<14x64x128xbf16>
    %concatenate3A_110 = tpu.concatenate %broadcast_in_dim3A_108, %slice3A_109 in 0 : vector<2x64x128xbf16>, vector<14x64x128xbf16> -> vector<16x64x128xbf16>
    %reshape3A_111 = vector.shape_cast %concatenate3A_110 : vector<16x64x128xbf16> to vector<1024x128xbf16>
    %get3A_112 = arith.constant 0 : index
    %get3A_113 = arith.constant 0 : index
    %get3A_114 = arith.constant 0 : index
    %get3A_115 = arith.constant 0 : index
    %get3A_116 = vector.load %arg3[%get3A_112, %get3A_113, %get3A_114, %get3A_115] : memref<2x3x128x128xbf16, #tpu.memory_space<vmem>>, vector<1x1x128x128xbf16>
    %get3A_117 = vector.shape_cast %get3A_116 : vector<1x1x128x128xbf16> to vector<128x128xbf16>
    %dot_general3A_118 = arith.constant dense<0.000000e+00> : vector<1024x128xf32>
    %dot_general3A_119 = tpu.matmul %reshape3A_111, %get3A_117, %dot_general3A_118 {dimension_numbers = #tpu.dot_dimension_numbers<[1], [0], [0], [1], [0, 0, 1, 1], [], []>, transpose_lhs_hint = false} : vector<1024x128xbf16>, vector<128x128xbf16>, vector<1024x128xf32> -> vector<1024x128xf32>
    %broadcast_in_dim3A_120 = arith.constant 0.000000e+00 : bf16
    %broadcast_in_dim3A_121 = vector.broadcast %broadcast_in_dim3A_120 : bf16 to vector<1x64x128xbf16>
    %slice3A_122 = vector.extract_strided_slice %get3A_106 {offsets = [0, 0, 0], sizes = [15, 64, 128], strides = [1, 1, 1]} : vector<16x64x128xbf16> to vector<15x64x128xbf16>
    %concatenate3A_123 = tpu.concatenate %broadcast_in_dim3A_121, %slice3A_122 in 0 : vector<1x64x128xbf16>, vector<15x64x128xbf16> -> vector<16x64x128xbf16>
    %reshape3A_124 = vector.shape_cast %concatenate3A_123 : vector<16x64x128xbf16> to vector<1024x128xbf16>
    %get3A_125 = arith.constant 0 : index
    %get3A_126 = arith.constant 1 : index
    %get3A_127 = arith.constant 0 : index
    %get3A_128 = arith.constant 0 : index
    %get3A_129 = vector.load %arg3[%get3A_125, %get3A_126, %get3A_127, %get3A_128] : memref<2x3x128x128xbf16, #tpu.memory_space<vmem>>, vector<1x1x128x128xbf16>
    %get3A_130 = vector.shape_cast %get3A_129 : vector<1x1x128x128xbf16> to vector<128x128xbf16>
    %dot_general3A_131 = arith.constant dense<0.000000e+00> : vector<1024x128xf32>
    %dot_general3A_132 = tpu.matmul %reshape3A_124, %get3A_130, %dot_general3A_131 {dimension_numbers = #tpu.dot_dimension_numbers<[1], [0], [0], [1], [0, 0, 1, 1], [], []>, transpose_lhs_hint = false} : vector<1024x128xbf16>, vector<128x128xbf16>, vector<1024x128xf32> -> vector<1024x128xf32>
    %add3A_133 = arith.addf %dot_general3A_119, %dot_general3A_132 : vector<1024x128xf32>
    %reshape3A_134 = vector.shape_cast %get3A_106 : vector<16x64x128xbf16> to vector<1024x128xbf16>
    %get3A_135 = arith.constant 0 : index
    %get3A_136 = arith.constant 2 : index
    %get3A_137 = arith.constant 0 : index
    %get3A_138 = arith.constant 0 : index
    %get3A_139 = vector.load %arg3[%get3A_135, %get3A_136, %get3A_137, %get3A_138] : memref<2x3x128x128xbf16, #tpu.memory_space<vmem>>, vector<1x1x128x128xbf16>
    %get3A_140 = vector.shape_cast %get3A_139 : vector<1x1x128x128xbf16> to vector<128x128xbf16>
    %dot_general3A_141 = arith.constant dense<0.000000e+00> : vector<1024x128xf32>
    %dot_general3A_142 = tpu.matmul %reshape3A_134, %get3A_140, %dot_general3A_141 {dimension_numbers = #tpu.dot_dimension_numbers<[1], [0], [0], [1], [0, 0, 1, 1], [], []>, transpose_lhs_hint = false} : vector<1024x128xbf16>, vector<128x128xbf16>, vector<1024x128xf32> -> vector<1024x128xf32>
    %add3A_143 = arith.addf %add3A_133, %dot_general3A_142 : vector<1024x128xf32>
    %get3A_144 = arith.constant 0 : index
    %get3A_145 = arith.constant 0 : index
    %get3A_146 = vector.load %arg4[%get3A_144, %get3A_145] : memref<2x128xf32, #tpu.memory_space<vmem>>, vector<1x128xf32>
    %get3A_147 = vector.shape_cast %get3A_146 : vector<1x128xf32> to vector<128xf32>
    %broadcast_in_dim3A_148 = vector.shape_cast %get3A_147 : vector<128xf32> to vector<1x128xf32>
    %add3A_149 = vector.broadcast %broadcast_in_dim3A_148 : vector<1x128xf32> to vector<1024x128xf32>
    %add3A_150 = arith.addf %add3A_143, %add3A_149 : vector<1024x128xf32>
    %max3A_151 = arith.constant 0.000000e+00 : f32
    %max3A_152 = vector.broadcast %max3A_151 : f32 to vector<1024x128xf32>
    %max3A_153 = arith.maximumf %add3A_150, %max3A_152 : vector<1024x128xf32>
    %reshape3A_154 = vector.shape_cast %max3A_153 : vector<1024x128xf32> to vector<16x64x128xf32>
    %convert_element_type3A_155 = arith.truncf %reshape3A_154 : vector<16x64x128xf32> to vector<16x64x128xbf16>
    %broadcast_in_dim3A_156 = arith.constant 0.000000e+00 : bf16
    %broadcast_in_dim3A_157 = vector.broadcast %broadcast_in_dim3A_156 : bf16 to vector<4x64x128xbf16>
    %slice3A_158 = vector.extract_strided_slice %convert_element_type3A_155 {offsets = [0, 0, 0], sizes = [12, 64, 128], strides = [1, 1, 1]} : vector<16x64x128xbf16> to vector<12x64x128xbf16>
    %concatenate3A_159 = tpu.concatenate %broadcast_in_dim3A_157, %slice3A_158 in 0 : vector<4x64x128xbf16>, vector<12x64x128xbf16> -> vector<16x64x128xbf16>
    %reshape3A_160 = vector.shape_cast %concatenate3A_159 : vector<16x64x128xbf16> to vector<1024x128xbf16>
    %get3A_161 = arith.constant 1 : index
    %get3A_162 = arith.constant 0 : index
    %get3A_163 = arith.constant 0 : index
    %get3A_164 = arith.constant 0 : index
    %get3A_165 = vector.load %arg3[%get3A_161, %get3A_162, %get3A_163, %get3A_164] : memref<2x3x128x128xbf16, #tpu.memory_space<vmem>>, vector<1x1x128x128xbf16>
    %get3A_166 = vector.shape_cast %get3A_165 : vector<1x1x128x128xbf16> to vector<128x128xbf16>
    %dot_general3A_167 = arith.constant dense<0.000000e+00> : vector<1024x128xf32>
    %dot_general3A_168 = tpu.matmul %reshape3A_160, %get3A_166, %dot_general3A_167 {dimension_numbers = #tpu.dot_dimension_numbers<[1], [0], [0], [1], [0, 0, 1, 1], [], []>, transpose_lhs_hint = false} : vector<1024x128xbf16>, vector<128x128xbf16>, vector<1024x128xf32> -> vector<1024x128xf32>
    %broadcast_in_dim3A_169 = arith.constant 0.000000e+00 : bf16
    %broadcast_in_dim3A_170 = vector.broadcast %broadcast_in_dim3A_169 : bf16 to vector<2x64x128xbf16>
    %slice3A_171 = vector.extract_strided_slice %convert_element_type3A_155 {offsets = [0, 0, 0], sizes = [14, 64, 128], strides = [1, 1, 1]} : vector<16x64x128xbf16> to vector<14x64x128xbf16>
    %concatenate3A_172 = tpu.concatenate %broadcast_in_dim3A_170, %slice3A_171 in 0 : vector<2x64x128xbf16>, vector<14x64x128xbf16> -> vector<16x64x128xbf16>
    %reshape3A_173 = vector.shape_cast %concatenate3A_172 : vector<16x64x128xbf16> to vector<1024x128xbf16>
    %get3A_174 = arith.constant 1 : index
    %get3A_175 = arith.constant 1 : index
    %get3A_176 = arith.constant 0 : index
    %get3A_177 = arith.constant 0 : index
    %get3A_178 = vector.load %arg3[%get3A_174, %get3A_175, %get3A_176, %get3A_177] : memref<2x3x128x128xbf16, #tpu.memory_space<vmem>>, vector<1x1x128x128xbf16>
    %get3A_179 = vector.shape_cast %get3A_178 : vector<1x1x128x128xbf16> to vector<128x128xbf16>
    %dot_general3A_180 = arith.constant dense<0.000000e+00> : vector<1024x128xf32>
    %dot_general3A_181 = tpu.matmul %reshape3A_173, %get3A_179, %dot_general3A_180 {dimension_numbers = #tpu.dot_dimension_numbers<[1], [0], [0], [1], [0, 0, 1, 1], [], []>, transpose_lhs_hint = false} : vector<1024x128xbf16>, vector<128x128xbf16>, vector<1024x128xf32> -> vector<1024x128xf32>
    %add3A_182 = arith.addf %dot_general3A_168, %dot_general3A_181 : vector<1024x128xf32>
    %reshape3A_183 = vector.shape_cast %convert_element_type3A_155 : vector<16x64x128xbf16> to vector<1024x128xbf16>
    %get3A_184 = arith.constant 1 : index
    %get3A_185 = arith.constant 2 : index
    %get3A_186 = arith.constant 0 : index
    %get3A_187 = arith.constant 0 : index
    %get3A_188 = vector.load %arg3[%get3A_184, %get3A_185, %get3A_186, %get3A_187] : memref<2x3x128x128xbf16, #tpu.memory_space<vmem>>, vector<1x1x128x128xbf16>
    %get3A_189 = vector.shape_cast %get3A_188 : vector<1x1x128x128xbf16> to vector<128x128xbf16>
    %dot_general3A_190 = arith.constant dense<0.000000e+00> : vector<1024x128xf32>
    %dot_general3A_191 = tpu.matmul %reshape3A_183, %get3A_189, %dot_general3A_190 {dimension_numbers = #tpu.dot_dimension_numbers<[1], [0], [0], [1], [0, 0, 1, 1], [], []>, transpose_lhs_hint = false} : vector<1024x128xbf16>, vector<128x128xbf16>, vector<1024x128xf32> -> vector<1024x128xf32>
    %add3A_192 = arith.addf %add3A_182, %dot_general3A_191 : vector<1024x128xf32>
    %get3A_193 = arith.constant 1 : index
    %get3A_194 = arith.constant 0 : index
    %get3A_195 = vector.load %arg4[%get3A_193, %get3A_194] : memref<2x128xf32, #tpu.memory_space<vmem>>, vector<1x128xf32>
    %get3A_196 = vector.shape_cast %get3A_195 : vector<1x128xf32> to vector<128xf32>
    %broadcast_in_dim3A_197 = vector.shape_cast %get3A_196 : vector<128xf32> to vector<1x128xf32>
    %add3A_198 = vector.broadcast %broadcast_in_dim3A_197 : vector<1x128xf32> to vector<1024x128xf32>
    %add3A_199 = arith.addf %add3A_192, %add3A_198 : vector<1024x128xf32>
    %max3A_200 = arith.constant 0.000000e+00 : f32
    %max3A_201 = vector.broadcast %max3A_200 : f32 to vector<1024x128xf32>
    %max3A_202 = arith.maximumf %add3A_199, %max3A_201 : vector<1024x128xf32>
    %reshape3A_203 = vector.shape_cast %max3A_202 : vector<1024x128xf32> to vector<16x64x128xf32>
    %lt3A_204 = arith.constant 7 : i32
    %lt3A_205 = arith.cmpi slt, %arg1, %lt3A_204 : i32
    %convert_element_type3A_206 = arith.extui %lt3A_205 : i1 to i32
    %cond3A_207 = arith.constant 0 : i32
    %cond3A_208 = arith.cmpi ne, %convert_element_type3A_206, %cond3A_207 : i32
    scf.if %cond3A_208 {
      %swap3A = arith.constant 1 : index
      %swap3A_440 = arith.constant 0 : index
      %swap3A_441 = arith.constant 0 : index
      %swap3A_442 = arith.constant 0 : index
      %swap3A_443 = vector.load %arg5[%swap3A, %swap3A_440, %swap3A_441, %swap3A_442] : memref<4x16x64x128xf32, #tpu.memory_space<vmem>>, vector<1x16x64x128xf32>
      %swap3A_444 = vector.shape_cast %swap3A_443 : vector<1x16x64x128xf32> to vector<16x64x128xf32>
      %swap3A_445 = vector.shape_cast %reshape3A_203 : vector<16x64x128xf32> to vector<1x16x64x128xf32>
      tpu.vector_store %arg5[%swap3A, %swap3A_440, %swap3A_441, %swap3A_442], %swap3A_445 {strides = array<i32>} : memref<4x16x64x128xf32, #tpu.memory_space<vmem>>, vector<1x16x64x128xf32>,
    } else {
    }
    %eq3A_209 = arith.constant 7 : i32
    %eq3A_210 = arith.cmpi eq, %arg1, %eq3A_209 : i32
    %convert_element_type3A_211 = arith.extui %eq3A_210 : i1 to i32
    %cond3A_212 = arith.constant 0 : i32
    %cond3A_213 = arith.cmpi ne, %convert_element_type3A_211, %cond3A_212 : i32
    scf.if %cond3A_213 {
      %swap3A = arith.constant 1 : index
      %swap3A_440 = arith.constant 0 : index
      %swap3A_441 = arith.constant 0 : index
      %swap3A_442 = arith.constant 0 : index
      %swap3A_443 = vector.load %arg6[%swap3A, %swap3A_440, %swap3A_441, %swap3A_442] : memref<4x16x64x128xf32, #tpu.memory_space<vmem>>, vector<1x16x64x128xf32>
      %swap3A_444 = vector.shape_cast %swap3A_443 : vector<1x16x64x128xf32> to vector<16x64x128xf32>
      %swap3A_445 = vector.shape_cast %reshape3A_203 : vector<16x64x128xf32> to vector<1x16x64x128xf32>
      tpu.vector_store %arg6[%swap3A, %swap3A_440, %swap3A_441, %swap3A_442], %swap3A_445 {strides = array<i32>} : memref<4x16x64x128xf32, #tpu.memory_space<vmem>>, vector<1x16x64x128xf32>,
    } else {
    }
    %get3A_214 = arith.constant 2 : index
    %get3A_215 = arith.constant 0 : index
    %get3A_216 = arith.constant 0 : index
    %get3A_217 = arith.constant 0 : index
    %get3A_218 = vector.load %arg2[%get3A_214, %get3A_215, %get3A_216, %get3A_217] : memref<4x16x64x128xbf16, #tpu.memory_space<vmem>>, vector<1x16x64x128xbf16>
    %get3A_219 = vector.shape_cast %get3A_218 : vector<1x16x64x128xbf16> to vector<16x64x128xbf16>
    %broadcast_in_dim3A_220 = arith.constant 0.000000e+00 : bf16
    %broadcast_in_dim3A_221 = vector.broadcast %broadcast_in_dim3A_220 : bf16 to vector<2x64x128xbf16>
    %slice3A_222 = vector.extract_strided_slice %get3A_219 {offsets = [0, 0, 0], sizes = [14, 64, 128], strides = [1, 1, 1]} : vector<16x64x128xbf16> to vector<14x64x128xbf16>
    %concatenate3A_223 = tpu.concatenate %broadcast_in_dim3A_221, %slice3A_222 in 0 : vector<2x64x128xbf16>, vector<14x64x128xbf16> -> vector<16x64x128xbf16>
    %reshape3A_224 = vector.shape_cast %concatenate3A_223 : vector<16x64x128xbf16> to vector<1024x128xbf16>
    %get3A_225 = arith.constant 0 : index
    %get3A_226 = arith.constant 0 : index
    %get3A_227 = arith.constant 0 : index
    %get3A_228 = arith.constant 0 : index
    %get3A_229 = vector.load %arg3[%get3A_225, %get3A_226, %get3A_227, %get3A_228] : memref<2x3x128x128xbf16, #tpu.memory_space<vmem>>, vector<1x1x128x128xbf16>
    %get3A_230 = vector.shape_cast %get3A_229 : vector<1x1x128x128xbf16> to vector<128x128xbf16>
    %dot_general3A_231 = arith.constant dense<0.000000e+00> : vector<1024x128xf32>
    %dot_general3A_232 = tpu.matmul %reshape3A_224, %get3A_230, %dot_general3A_231 {dimension_numbers = #tpu.dot_dimension_numbers<[1], [0], [0], [1], [0, 0, 1, 1], [], []>, transpose_lhs_hint = false} : vector<1024x128xbf16>, vector<128x128xbf16>, vector<1024x128xf32> -> vector<1024x128xf32>
    %broadcast_in_dim3A_233 = arith.constant 0.000000e+00 : bf16
    %broadcast_in_dim3A_234 = vector.broadcast %broadcast_in_dim3A_233 : bf16 to vector<1x64x128xbf16>
    %slice3A_235 = vector.extract_strided_slice %get3A_219 {offsets = [0, 0, 0], sizes = [15, 64, 128], strides = [1, 1, 1]} : vector<16x64x128xbf16> to vector<15x64x128xbf16>
    %concatenate3A_236 = tpu.concatenate %broadcast_in_dim3A_234, %slice3A_235 in 0 : vector<1x64x128xbf16>, vector<15x64x128xbf16> -> vector<16x64x128xbf16>
    %reshape3A_237 = vector.shape_cast %concatenate3A_236 : vector<16x64x128xbf16> to vector<1024x128xbf16>
    %get3A_238 = arith.constant 0 : index
    %get3A_239 = arith.constant 1 : index
    %get3A_240 = arith.constant 0 : index
    %get3A_241 = arith.constant 0 : index
    %get3A_242 = vector.load %arg3[%get3A_238, %get3A_239, %get3A_240, %get3A_241] : memref<2x3x128x128xbf16, #tpu.memory_space<vmem>>, vector<1x1x128x128xbf16>
    %get3A_243 = vector.shape_cast %get3A_242 : vector<1x1x128x128xbf16> to vector<128x128xbf16>
    %dot_general3A_244 = arith.constant dense<0.000000e+00> : vector<1024x128xf32>
    %dot_general3A_245 = tpu.matmul %reshape3A_237, %get3A_243, %dot_general3A_244 {dimension_numbers = #tpu.dot_dimension_numbers<[1], [0], [0], [1], [0, 0, 1, 1], [], []>, transpose_lhs_hint = false} : vector<1024x128xbf16>, vector<128x128xbf16>, vector<1024x128xf32> -> vector<1024x128xf32>
    %add3A_246 = arith.addf %dot_general3A_232, %dot_general3A_245 : vector<1024x128xf32>
    %reshape3A_247 = vector.shape_cast %get3A_219 : vector<16x64x128xbf16> to vector<1024x128xbf16>
    %get3A_248 = arith.constant 0 : index
    %get3A_249 = arith.constant 2 : index
    %get3A_250 = arith.constant 0 : index
    %get3A_251 = arith.constant 0 : index
    %get3A_252 = vector.load %arg3[%get3A_248, %get3A_249, %get3A_250, %get3A_251] : memref<2x3x128x128xbf16, #tpu.memory_space<vmem>>, vector<1x1x128x128xbf16>
    %get3A_253 = vector.shape_cast %get3A_252 : vector<1x1x128x128xbf16> to vector<128x128xbf16>
    %dot_general3A_254 = arith.constant dense<0.000000e+00> : vector<1024x128xf32>
    %dot_general3A_255 = tpu.matmul %reshape3A_247, %get3A_253, %dot_general3A_254 {dimension_numbers = #tpu.dot_dimension_numbers<[1], [0], [0], [1], [0, 0, 1, 1], [], []>, transpose_lhs_hint = false} : vector<1024x128xbf16>, vector<128x128xbf16>, vector<1024x128xf32> -> vector<1024x128xf32>
    %add3A_256 = arith.addf %add3A_246, %dot_general3A_255 : vector<1024x128xf32>
    %get3A_257 = arith.constant 0 : index
    %get3A_258 = arith.constant 0 : index
    %get3A_259 = vector.load %arg4[%get3A_257, %get3A_258] : memref<2x128xf32, #tpu.memory_space<vmem>>, vector<1x128xf32>
    %get3A_260 = vector.shape_cast %get3A_259 : vector<1x128xf32> to vector<128xf32>
    %broadcast_in_dim3A_261 = vector.shape_cast %get3A_260 : vector<128xf32> to vector<1x128xf32>
    %add3A_262 = vector.broadcast %broadcast_in_dim3A_261 : vector<1x128xf32> to vector<1024x128xf32>
    %add3A_263 = arith.addf %add3A_256, %add3A_262 : vector<1024x128xf32>
    %max3A_264 = arith.constant 0.000000e+00 : f32
    %max3A_265 = vector.broadcast %max3A_264 : f32 to vector<1024x128xf32>
    %max3A_266 = arith.maximumf %add3A_263, %max3A_265 : vector<1024x128xf32>
    %reshape3A_267 = vector.shape_cast %max3A_266 : vector<1024x128xf32> to vector<16x64x128xf32>
    %convert_element_type3A_268 = arith.truncf %reshape3A_267 : vector<16x64x128xf32> to vector<16x64x128xbf16>
    %broadcast_in_dim3A_269 = arith.constant 0.000000e+00 : bf16
    %broadcast_in_dim3A_270 = vector.broadcast %broadcast_in_dim3A_269 : bf16 to vector<4x64x128xbf16>
    %slice3A_271 = vector.extract_strided_slice %convert_element_type3A_268 {offsets = [0, 0, 0], sizes = [12, 64, 128], strides = [1, 1, 1]} : vector<16x64x128xbf16> to vector<12x64x128xbf16>
    %concatenate3A_272 = tpu.concatenate %broadcast_in_dim3A_270, %slice3A_271 in 0 : vector<4x64x128xbf16>, vector<12x64x128xbf16> -> vector<16x64x128xbf16>
    %reshape3A_273 = vector.shape_cast %concatenate3A_272 : vector<16x64x128xbf16> to vector<1024x128xbf16>
    %get3A_274 = arith.constant 1 : index
    %get3A_275 = arith.constant 0 : index
    %get3A_276 = arith.constant 0 : index
    %get3A_277 = arith.constant 0 : index
    %get3A_278 = vector.load %arg3[%get3A_274, %get3A_275, %get3A_276, %get3A_277] : memref<2x3x128x128xbf16, #tpu.memory_space<vmem>>, vector<1x1x128x128xbf16>
    %get3A_279 = vector.shape_cast %get3A_278 : vector<1x1x128x128xbf16> to vector<128x128xbf16>
    %dot_general3A_280 = arith.constant dense<0.000000e+00> : vector<1024x128xf32>
    %dot_general3A_281 = tpu.matmul %reshape3A_273, %get3A_279, %dot_general3A_280 {dimension_numbers = #tpu.dot_dimension_numbers<[1], [0], [0], [1], [0, 0, 1, 1], [], []>, transpose_lhs_hint = false} : vector<1024x128xbf16>, vector<128x128xbf16>, vector<1024x128xf32> -> vector<1024x128xf32>
    %broadcast_in_dim3A_282 = arith.constant 0.000000e+00 : bf16
    %broadcast_in_dim3A_283 = vector.broadcast %broadcast_in_dim3A_282 : bf16 to vector<2x64x128xbf16>
    %slice3A_284 = vector.extract_strided_slice %convert_element_type3A_268 {offsets = [0, 0, 0], sizes = [14, 64, 128], strides = [1, 1, 1]} : vector<16x64x128xbf16> to vector<14x64x128xbf16>
    %concatenate3A_285 = tpu.concatenate %broadcast_in_dim3A_283, %slice3A_284 in 0 : vector<2x64x128xbf16>, vector<14x64x128xbf16> -> vector<16x64x128xbf16>
    %reshape3A_286 = vector.shape_cast %concatenate3A_285 : vector<16x64x128xbf16> to vector<1024x128xbf16>
    %get3A_287 = arith.constant 1 : index
    %get3A_288 = arith.constant 1 : index
    %get3A_289 = arith.constant 0 : index
    %get3A_290 = arith.constant 0 : index
    %get3A_291 = vector.load %arg3[%get3A_287, %get3A_288, %get3A_289, %get3A_290] : memref<2x3x128x128xbf16, #tpu.memory_space<vmem>>, vector<1x1x128x128xbf16>
    %get3A_292 = vector.shape_cast %get3A_291 : vector<1x1x128x128xbf16> to vector<128x128xbf16>
    %dot_general3A_293 = arith.constant dense<0.000000e+00> : vector<1024x128xf32>
    %dot_general3A_294 = tpu.matmul %reshape3A_286, %get3A_292, %dot_general3A_293 {dimension_numbers = #tpu.dot_dimension_numbers<[1], [0], [0], [1], [0, 0, 1, 1], [], []>, transpose_lhs_hint = false} : vector<1024x128xbf16>, vector<128x128xbf16>, vector<1024x128xf32> -> vector<1024x128xf32>
    %add3A_295 = arith.addf %dot_general3A_281, %dot_general3A_294 : vector<1024x128xf32>
    %reshape3A_296 = vector.shape_cast %convert_element_type3A_268 : vector<16x64x128xbf16> to vector<1024x128xbf16>
    %get3A_297 = arith.constant 1 : index
    %get3A_298 = arith.constant 2 : index
    %get3A_299 = arith.constant 0 : index
    %get3A_300 = arith.constant 0 : index
    %get3A_301 = vector.load %arg3[%get3A_297, %get3A_298, %get3A_299, %get3A_300] : memref<2x3x128x128xbf16, #tpu.memory_space<vmem>>, vector<1x1x128x128xbf16>
    %get3A_302 = vector.shape_cast %get3A_301 : vector<1x1x128x128xbf16> to vector<128x128xbf16>
    %dot_general3A_303 = arith.constant dense<0.000000e+00> : vector<1024x128xf32>
    %dot_general3A_304 = tpu.matmul %reshape3A_296, %get3A_302, %dot_general3A_303 {dimension_numbers = #tpu.dot_dimension_numbers<[1], [0], [0], [1], [0, 0, 1, 1], [], []>, transpose_lhs_hint = false} : vector<1024x128xbf16>, vector<128x128xbf16>, vector<1024x128xf32> -> vector<1024x128xf32>
    %add3A_305 = arith.addf %add3A_295, %dot_general3A_304 : vector<1024x128xf32>
    %get3A_306 = arith.constant 1 : index
    %get3A_307 = arith.constant 0 : index
    %get3A_308 = vector.load %arg4[%get3A_306, %get3A_307] : memref<2x128xf32, #tpu.memory_space<vmem>>, vector<1x128xf32>
    %get3A_309 = vector.shape_cast %get3A_308 : vector<1x128xf32> to vector<128xf32>
    %broadcast_in_dim3A_310 = vector.shape_cast %get3A_309 : vector<128xf32> to vector<1x128xf32>
    %add3A_311 = vector.broadcast %broadcast_in_dim3A_310 : vector<1x128xf32> to vector<1024x128xf32>
    %add3A_312 = arith.addf %add3A_305, %add3A_311 : vector<1024x128xf32>
    %max3A_313 = arith.constant 0.000000e+00 : f32
    %max3A_314 = vector.broadcast %max3A_313 : f32 to vector<1024x128xf32>
    %max3A_315 = arith.maximumf %add3A_312, %max3A_314 : vector<1024x128xf32>
    %reshape3A_316 = vector.shape_cast %max3A_315 : vector<1024x128xf32> to vector<16x64x128xf32>
    %lt3A_317 = arith.constant 7 : i32
    %lt3A_318 = arith.cmpi slt, %arg1, %lt3A_317 : i32
    %convert_element_type3A_319 = arith.extui %lt3A_318 : i1 to i32
    %cond3A_320 = arith.constant 0 : i32
    %cond3A_321 = arith.cmpi ne, %convert_element_type3A_319, %cond3A_320 : i32
    scf.if %cond3A_321 {
      %swap3A = arith.constant 2 : index
      %swap3A_440 = arith.constant 0 : index
      %swap3A_441 = arith.constant 0 : index
      %swap3A_442 = arith.constant 0 : index
      %swap3A_443 = vector.load %arg5[%swap3A, %swap3A_440, %swap3A_441, %swap3A_442] : memref<4x16x64x128xf32, #tpu.memory_space<vmem>>, vector<1x16x64x128xf32>
      %swap3A_444 = vector.shape_cast %swap3A_443 : vector<1x16x64x128xf32> to vector<16x64x128xf32>
      %swap3A_445 = vector.shape_cast %reshape3A_316 : vector<16x64x128xf32> to vector<1x16x64x128xf32>
      tpu.vector_store %arg5[%swap3A, %swap3A_440, %swap3A_441, %swap3A_442], %swap3A_445 {strides = array<i32>} : memref<4x16x64x128xf32, #tpu.memory_space<vmem>>, vector<1x16x64x128xf32>,
    } else {
    }
    %eq3A_322 = arith.constant 7 : i32
    %eq3A_323 = arith.cmpi eq, %arg1, %eq3A_322 : i32
    %convert_element_type3A_324 = arith.extui %eq3A_323 : i1 to i32
    %cond3A_325 = arith.constant 0 : i32
    %cond3A_326 = arith.cmpi ne, %convert_element_type3A_324, %cond3A_325 : i32
    scf.if %cond3A_326 {
      %swap3A = arith.constant 2 : index
      %swap3A_440 = arith.constant 0 : index
      %swap3A_441 = arith.constant 0 : index
      %swap3A_442 = arith.constant 0 : index
      %swap3A_443 = vector.load %arg6[%swap3A, %swap3A_440, %swap3A_441, %swap3A_442] : memref<4x16x64x128xf32, #tpu.memory_space<vmem>>, vector<1x16x64x128xf32>
      %swap3A_444 = vector.shape_cast %swap3A_443 : vector<1x16x64x128xf32> to vector<16x64x128xf32>
      %swap3A_445 = vector.shape_cast %reshape3A_316 : vector<16x64x128xf32> to vector<1x16x64x128xf32>
      tpu.vector_store %arg6[%swap3A, %swap3A_440, %swap3A_441, %swap3A_442], %swap3A_445 {strides = array<i32>} : memref<4x16x64x128xf32, #tpu.memory_space<vmem>>, vector<1x16x64x128xf32>,
    } else {
    }
    %get3A_327 = arith.constant 3 : index
    %get3A_328 = arith.constant 0 : index
    %get3A_329 = arith.constant 0 : index
    %get3A_330 = arith.constant 0 : index
    %get3A_331 = vector.load %arg2[%get3A_327, %get3A_328, %get3A_329, %get3A_330] : memref<4x16x64x128xbf16, #tpu.memory_space<vmem>>, vector<1x16x64x128xbf16>
    %get3A_332 = vector.shape_cast %get3A_331 : vector<1x16x64x128xbf16> to vector<16x64x128xbf16>
    %broadcast_in_dim3A_333 = arith.constant 0.000000e+00 : bf16
    %broadcast_in_dim3A_334 = vector.broadcast %broadcast_in_dim3A_333 : bf16 to vector<2x64x128xbf16>
    %slice3A_335 = vector.extract_strided_slice %get3A_332 {offsets = [0, 0, 0], sizes = [14, 64, 128], strides = [1, 1, 1]} : vector<16x64x128xbf16> to vector<14x64x128xbf16>
    %concatenate3A_336 = tpu.concatenate %broadcast_in_dim3A_334, %slice3A_335 in 0 : vector<2x64x128xbf16>, vector<14x64x128xbf16> -> vector<16x64x128xbf16>
    %reshape3A_337 = vector.shape_cast %concatenate3A_336 : vector<16x64x128xbf16> to vector<1024x128xbf16>
    %get3A_338 = arith.constant 0 : index
    %get3A_339 = arith.constant 0 : index
    %get3A_340 = arith.constant 0 : index
    %get3A_341 = arith.constant 0 : index
    %get3A_342 = vector.load %arg3[%get3A_338, %get3A_339, %get3A_340, %get3A_341] : memref<2x3x128x128xbf16, #tpu.memory_space<vmem>>, vector<1x1x128x128xbf16>
    %get3A_343 = vector.shape_cast %get3A_342 : vector<1x1x128x128xbf16> to vector<128x128xbf16>
    %dot_general3A_344 = arith.constant dense<0.000000e+00> : vector<1024x128xf32>
    %dot_general3A_345 = tpu.matmul %reshape3A_337, %get3A_343, %dot_general3A_344 {dimension_numbers = #tpu.dot_dimension_numbers<[1], [0], [0], [1], [0, 0, 1, 1], [], []>, transpose_lhs_hint = false} : vector<1024x128xbf16>, vector<128x128xbf16>, vector<1024x128xf32> -> vector<1024x128xf32>
    %broadcast_in_dim3A_346 = arith.constant 0.000000e+00 : bf16
    %broadcast_in_dim3A_347 = vector.broadcast %broadcast_in_dim3A_346 : bf16 to vector<1x64x128xbf16>
    %slice3A_348 = vector.extract_strided_slice %get3A_332 {offsets = [0, 0, 0], sizes = [15, 64, 128], strides = [1, 1, 1]} : vector<16x64x128xbf16> to vector<15x64x128xbf16>
    %concatenate3A_349 = tpu.concatenate %broadcast_in_dim3A_347, %slice3A_348 in 0 : vector<1x64x128xbf16>, vector<15x64x128xbf16> -> vector<16x64x128xbf16>
    %reshape3A_350 = vector.shape_cast %concatenate3A_349 : vector<16x64x128xbf16> to vector<1024x128xbf16>
    %get3A_351 = arith.constant 0 : index
    %get3A_352 = arith.constant 1 : index
    %get3A_353 = arith.constant 0 : index
    %get3A_354 = arith.constant 0 : index
    %get3A_355 = vector.load %arg3[%get3A_351, %get3A_352, %get3A_353, %get3A_354] : memref<2x3x128x128xbf16, #tpu.memory_space<vmem>>, vector<1x1x128x128xbf16>
    %get3A_356 = vector.shape_cast %get3A_355 : vector<1x1x128x128xbf16> to vector<128x128xbf16>
    %dot_general3A_357 = arith.constant dense<0.000000e+00> : vector<1024x128xf32>
    %dot_general3A_358 = tpu.matmul %reshape3A_350, %get3A_356, %dot_general3A_357 {dimension_numbers = #tpu.dot_dimension_numbers<[1], [0], [0], [1], [0, 0, 1, 1], [], []>, transpose_lhs_hint = false} : vector<1024x128xbf16>, vector<128x128xbf16>, vector<1024x128xf32> -> vector<1024x128xf32>
    %add3A_359 = arith.addf %dot_general3A_345, %dot_general3A_358 : vector<1024x128xf32>
    %reshape3A_360 = vector.shape_cast %get3A_332 : vector<16x64x128xbf16> to vector<1024x128xbf16>
    %get3A_361 = arith.constant 0 : index
    %get3A_362 = arith.constant 2 : index
    %get3A_363 = arith.constant 0 : index
    %get3A_364 = arith.constant 0 : index
    %get3A_365 = vector.load %arg3[%get3A_361, %get3A_362, %get3A_363, %get3A_364] : memref<2x3x128x128xbf16, #tpu.memory_space<vmem>>, vector<1x1x128x128xbf16>
    %get3A_366 = vector.shape_cast %get3A_365 : vector<1x1x128x128xbf16> to vector<128x128xbf16>
    %dot_general3A_367 = arith.constant dense<0.000000e+00> : vector<1024x128xf32>
    %dot_general3A_368 = tpu.matmul %reshape3A_360, %get3A_366, %dot_general3A_367 {dimension_numbers = #tpu.dot_dimension_numbers<[1], [0], [0], [1], [0, 0, 1, 1], [], []>, transpose_lhs_hint = false} : vector<1024x128xbf16>, vector<128x128xbf16>, vector<1024x128xf32> -> vector<1024x128xf32>
    %add3A_369 = arith.addf %add3A_359, %dot_general3A_368 : vector<1024x128xf32>
    %get3A_370 = arith.constant 0 : index
    %get3A_371 = arith.constant 0 : index
    %get3A_372 = vector.load %arg4[%get3A_370, %get3A_371] : memref<2x128xf32, #tpu.memory_space<vmem>>, vector<1x128xf32>
    %get3A_373 = vector.shape_cast %get3A_372 : vector<1x128xf32> to vector<128xf32>
    %broadcast_in_dim3A_374 = vector.shape_cast %get3A_373 : vector<128xf32> to vector<1x128xf32>
    %add3A_375 = vector.broadcast %broadcast_in_dim3A_374 : vector<1x128xf32> to vector<1024x128xf32>
    %add3A_376 = arith.addf %add3A_369, %add3A_375 : vector<1024x128xf32>
    %max3A_377 = arith.constant 0.000000e+00 : f32
    %max3A_378 = vector.broadcast %max3A_377 : f32 to vector<1024x128xf32>
    %max3A_379 = arith.maximumf %add3A_376, %max3A_378 : vector<1024x128xf32>
    %reshape3A_380 = vector.shape_cast %max3A_379 : vector<1024x128xf32> to vector<16x64x128xf32>
    %convert_element_type3A_381 = arith.truncf %reshape3A_380 : vector<16x64x128xf32> to vector<16x64x128xbf16>
    %broadcast_in_dim3A_382 = arith.constant 0.000000e+00 : bf16
    %broadcast_in_dim3A_383 = vector.broadcast %broadcast_in_dim3A_382 : bf16 to vector<4x64x128xbf16>
    %slice3A_384 = vector.extract_strided_slice %convert_element_type3A_381 {offsets = [0, 0, 0], sizes = [12, 64, 128], strides = [1, 1, 1]} : vector<16x64x128xbf16> to vector<12x64x128xbf16>
    %concatenate3A_385 = tpu.concatenate %broadcast_in_dim3A_383, %slice3A_384 in 0 : vector<4x64x128xbf16>, vector<12x64x128xbf16> -> vector<16x64x128xbf16>
    %reshape3A_386 = vector.shape_cast %concatenate3A_385 : vector<16x64x128xbf16> to vector<1024x128xbf16>
    %get3A_387 = arith.constant 1 : index
    %get3A_388 = arith.constant 0 : index
    %get3A_389 = arith.constant 0 : index
    %get3A_390 = arith.constant 0 : index
    %get3A_391 = vector.load %arg3[%get3A_387, %get3A_388, %get3A_389, %get3A_390] : memref<2x3x128x128xbf16, #tpu.memory_space<vmem>>, vector<1x1x128x128xbf16>
    %get3A_392 = vector.shape_cast %get3A_391 : vector<1x1x128x128xbf16> to vector<128x128xbf16>
    %dot_general3A_393 = arith.constant dense<0.000000e+00> : vector<1024x128xf32>
    %dot_general3A_394 = tpu.matmul %reshape3A_386, %get3A_392, %dot_general3A_393 {dimension_numbers = #tpu.dot_dimension_numbers<[1], [0], [0], [1], [0, 0, 1, 1], [], []>, transpose_lhs_hint = false} : vector<1024x128xbf16>, vector<128x128xbf16>, vector<1024x128xf32> -> vector<1024x128xf32>
    %broadcast_in_dim3A_395 = arith.constant 0.000000e+00 : bf16
    %broadcast_in_dim3A_396 = vector.broadcast %broadcast_in_dim3A_395 : bf16 to vector<2x64x128xbf16>
    %slice3A_397 = vector.extract_strided_slice %convert_element_type3A_381 {offsets = [0, 0, 0], sizes = [14, 64, 128], strides = [1, 1, 1]} : vector<16x64x128xbf16> to vector<14x64x128xbf16>
    %concatenate3A_398 = tpu.concatenate %broadcast_in_dim3A_396, %slice3A_397 in 0 : vector<2x64x128xbf16>, vector<14x64x128xbf16> -> vector<16x64x128xbf16>
    %reshape3A_399 = vector.shape_cast %concatenate3A_398 : vector<16x64x128xbf16> to vector<1024x128xbf16>
    %get3A_400 = arith.constant 1 : index
    %get3A_401 = arith.constant 1 : index
    %get3A_402 = arith.constant 0 : index
    %get3A_403 = arith.constant 0 : index
    %get3A_404 = vector.load %arg3[%get3A_400, %get3A_401, %get3A_402, %get3A_403] : memref<2x3x128x128xbf16, #tpu.memory_space<vmem>>, vector<1x1x128x128xbf16>
    %get3A_405 = vector.shape_cast %get3A_404 : vector<1x1x128x128xbf16> to vector<128x128xbf16>
    %dot_general3A_406 = arith.constant dense<0.000000e+00> : vector<1024x128xf32>
    %dot_general3A_407 = tpu.matmul %reshape3A_399, %get3A_405, %dot_general3A_406 {dimension_numbers = #tpu.dot_dimension_numbers<[1], [0], [0], [1], [0, 0, 1, 1], [], []>, transpose_lhs_hint = false} : vector<1024x128xbf16>, vector<128x128xbf16>, vector<1024x128xf32> -> vector<1024x128xf32>
    %add3A_408 = arith.addf %dot_general3A_394, %dot_general3A_407 : vector<1024x128xf32>
    %reshape3A_409 = vector.shape_cast %convert_element_type3A_381 : vector<16x64x128xbf16> to vector<1024x128xbf16>
    %get3A_410 = arith.constant 1 : index
    %get3A_411 = arith.constant 2 : index
    %get3A_412 = arith.constant 0 : index
    %get3A_413 = arith.constant 0 : index
    %get3A_414 = vector.load %arg3[%get3A_410, %get3A_411, %get3A_412, %get3A_413] : memref<2x3x128x128xbf16, #tpu.memory_space<vmem>>, vector<1x1x128x128xbf16>
    %get3A_415 = vector.shape_cast %get3A_414 : vector<1x1x128x128xbf16> to vector<128x128xbf16>
    %dot_general3A_416 = arith.constant dense<0.000000e+00> : vector<1024x128xf32>
    %dot_general3A_417 = tpu.matmul %reshape3A_409, %get3A_415, %dot_general3A_416 {dimension_numbers = #tpu.dot_dimension_numbers<[1], [0], [0], [1], [0, 0, 1, 1], [], []>, transpose_lhs_hint = false} : vector<1024x128xbf16>, vector<128x128xbf16>, vector<1024x128xf32> -> vector<1024x128xf32>
    %add3A_418 = arith.addf %add3A_408, %dot_general3A_417 : vector<1024x128xf32>
    %get3A_419 = arith.constant 1 : index
    %get3A_420 = arith.constant 0 : index
    %get3A_421 = vector.load %arg4[%get3A_419, %get3A_420] : memref<2x128xf32, #tpu.memory_space<vmem>>, vector<1x128xf32>
    %get3A_422 = vector.shape_cast %get3A_421 : vector<1x128xf32> to vector<128xf32>
    %broadcast_in_dim3A_423 = vector.shape_cast %get3A_422 : vector<128xf32> to vector<1x128xf32>
    %add3A_424 = vector.broadcast %broadcast_in_dim3A_423 : vector<1x128xf32> to vector<1024x128xf32>
    %add3A_425 = arith.addf %add3A_418, %add3A_424 : vector<1024x128xf32>
    %max3A_426 = arith.constant 0.000000e+00 : f32
    %max3A_427 = vector.broadcast %max3A_426 : f32 to vector<1024x128xf32>
    %max3A_428 = arith.maximumf %add3A_425, %max3A_427 : vector<1024x128xf32>
    %reshape3A_429 = vector.shape_cast %max3A_428 : vector<1024x128xf32> to vector<16x64x128xf32>
    %lt3A_430 = arith.constant 7 : i32
    %lt3A_431 = arith.cmpi slt, %arg1, %lt3A_430 : i32
    %convert_element_type3A_432 = arith.extui %lt3A_431 : i1 to i32
    %cond3A_433 = arith.constant 0 : i32
    %cond3A_434 = arith.cmpi ne, %convert_element_type3A_432, %cond3A_433 : i32
    scf.if %cond3A_434 {
      %swap3A = arith.constant 3 : index
      %swap3A_440 = arith.constant 0 : index
      %swap3A_441 = arith.constant 0 : index
      %swap3A_442 = arith.constant 0 : index
      %swap3A_443 = vector.load %arg5[%swap3A, %swap3A_440, %swap3A_441, %swap3A_442] : memref<4x16x64x128xf32, #tpu.memory_space<vmem>>, vector<1x16x64x128xf32>
      %swap3A_444 = vector.shape_cast %swap3A_443 : vector<1x16x64x128xf32> to vector<16x64x128xf32>
      %swap3A_445 = vector.shape_cast %reshape3A_429 : vector<16x64x128xf32> to vector<1x16x64x128xf32>
      tpu.vector_store %arg5[%swap3A, %swap3A_440, %swap3A_441, %swap3A_442], %swap3A_445 {strides = array<i32>} : memref<4x16x64x128xf32, #tpu.memory_space<vmem>>, vector<1x16x64x128xf32>,
    } else {
    }
    %eq3A_435 = arith.constant 7 : i32
    %eq3A_436 = arith.cmpi eq, %arg1, %eq3A_435 : i32
    %convert_element_type3A_437 = arith.extui %eq3A_436 : i1 to i32
    %cond3A_438 = arith.constant 0 : i32
    %cond3A_439 = arith.cmpi ne, %convert_element_type3A_437, %cond3A_438 : i32
    scf.if %cond3A_439 {
      %swap3A = arith.constant 3 : index
      %swap3A_440 = arith.constant 0 : index
      %swap3A_441 = arith.constant 0 : index
      %swap3A_442 = arith.constant 0 : index
      %swap3A_443 = vector.load %arg6[%swap3A, %swap3A_440, %swap3A_441, %swap3A_442] : memref<4x16x64x128xf32, #tpu.memory_space<vmem>>, vector<1x16x64x128xf32>
      %swap3A_444 = vector.shape_cast %swap3A_443 : vector<1x16x64x128xf32> to vector<16x64x128xf32>
      %swap3A_445 = vector.shape_cast %reshape3A_429 : vector<16x64x128xf32> to vector<1x16x64x128xf32>
      tpu.vector_store %arg6[%swap3A, %swap3A_440, %swap3A_441, %swap3A_442], %swap3A_445 {strides = array<i32>} : memref<4x16x64x128xf32, #tpu.memory_space<vmem>>, vector<1x16x64x128xf32>,
    } else {
    }
    return
  }
  func.func @transform_0(%arg0: i32, %arg1: i32) -> (i32, i32, i32, i32) {
    %c0_i32 = arith.constant 0 : i32
    %c0_i32_0 = arith.constant 0 : i32
    %c0_i32_1 = arith.constant 0 : i32
    return %arg0, %c0_i32, %arg1, %c0_i32_0 : i32, i32, i32, i32
  }
  func.func @transform_1(%arg0: i32, %arg1: i32) -> (i32, i32, i32, i32) {
    %c0_i32 = arith.constant 0 : i32
    %c0_i32_0 = arith.constant 0 : i32
    %c0_i32_1 = arith.constant 0 : i32
    %c0_i32_2 = arith.constant 0 : i32
    %c0_i32_3 = arith.constant 0 : i32
    return %c0_i32, %c0_i32_0, %c0_i32_1, %c0_i32_2 : i32, i32, i32, i32
  }
  func.func @transform_2(%arg0: i32, %arg1: i32) -> (i32, i32) {
    %c0_i32 = arith.constant 0 : i32
    %c0_i32_0 = arith.constant 0 : i32
    %c0_i32_1 = arith.constant 0 : i32
    return %c0_i32, %c0_i32_0 : i32, i32
  }
  func.func @transform_3(%arg0: i32, %arg1: i32) -> (i32, i32, i32, i32) {
    %min3A = arith.constant 6 : i32
    %min3A_0 = arith.minsi %arg1, %min3A : i32
    %c0_i32 = arith.constant 0 : i32
    %c0_i32_1 = arith.constant 0 : i32
    %c0_i32_2 = arith.constant 0 : i32
    return %arg0, %c0_i32, %min3A_0, %c0_i32_1 : i32, i32, i32, i32
  }
  func.func @transform_4(%arg0: i32, %arg1: i32) -> (i32, i32, i32, i32) {
    %c0_i32 = arith.constant 0 : i32
    %c0_i32_0 = arith.constant 0 : i32
    %c0_i32_1 = arith.constant 0 : i32
    %c0_i32_2 = arith.constant 0 : i32
    return %arg0, %c0_i32, %c0_i32_0, %c0_i32_1 : i32, i32, i32, i32
  }
}

module attributes {stable_mosaic.version = 14 : i64} {
  func.func @_gat_body(%arg0: i32, %arg1: memref<16x448x128xf32, #tpu.memory_space<vmem>>, %arg2: memref<16x64x128xf32, #tpu.memory_space<vmem>>, %arg3: memref<512x512xf32, #tpu.memory_space<vmem>>, %arg4: memref<2x128x128xf32, #tpu.memory_space<vmem>>, %arg5: memref<2x128xf32, #tpu.memory_space<vmem>>, %arg6: memref<2x128xf32, #tpu.memory_space<vmem>>, %arg7: memref<2x128xf32, #tpu.memory_space<vmem>>, %arg8: memref<16x512x128xbf16, #tpu.memory_space<vmem>>) attributes {dimension_semantics = [#tpu.dimension_semantics<arbitrary>], iteration_bounds = array<i64: 4>, scalar_prefetch = 0 : i64, scratch_operands = 0 : i64, tpu.core_type = #tpu.core_type<tc>, window_params = [{transform_indices = @transform_0, window_bounds = array<i64: 16, 448, 128>}, {transform_indices = @transform_1, window_bounds = array<i64: 16, 64, 128>}, {pipeline_mode = #tpu.pipeline_mode<synchronous>, transform_indices = @transform_2, window_bounds = array<i64: 512, 512>}, {pipeline_mode = #tpu.pipeline_mode<synchronous>, transform_indices = @transform_3, window_bounds = array<i64: 2, 128, 128>}, {pipeline_mode = #tpu.pipeline_mode<synchronous>, transform_indices = @transform_4, window_bounds = array<i64: 2, 128>}, {pipeline_mode = #tpu.pipeline_mode<synchronous>, transform_indices = @transform_5, window_bounds = array<i64: 2, 128>}, {pipeline_mode = #tpu.pipeline_mode<synchronous>, transform_indices = @transform_6, window_bounds = array<i64: 2, 128>}, {transform_indices = @transform_7, window_bounds = array<i64: 16, 512, 128>}]} {
    %get3A = arith.constant 0 : index
    %get3A_0 = arith.constant 0 : index
    %get3A_1 = vector.load %arg3[%get3A, %get3A_0] : memref<512x512xf32, #tpu.memory_space<vmem>>, vector<512x512xf32>
    %get3A_2 = arith.constant 0 : index
    %get3A_3 = arith.constant 0 : index
    %get3A_4 = arith.constant 0 : index
    %get3A_5 = vector.load %arg1[%get3A_2, %get3A_3, %get3A_4] : memref<16x448x128xf32, #tpu.memory_space<vmem>>, vector<1x448x128xf32>
    %get3A_6 = vector.shape_cast %get3A_5 : vector<1x448x128xf32> to vector<448x128xf32>
    %get3A_7 = arith.constant 0 : index
    %get3A_8 = arith.constant 0 : index
    %get3A_9 = arith.constant 0 : index
    %get3A_10 = vector.load %arg2[%get3A_7, %get3A_8, %get3A_9] : memref<16x64x128xf32, #tpu.memory_space<vmem>>, vector<1x64x128xf32>
    %get3A_11 = vector.shape_cast %get3A_10 : vector<1x64x128xf32> to vector<64x128xf32>
    %concatenate3A = tpu.concatenate %get3A_6, %get3A_11 in 0 : vector<448x128xf32>, vector<64x128xf32> -> vector<512x128xf32>
    %get3A_12 = arith.constant 0 : index
    %get3A_13 = arith.constant 0 : index
    %get3A_14 = arith.constant 0 : index
    %get3A_15 = vector.load %arg4[%get3A_12, %get3A_13, %get3A_14] : memref<2x128x128xf32, #tpu.memory_space<vmem>>, vector<1x128x128xf32>
    %get3A_16 = vector.shape_cast %get3A_15 : vector<1x128x128xf32> to vector<128x128xf32>
    %convert_element_type3A = arith.truncf %concatenate3A : vector<512x128xf32> to vector<512x128xbf16>
    %convert_element_type3A_17 = arith.truncf %get3A_16 : vector<128x128xf32> to vector<128x128xbf16>
    %dot_general3A = arith.constant dense<0.000000e+00> : vector<512x128xf32>
    %dot_general3A_18 = tpu.matmul %convert_element_type3A, %convert_element_type3A_17, %dot_general3A {dimension_numbers = #tpu.dot_dimension_numbers<[1], [1], [0], [0], [0, 0, 1, 0], [], []>, transpose_lhs_hint = false} : vector<512x128xbf16>, vector<128x128xbf16>, vector<512x128xf32> -> vector<512x128xf32>
    %get3A_19 = arith.constant 0 : index
    %get3A_20 = arith.constant 0 : index
    %get3A_21 = vector.load %arg5[%get3A_19, %get3A_20] : memref<2x128xf32, #tpu.memory_space<vmem>>, vector<1x128xf32>
    %get3A_22 = arith.constant 0 : index
    %get3A_23 = arith.constant 0 : index
    %get3A_24 = vector.load %arg6[%get3A_22, %get3A_23] : memref<2x128xf32, #tpu.memory_space<vmem>>, vector<1x128xf32>
    %concatenate3A_25 = tpu.concatenate %get3A_21, %get3A_24 in 0 : vector<1x128xf32>, vector<1x128xf32> -> vector<2x128xf32>
    %dot_general3A_26 = arith.constant dense<0.000000e+00> : vector<2x128xf32>
    %dot_general3A_27 = tpu.matmul %concatenate3A_25, %get3A_16, %dot_general3A_26 {dimension_numbers = #tpu.dot_dimension_numbers<[1], [0], [0], [1], [0, 0, 1, 1], [], []>, transpose_lhs_hint = false} : vector<2x128xf32>, vector<128x128xf32>, vector<2x128xf32> -> vector<2x128xf32>
    %dot_general3A_28 = arith.constant dense<0.000000e+00> : vector<2x512xf32>
    %dot_general3A_29 = tpu.matmul %dot_general3A_27, %concatenate3A, %dot_general3A_28 {dimension_numbers = #tpu.dot_dimension_numbers<[1], [1], [0], [0], [0, 0, 1, 0], [], []>, transpose_lhs_hint = false} : vector<2x128xf32>, vector<512x128xf32>, vector<2x512xf32> -> vector<2x512xf32>
    %dot_general3A_30 = arith.constant dense<0.000000e+00> : vector<512x2xf32>
    %dot_general3A_31 = tpu.matmul %concatenate3A, %dot_general3A_27, %dot_general3A_30 {dimension_numbers = #tpu.dot_dimension_numbers<[1], [1], [0], [0], [0, 0, 1, 0], [], []>, transpose_lhs_hint = false} : vector<512x128xf32>, vector<2x128xf32>, vector<512x2xf32> -> vector<512x2xf32>
    %slice3A = vector.extract_strided_slice %dot_general3A_29 {offsets = [0, 0], sizes = [1, 512], strides = [1, 1]} : vector<2x512xf32> to vector<1x512xf32>
    %slice3A_32 = vector.extract_strided_slice %dot_general3A_31 {offsets = [0, 1], sizes = [512, 1], strides = [1, 1]} : vector<512x2xf32> to vector<512x1xf32>
    %reduce_max3A = vector.shape_cast %slice3A : vector<1x512xf32> to vector<1x1x512xf32>
    %reduce_max3A_33 = arith.constant dense<0xFF800000> : vector<1xf32>
    %reduce_max3A_34 = vector.multi_reduction <maximumf>, %reduce_max3A, %reduce_max3A_33 [1, 2] : vector<1x1x512xf32> to vector<1xf32>
    %reduce_max3A_35 = vector.shape_cast %reduce_max3A_34 : vector<1xf32> to vector<1x1x1xf32>
    %reduce_max3A_36 = vector.extract %reduce_max3A_35[0, 0, 0] : f32 from vector<1x1x1xf32>
    %add3A = vector.broadcast %reduce_max3A_36 : f32 to vector<512x1xf32>
    %add3A_37 = arith.addf %slice3A_32, %add3A : vector<512x1xf32>
    %mul3A = arith.constant 2.000000e-01 : f32
    %mul3A_38 = vector.broadcast %mul3A : f32 to vector<512x1xf32>
    %mul3A_39 = arith.mulf %mul3A_38, %add3A_37 : vector<512x1xf32>
    %max3A = arith.maximumf %add3A_37, %mul3A_39 : vector<512x1xf32>
    %add3A_40 = vector.broadcast %slice3A_32 : vector<512x1xf32> to vector<512x512xf32>
    %add3A_41 = vector.broadcast %slice3A : vector<1x512xf32> to vector<512x512xf32>
    %add3A_42 = arith.addf %add3A_40, %add3A_41 : vector<512x512xf32>
    %mul3A_43 = arith.constant 2.000000e-01 : f32
    %mul3A_44 = vector.broadcast %mul3A_43 : f32 to vector<512x512xf32>
    %mul3A_45 = arith.mulf %mul3A_44, %add3A_42 : vector<512x512xf32>
    %max3A_46 = arith.maximumf %add3A_42, %mul3A_45 : vector<512x512xf32>
    %sub3A = vector.broadcast %max3A : vector<512x1xf32> to vector<512x512xf32>
    %sub3A_47 = arith.subf %max3A_46, %sub3A : vector<512x512xf32>
    %exp3A = math.exp %sub3A_47 : vector<512x512xf32>
    %mul3A_48 = arith.mulf %get3A_1, %exp3A : vector<512x512xf32>
    %reduce_sum3A = arith.constant dense<0.000000e+00> : vector<512xf32>
    %reduce_sum3A_49 = vector.multi_reduction <add>, %mul3A_48, %reduce_sum3A [1] : vector<512x512xf32> to vector<512xf32>
    %broadcast_in_dim3A = vector.shape_cast %reduce_sum3A_49 : vector<512xf32> to vector<512x1xf32>
    %convert_element_type3A_50 = arith.truncf %mul3A_48 : vector<512x512xf32> to vector<512x512xbf16>
    %convert_element_type3A_51 = arith.truncf %dot_general3A_18 : vector<512x128xf32> to vector<512x128xbf16>
    %dot_general3A_52 = arith.constant dense<0.000000e+00> : vector<512x128xf32>
    %dot_general3A_53 = tpu.matmul %convert_element_type3A_50, %convert_element_type3A_51, %dot_general3A_52 {dimension_numbers = #tpu.dot_dimension_numbers<[1], [0], [0], [1], [0, 0, 1, 1], [], []>, transpose_lhs_hint = false} : vector<512x512xbf16>, vector<512x128xbf16>, vector<512x128xf32> -> vector<512x128xf32>
    %add3A_54 = arith.constant 1.000000e-16 : f32
    %add3A_55 = vector.broadcast %add3A_54 : f32 to vector<512x1xf32>
    %add3A_56 = arith.addf %broadcast_in_dim3A, %add3A_55 : vector<512x1xf32>
    %div3A = vector.broadcast %add3A_56 : vector<512x1xf32> to vector<512x128xf32>
    %div3A_57 = arith.divf %dot_general3A_53, %div3A : vector<512x128xf32>
    %get3A_58 = arith.constant 0 : index
    %get3A_59 = arith.constant 0 : index
    %get3A_60 = vector.load %arg7[%get3A_58, %get3A_59] : memref<2x128xf32, #tpu.memory_space<vmem>>, vector<1x128xf32>
    %get3A_61 = vector.shape_cast %get3A_60 : vector<1x128xf32> to vector<128xf32>
    %broadcast_in_dim3A_62 = vector.shape_cast %get3A_61 : vector<128xf32> to vector<1x128xf32>
    %add3A_63 = vector.broadcast %broadcast_in_dim3A_62 : vector<1x128xf32> to vector<512x128xf32>
    %add3A_64 = arith.addf %div3A_57, %add3A_63 : vector<512x128xf32>
    %max3A_65 = arith.constant 0.000000e+00 : f32
    %max3A_66 = vector.broadcast %max3A_65 : f32 to vector<512x128xf32>
    %max3A_67 = arith.maximumf %add3A_64, %max3A_66 : vector<512x128xf32>
    %get3A_68 = arith.constant 1 : index
    %get3A_69 = arith.constant 0 : index
    %get3A_70 = arith.constant 0 : index
    %get3A_71 = vector.load %arg4[%get3A_68, %get3A_69, %get3A_70] : memref<2x128x128xf32, #tpu.memory_space<vmem>>, vector<1x128x128xf32>
    %get3A_72 = vector.shape_cast %get3A_71 : vector<1x128x128xf32> to vector<128x128xf32>
    %convert_element_type3A_73 = arith.truncf %max3A_67 : vector<512x128xf32> to vector<512x128xbf16>
    %convert_element_type3A_74 = arith.truncf %get3A_72 : vector<128x128xf32> to vector<128x128xbf16>
    %dot_general3A_75 = arith.constant dense<0.000000e+00> : vector<512x128xf32>
    %dot_general3A_76 = tpu.matmul %convert_element_type3A_73, %convert_element_type3A_74, %dot_general3A_75 {dimension_numbers = #tpu.dot_dimension_numbers<[1], [1], [0], [0], [0, 0, 1, 0], [], []>, transpose_lhs_hint = false} : vector<512x128xbf16>, vector<128x128xbf16>, vector<512x128xf32> -> vector<512x128xf32>
    %get3A_77 = arith.constant 1 : index
    %get3A_78 = arith.constant 0 : index
    %get3A_79 = vector.load %arg5[%get3A_77, %get3A_78] : memref<2x128xf32, #tpu.memory_space<vmem>>, vector<1x128xf32>
    %get3A_80 = arith.constant 1 : index
    %get3A_81 = arith.constant 0 : index
    %get3A_82 = vector.load %arg6[%get3A_80, %get3A_81] : memref<2x128xf32, #tpu.memory_space<vmem>>, vector<1x128xf32>
    %concatenate3A_83 = tpu.concatenate %get3A_79, %get3A_82 in 0 : vector<1x128xf32>, vector<1x128xf32> -> vector<2x128xf32>
    %dot_general3A_84 = arith.constant dense<0.000000e+00> : vector<2x128xf32>
    %dot_general3A_85 = tpu.matmul %concatenate3A_83, %get3A_72, %dot_general3A_84 {dimension_numbers = #tpu.dot_dimension_numbers<[1], [0], [0], [1], [0, 0, 1, 1], [], []>, transpose_lhs_hint = false} : vector<2x128xf32>, vector<128x128xf32>, vector<2x128xf32> -> vector<2x128xf32>
    %dot_general3A_86 = arith.constant dense<0.000000e+00> : vector<2x512xf32>
    %dot_general3A_87 = tpu.matmul %dot_general3A_85, %max3A_67, %dot_general3A_86 {dimension_numbers = #tpu.dot_dimension_numbers<[1], [1], [0], [0], [0, 0, 1, 0], [], []>, transpose_lhs_hint = false} : vector<2x128xf32>, vector<512x128xf32>, vector<2x512xf32> -> vector<2x512xf32>
    %dot_general3A_88 = arith.constant dense<0.000000e+00> : vector<512x2xf32>
    %dot_general3A_89 = tpu.matmul %max3A_67, %dot_general3A_85, %dot_general3A_88 {dimension_numbers = #tpu.dot_dimension_numbers<[1], [1], [0], [0], [0, 0, 1, 0], [], []>, transpose_lhs_hint = false} : vector<512x128xf32>, vector<2x128xf32>, vector<512x2xf32> -> vector<512x2xf32>
    %slice3A_90 = vector.extract_strided_slice %dot_general3A_87 {offsets = [0, 0], sizes = [1, 512], strides = [1, 1]} : vector<2x512xf32> to vector<1x512xf32>
    %slice3A_91 = vector.extract_strided_slice %dot_general3A_89 {offsets = [0, 1], sizes = [512, 1], strides = [1, 1]} : vector<512x2xf32> to vector<512x1xf32>
    %reduce_max3A_92 = vector.shape_cast %slice3A_90 : vector<1x512xf32> to vector<1x1x512xf32>
    %reduce_max3A_93 = arith.constant dense<0xFF800000> : vector<1xf32>
    %reduce_max3A_94 = vector.multi_reduction <maximumf>, %reduce_max3A_92, %reduce_max3A_93 [1, 2] : vector<1x1x512xf32> to vector<1xf32>
    %reduce_max3A_95 = vector.shape_cast %reduce_max3A_94 : vector<1xf32> to vector<1x1x1xf32>
    %reduce_max3A_96 = vector.extract %reduce_max3A_95[0, 0, 0] : f32 from vector<1x1x1xf32>
    %add3A_97 = vector.broadcast %reduce_max3A_96 : f32 to vector<512x1xf32>
    %add3A_98 = arith.addf %slice3A_91, %add3A_97 : vector<512x1xf32>
    %mul3A_99 = arith.constant 2.000000e-01 : f32
    %mul3A_100 = vector.broadcast %mul3A_99 : f32 to vector<512x1xf32>
    %mul3A_101 = arith.mulf %mul3A_100, %add3A_98 : vector<512x1xf32>
    %max3A_102 = arith.maximumf %add3A_98, %mul3A_101 : vector<512x1xf32>
    %add3A_103 = vector.broadcast %slice3A_91 : vector<512x1xf32> to vector<512x512xf32>
    %add3A_104 = vector.broadcast %slice3A_90 : vector<1x512xf32> to vector<512x512xf32>
    %add3A_105 = arith.addf %add3A_103, %add3A_104 : vector<512x512xf32>
    %mul3A_106 = arith.constant 2.000000e-01 : f32
    %mul3A_107 = vector.broadcast %mul3A_106 : f32 to vector<512x512xf32>
    %mul3A_108 = arith.mulf %mul3A_107, %add3A_105 : vector<512x512xf32>
    %max3A_109 = arith.maximumf %add3A_105, %mul3A_108 : vector<512x512xf32>
    %sub3A_110 = vector.broadcast %max3A_102 : vector<512x1xf32> to vector<512x512xf32>
    %sub3A_111 = arith.subf %max3A_109, %sub3A_110 : vector<512x512xf32>
    %exp3A_112 = math.exp %sub3A_111 : vector<512x512xf32>
    %mul3A_113 = arith.mulf %get3A_1, %exp3A_112 : vector<512x512xf32>
    %reduce_sum3A_114 = arith.constant dense<0.000000e+00> : vector<512xf32>
    %reduce_sum3A_115 = vector.multi_reduction <add>, %mul3A_113, %reduce_sum3A_114 [1] : vector<512x512xf32> to vector<512xf32>
    %broadcast_in_dim3A_116 = vector.shape_cast %reduce_sum3A_115 : vector<512xf32> to vector<512x1xf32>
    %convert_element_type3A_117 = arith.truncf %mul3A_113 : vector<512x512xf32> to vector<512x512xbf16>
    %convert_element_type3A_118 = arith.truncf %dot_general3A_76 : vector<512x128xf32> to vector<512x128xbf16>
    %dot_general3A_119 = arith.constant dense<0.000000e+00> : vector<512x128xf32>
    %dot_general3A_120 = tpu.matmul %convert_element_type3A_117, %convert_element_type3A_118, %dot_general3A_119 {dimension_numbers = #tpu.dot_dimension_numbers<[1], [0], [0], [1], [0, 0, 1, 1], [], []>, transpose_lhs_hint = false} : vector<512x512xbf16>, vector<512x128xbf16>, vector<512x128xf32> -> vector<512x128xf32>
    %add3A_121 = arith.constant 1.000000e-16 : f32
    %add3A_122 = vector.broadcast %add3A_121 : f32 to vector<512x1xf32>
    %add3A_123 = arith.addf %broadcast_in_dim3A_116, %add3A_122 : vector<512x1xf32>
    %div3A_124 = vector.broadcast %add3A_123 : vector<512x1xf32> to vector<512x128xf32>
    %div3A_125 = arith.divf %dot_general3A_120, %div3A_124 : vector<512x128xf32>
    %get3A_126 = arith.constant 1 : index
    %get3A_127 = arith.constant 0 : index
    %get3A_128 = vector.load %arg7[%get3A_126, %get3A_127] : memref<2x128xf32, #tpu.memory_space<vmem>>, vector<1x128xf32>
    %get3A_129 = vector.shape_cast %get3A_128 : vector<1x128xf32> to vector<128xf32>
    %broadcast_in_dim3A_130 = vector.shape_cast %get3A_129 : vector<128xf32> to vector<1x128xf32>
    %add3A_131 = vector.broadcast %broadcast_in_dim3A_130 : vector<1x128xf32> to vector<512x128xf32>
    %add3A_132 = arith.addf %div3A_125, %add3A_131 : vector<512x128xf32>
    %max3A_133 = arith.constant 0.000000e+00 : f32
    %max3A_134 = vector.broadcast %max3A_133 : f32 to vector<512x128xf32>
    %max3A_135 = arith.maximumf %add3A_132, %max3A_134 : vector<512x128xf32>
    %convert_element_type3A_136 = arith.truncf %max3A_135 : vector<512x128xf32> to vector<512x128xbf16>
    %swap3A = arith.constant 0 : index
    %swap3A_137 = arith.constant 0 : index
    %swap3A_138 = arith.constant 0 : index
    %swap3A_139 = vector.load %arg8[%swap3A, %swap3A_137, %swap3A_138] : memref<16x512x128xbf16, #tpu.memory_space<vmem>>, vector<1x512x128xbf16>
    %swap3A_140 = vector.shape_cast %swap3A_139 : vector<1x512x128xbf16> to vector<512x128xbf16>
    %swap3A_141 = vector.shape_cast %convert_element_type3A_136 : vector<512x128xbf16> to vector<1x512x128xbf16>
    tpu.vector_store %arg8[%swap3A, %swap3A_137, %swap3A_138], %swap3A_141 {strides = array<i32>} : memref<16x512x128xbf16, #tpu.memory_space<vmem>>, vector<1x512x128xbf16>,
    %get3A_142 = arith.constant 1 : index
    %get3A_143 = arith.constant 0 : index
    %get3A_144 = arith.constant 0 : index
    %get3A_145 = vector.load %arg1[%get3A_142, %get3A_143, %get3A_144] : memref<16x448x128xf32, #tpu.memory_space<vmem>>, vector<1x448x128xf32>
    %get3A_146 = vector.shape_cast %get3A_145 : vector<1x448x128xf32> to vector<448x128xf32>
    %get3A_147 = arith.constant 1 : index
    %get3A_148 = arith.constant 0 : index
    %get3A_149 = arith.constant 0 : index
    %get3A_150 = vector.load %arg2[%get3A_147, %get3A_148, %get3A_149] : memref<16x64x128xf32, #tpu.memory_space<vmem>>, vector<1x64x128xf32>
    %get3A_151 = vector.shape_cast %get3A_150 : vector<1x64x128xf32> to vector<64x128xf32>
    %concatenate3A_152 = tpu.concatenate %get3A_146, %get3A_151 in 0 : vector<448x128xf32>, vector<64x128xf32> -> vector<512x128xf32>
    %get3A_153 = arith.constant 0 : index
    %get3A_154 = arith.constant 0 : index
    %get3A_155 = arith.constant 0 : index
    %get3A_156 = vector.load %arg4[%get3A_153, %get3A_154, %get3A_155] : memref<2x128x128xf32, #tpu.memory_space<vmem>>, vector<1x128x128xf32>
    %get3A_157 = vector.shape_cast %get3A_156 : vector<1x128x128xf32> to vector<128x128xf32>
    %convert_element_type3A_158 = arith.truncf %concatenate3A_152 : vector<512x128xf32> to vector<512x128xbf16>
    %convert_element_type3A_159 = arith.truncf %get3A_157 : vector<128x128xf32> to vector<128x128xbf16>
    %dot_general3A_160 = arith.constant dense<0.000000e+00> : vector<512x128xf32>
    %dot_general3A_161 = tpu.matmul %convert_element_type3A_158, %convert_element_type3A_159, %dot_general3A_160 {dimension_numbers = #tpu.dot_dimension_numbers<[1], [1], [0], [0], [0, 0, 1, 0], [], []>, transpose_lhs_hint = false} : vector<512x128xbf16>, vector<128x128xbf16>, vector<512x128xf32> -> vector<512x128xf32>
    %get3A_162 = arith.constant 0 : index
    %get3A_163 = arith.constant 0 : index
    %get3A_164 = vector.load %arg5[%get3A_162, %get3A_163] : memref<2x128xf32, #tpu.memory_space<vmem>>, vector<1x128xf32>
    %get3A_165 = arith.constant 0 : index
    %get3A_166 = arith.constant 0 : index
    %get3A_167 = vector.load %arg6[%get3A_165, %get3A_166] : memref<2x128xf32, #tpu.memory_space<vmem>>, vector<1x128xf32>
    %concatenate3A_168 = tpu.concatenate %get3A_164, %get3A_167 in 0 : vector<1x128xf32>, vector<1x128xf32> -> vector<2x128xf32>
    %dot_general3A_169 = arith.constant dense<0.000000e+00> : vector<2x128xf32>
    %dot_general3A_170 = tpu.matmul %concatenate3A_168, %get3A_157, %dot_general3A_169 {dimension_numbers = #tpu.dot_dimension_numbers<[1], [0], [0], [1], [0, 0, 1, 1], [], []>, transpose_lhs_hint = false} : vector<2x128xf32>, vector<128x128xf32>, vector<2x128xf32> -> vector<2x128xf32>
    %dot_general3A_171 = arith.constant dense<0.000000e+00> : vector<2x512xf32>
    %dot_general3A_172 = tpu.matmul %dot_general3A_170, %concatenate3A_152, %dot_general3A_171 {dimension_numbers = #tpu.dot_dimension_numbers<[1], [1], [0], [0], [0, 0, 1, 0], [], []>, transpose_lhs_hint = false} : vector<2x128xf32>, vector<512x128xf32>, vector<2x512xf32> -> vector<2x512xf32>
    %dot_general3A_173 = arith.constant dense<0.000000e+00> : vector<512x2xf32>
    %dot_general3A_174 = tpu.matmul %concatenate3A_152, %dot_general3A_170, %dot_general3A_173 {dimension_numbers = #tpu.dot_dimension_numbers<[1], [1], [0], [0], [0, 0, 1, 0], [], []>, transpose_lhs_hint = false} : vector<512x128xf32>, vector<2x128xf32>, vector<512x2xf32> -> vector<512x2xf32>
    %slice3A_175 = vector.extract_strided_slice %dot_general3A_172 {offsets = [0, 0], sizes = [1, 512], strides = [1, 1]} : vector<2x512xf32> to vector<1x512xf32>
    %slice3A_176 = vector.extract_strided_slice %dot_general3A_174 {offsets = [0, 1], sizes = [512, 1], strides = [1, 1]} : vector<512x2xf32> to vector<512x1xf32>
    %reduce_max3A_177 = vector.shape_cast %slice3A_175 : vector<1x512xf32> to vector<1x1x512xf32>
    %reduce_max3A_178 = arith.constant dense<0xFF800000> : vector<1xf32>
    %reduce_max3A_179 = vector.multi_reduction <maximumf>, %reduce_max3A_177, %reduce_max3A_178 [1, 2] : vector<1x1x512xf32> to vector<1xf32>
    %reduce_max3A_180 = vector.shape_cast %reduce_max3A_179 : vector<1xf32> to vector<1x1x1xf32>
    %reduce_max3A_181 = vector.extract %reduce_max3A_180[0, 0, 0] : f32 from vector<1x1x1xf32>
    %add3A_182 = vector.broadcast %reduce_max3A_181 : f32 to vector<512x1xf32>
    %add3A_183 = arith.addf %slice3A_176, %add3A_182 : vector<512x1xf32>
    %mul3A_184 = arith.constant 2.000000e-01 : f32
    %mul3A_185 = vector.broadcast %mul3A_184 : f32 to vector<512x1xf32>
    %mul3A_186 = arith.mulf %mul3A_185, %add3A_183 : vector<512x1xf32>
    %max3A_187 = arith.maximumf %add3A_183, %mul3A_186 : vector<512x1xf32>
    %add3A_188 = vector.broadcast %slice3A_176 : vector<512x1xf32> to vector<512x512xf32>
    %add3A_189 = vector.broadcast %slice3A_175 : vector<1x512xf32> to vector<512x512xf32>
    %add3A_190 = arith.addf %add3A_188, %add3A_189 : vector<512x512xf32>
    %mul3A_191 = arith.constant 2.000000e-01 : f32
    %mul3A_192 = vector.broadcast %mul3A_191 : f32 to vector<512x512xf32>
    %mul3A_193 = arith.mulf %mul3A_192, %add3A_190 : vector<512x512xf32>
    %max3A_194 = arith.maximumf %add3A_190, %mul3A_193 : vector<512x512xf32>
    %sub3A_195 = vector.broadcast %max3A_187 : vector<512x1xf32> to vector<512x512xf32>
    %sub3A_196 = arith.subf %max3A_194, %sub3A_195 : vector<512x512xf32>
    %exp3A_197 = math.exp %sub3A_196 : vector<512x512xf32>
    %mul3A_198 = arith.mulf %get3A_1, %exp3A_197 : vector<512x512xf32>
    %reduce_sum3A_199 = arith.constant dense<0.000000e+00> : vector<512xf32>
    %reduce_sum3A_200 = vector.multi_reduction <add>, %mul3A_198, %reduce_sum3A_199 [1] : vector<512x512xf32> to vector<512xf32>
    %broadcast_in_dim3A_201 = vector.shape_cast %reduce_sum3A_200 : vector<512xf32> to vector<512x1xf32>
    %convert_element_type3A_202 = arith.truncf %mul3A_198 : vector<512x512xf32> to vector<512x512xbf16>
    %convert_element_type3A_203 = arith.truncf %dot_general3A_161 : vector<512x128xf32> to vector<512x128xbf16>
    %dot_general3A_204 = arith.constant dense<0.000000e+00> : vector<512x128xf32>
    %dot_general3A_205 = tpu.matmul %convert_element_type3A_202, %convert_element_type3A_203, %dot_general3A_204 {dimension_numbers = #tpu.dot_dimension_numbers<[1], [0], [0], [1], [0, 0, 1, 1], [], []>, transpose_lhs_hint = false} : vector<512x512xbf16>, vector<512x128xbf16>, vector<512x128xf32> -> vector<512x128xf32>
    %add3A_206 = arith.constant 1.000000e-16 : f32
    %add3A_207 = vector.broadcast %add3A_206 : f32 to vector<512x1xf32>
    %add3A_208 = arith.addf %broadcast_in_dim3A_201, %add3A_207 : vector<512x1xf32>
    %div3A_209 = vector.broadcast %add3A_208 : vector<512x1xf32> to vector<512x128xf32>
    %div3A_210 = arith.divf %dot_general3A_205, %div3A_209 : vector<512x128xf32>
    %get3A_211 = arith.constant 0 : index
    %get3A_212 = arith.constant 0 : index
    %get3A_213 = vector.load %arg7[%get3A_211, %get3A_212] : memref<2x128xf32, #tpu.memory_space<vmem>>, vector<1x128xf32>
    %get3A_214 = vector.shape_cast %get3A_213 : vector<1x128xf32> to vector<128xf32>
    %broadcast_in_dim3A_215 = vector.shape_cast %get3A_214 : vector<128xf32> to vector<1x128xf32>
    %add3A_216 = vector.broadcast %broadcast_in_dim3A_215 : vector<1x128xf32> to vector<512x128xf32>
    %add3A_217 = arith.addf %div3A_210, %add3A_216 : vector<512x128xf32>
    %max3A_218 = arith.constant 0.000000e+00 : f32
    %max3A_219 = vector.broadcast %max3A_218 : f32 to vector<512x128xf32>
    %max3A_220 = arith.maximumf %add3A_217, %max3A_219 : vector<512x128xf32>
    %get3A_221 = arith.constant 1 : index
    %get3A_222 = arith.constant 0 : index
    %get3A_223 = arith.constant 0 : index
    %get3A_224 = vector.load %arg4[%get3A_221, %get3A_222, %get3A_223] : memref<2x128x128xf32, #tpu.memory_space<vmem>>, vector<1x128x128xf32>
    %get3A_225 = vector.shape_cast %get3A_224 : vector<1x128x128xf32> to vector<128x128xf32>
    %convert_element_type3A_226 = arith.truncf %max3A_220 : vector<512x128xf32> to vector<512x128xbf16>
    %convert_element_type3A_227 = arith.truncf %get3A_225 : vector<128x128xf32> to vector<128x128xbf16>
    %dot_general3A_228 = arith.constant dense<0.000000e+00> : vector<512x128xf32>
    %dot_general3A_229 = tpu.matmul %convert_element_type3A_226, %convert_element_type3A_227, %dot_general3A_228 {dimension_numbers = #tpu.dot_dimension_numbers<[1], [1], [0], [0], [0, 0, 1, 0], [], []>, transpose_lhs_hint = false} : vector<512x128xbf16>, vector<128x128xbf16>, vector<512x128xf32> -> vector<512x128xf32>
    %get3A_230 = arith.constant 1 : index
    %get3A_231 = arith.constant 0 : index
    %get3A_232 = vector.load %arg5[%get3A_230, %get3A_231] : memref<2x128xf32, #tpu.memory_space<vmem>>, vector<1x128xf32>
    %get3A_233 = arith.constant 1 : index
    %get3A_234 = arith.constant 0 : index
    %get3A_235 = vector.load %arg6[%get3A_233, %get3A_234] : memref<2x128xf32, #tpu.memory_space<vmem>>, vector<1x128xf32>
    %concatenate3A_236 = tpu.concatenate %get3A_232, %get3A_235 in 0 : vector<1x128xf32>, vector<1x128xf32> -> vector<2x128xf32>
    %dot_general3A_237 = arith.constant dense<0.000000e+00> : vector<2x128xf32>
    %dot_general3A_238 = tpu.matmul %concatenate3A_236, %get3A_225, %dot_general3A_237 {dimension_numbers = #tpu.dot_dimension_numbers<[1], [0], [0], [1], [0, 0, 1, 1], [], []>, transpose_lhs_hint = false} : vector<2x128xf32>, vector<128x128xf32>, vector<2x128xf32> -> vector<2x128xf32>
    %dot_general3A_239 = arith.constant dense<0.000000e+00> : vector<2x512xf32>
    %dot_general3A_240 = tpu.matmul %dot_general3A_238, %max3A_220, %dot_general3A_239 {dimension_numbers = #tpu.dot_dimension_numbers<[1], [1], [0], [0], [0, 0, 1, 0], [], []>, transpose_lhs_hint = false} : vector<2x128xf32>, vector<512x128xf32>, vector<2x512xf32> -> vector<2x512xf32>
    %dot_general3A_241 = arith.constant dense<0.000000e+00> : vector<512x2xf32>
    %dot_general3A_242 = tpu.matmul %max3A_220, %dot_general3A_238, %dot_general3A_241 {dimension_numbers = #tpu.dot_dimension_numbers<[1], [1], [0], [0], [0, 0, 1, 0], [], []>, transpose_lhs_hint = false} : vector<512x128xf32>, vector<2x128xf32>, vector<512x2xf32> -> vector<512x2xf32>
    %slice3A_243 = vector.extract_strided_slice %dot_general3A_240 {offsets = [0, 0], sizes = [1, 512], strides = [1, 1]} : vector<2x512xf32> to vector<1x512xf32>
    %slice3A_244 = vector.extract_strided_slice %dot_general3A_242 {offsets = [0, 1], sizes = [512, 1], strides = [1, 1]} : vector<512x2xf32> to vector<512x1xf32>
    %reduce_max3A_245 = vector.shape_cast %slice3A_243 : vector<1x512xf32> to vector<1x1x512xf32>
    %reduce_max3A_246 = arith.constant dense<0xFF800000> : vector<1xf32>
    %reduce_max3A_247 = vector.multi_reduction <maximumf>, %reduce_max3A_245, %reduce_max3A_246 [1, 2] : vector<1x1x512xf32> to vector<1xf32>
    %reduce_max3A_248 = vector.shape_cast %reduce_max3A_247 : vector<1xf32> to vector<1x1x1xf32>
    %reduce_max3A_249 = vector.extract %reduce_max3A_248[0, 0, 0] : f32 from vector<1x1x1xf32>
    %add3A_250 = vector.broadcast %reduce_max3A_249 : f32 to vector<512x1xf32>
    %add3A_251 = arith.addf %slice3A_244, %add3A_250 : vector<512x1xf32>
    %mul3A_252 = arith.constant 2.000000e-01 : f32
    %mul3A_253 = vector.broadcast %mul3A_252 : f32 to vector<512x1xf32>
    %mul3A_254 = arith.mulf %mul3A_253, %add3A_251 : vector<512x1xf32>
    %max3A_255 = arith.maximumf %add3A_251, %mul3A_254 : vector<512x1xf32>
    %add3A_256 = vector.broadcast %slice3A_244 : vector<512x1xf32> to vector<512x512xf32>
    %add3A_257 = vector.broadcast %slice3A_243 : vector<1x512xf32> to vector<512x512xf32>
    %add3A_258 = arith.addf %add3A_256, %add3A_257 : vector<512x512xf32>
    %mul3A_259 = arith.constant 2.000000e-01 : f32
    %mul3A_260 = vector.broadcast %mul3A_259 : f32 to vector<512x512xf32>
    %mul3A_261 = arith.mulf %mul3A_260, %add3A_258 : vector<512x512xf32>
    %max3A_262 = arith.maximumf %add3A_258, %mul3A_261 : vector<512x512xf32>
    %sub3A_263 = vector.broadcast %max3A_255 : vector<512x1xf32> to vector<512x512xf32>
    %sub3A_264 = arith.subf %max3A_262, %sub3A_263 : vector<512x512xf32>
    %exp3A_265 = math.exp %sub3A_264 : vector<512x512xf32>
    %mul3A_266 = arith.mulf %get3A_1, %exp3A_265 : vector<512x512xf32>
    %reduce_sum3A_267 = arith.constant dense<0.000000e+00> : vector<512xf32>
    %reduce_sum3A_268 = vector.multi_reduction <add>, %mul3A_266, %reduce_sum3A_267 [1] : vector<512x512xf32> to vector<512xf32>
    %broadcast_in_dim3A_269 = vector.shape_cast %reduce_sum3A_268 : vector<512xf32> to vector<512x1xf32>
    %convert_element_type3A_270 = arith.truncf %mul3A_266 : vector<512x512xf32> to vector<512x512xbf16>
    %convert_element_type3A_271 = arith.truncf %dot_general3A_229 : vector<512x128xf32> to vector<512x128xbf16>
    %dot_general3A_272 = arith.constant dense<0.000000e+00> : vector<512x128xf32>
    %dot_general3A_273 = tpu.matmul %convert_element_type3A_270, %convert_element_type3A_271, %dot_general3A_272 {dimension_numbers = #tpu.dot_dimension_numbers<[1], [0], [0], [1], [0, 0, 1, 1], [], []>, transpose_lhs_hint = false} : vector<512x512xbf16>, vector<512x128xbf16>, vector<512x128xf32> -> vector<512x128xf32>
    %add3A_274 = arith.constant 1.000000e-16 : f32
    %add3A_275 = vector.broadcast %add3A_274 : f32 to vector<512x1xf32>
    %add3A_276 = arith.addf %broadcast_in_dim3A_269, %add3A_275 : vector<512x1xf32>
    %div3A_277 = vector.broadcast %add3A_276 : vector<512x1xf32> to vector<512x128xf32>
    %div3A_278 = arith.divf %dot_general3A_273, %div3A_277 : vector<512x128xf32>
    %get3A_279 = arith.constant 1 : index
    %get3A_280 = arith.constant 0 : index
    %get3A_281 = vector.load %arg7[%get3A_279, %get3A_280] : memref<2x128xf32, #tpu.memory_space<vmem>>, vector<1x128xf32>
    %get3A_282 = vector.shape_cast %get3A_281 : vector<1x128xf32> to vector<128xf32>
    %broadcast_in_dim3A_283 = vector.shape_cast %get3A_282 : vector<128xf32> to vector<1x128xf32>
    %add3A_284 = vector.broadcast %broadcast_in_dim3A_283 : vector<1x128xf32> to vector<512x128xf32>
    %add3A_285 = arith.addf %div3A_278, %add3A_284 : vector<512x128xf32>
    %max3A_286 = arith.constant 0.000000e+00 : f32
    %max3A_287 = vector.broadcast %max3A_286 : f32 to vector<512x128xf32>
    %max3A_288 = arith.maximumf %add3A_285, %max3A_287 : vector<512x128xf32>
    %convert_element_type3A_289 = arith.truncf %max3A_288 : vector<512x128xf32> to vector<512x128xbf16>
    %swap3A_290 = arith.constant 1 : index
    %swap3A_291 = arith.constant 0 : index
    %swap3A_292 = arith.constant 0 : index
    %swap3A_293 = vector.load %arg8[%swap3A_290, %swap3A_291, %swap3A_292] : memref<16x512x128xbf16, #tpu.memory_space<vmem>>, vector<1x512x128xbf16>
    %swap3A_294 = vector.shape_cast %swap3A_293 : vector<1x512x128xbf16> to vector<512x128xbf16>
    %swap3A_295 = vector.shape_cast %convert_element_type3A_289 : vector<512x128xbf16> to vector<1x512x128xbf16>
    tpu.vector_store %arg8[%swap3A_290, %swap3A_291, %swap3A_292], %swap3A_295 {strides = array<i32>} : memref<16x512x128xbf16, #tpu.memory_space<vmem>>, vector<1x512x128xbf16>,
    %get3A_296 = arith.constant 2 : index
    %get3A_297 = arith.constant 0 : index
    %get3A_298 = arith.constant 0 : index
    %get3A_299 = vector.load %arg1[%get3A_296, %get3A_297, %get3A_298] : memref<16x448x128xf32, #tpu.memory_space<vmem>>, vector<1x448x128xf32>
    %get3A_300 = vector.shape_cast %get3A_299 : vector<1x448x128xf32> to vector<448x128xf32>
    %get3A_301 = arith.constant 2 : index
    %get3A_302 = arith.constant 0 : index
    %get3A_303 = arith.constant 0 : index
    %get3A_304 = vector.load %arg2[%get3A_301, %get3A_302, %get3A_303] : memref<16x64x128xf32, #tpu.memory_space<vmem>>, vector<1x64x128xf32>
    %get3A_305 = vector.shape_cast %get3A_304 : vector<1x64x128xf32> to vector<64x128xf32>
    %concatenate3A_306 = tpu.concatenate %get3A_300, %get3A_305 in 0 : vector<448x128xf32>, vector<64x128xf32> -> vector<512x128xf32>
    %get3A_307 = arith.constant 0 : index
    %get3A_308 = arith.constant 0 : index
    %get3A_309 = arith.constant 0 : index
    %get3A_310 = vector.load %arg4[%get3A_307, %get3A_308, %get3A_309] : memref<2x128x128xf32, #tpu.memory_space<vmem>>, vector<1x128x128xf32>
    %get3A_311 = vector.shape_cast %get3A_310 : vector<1x128x128xf32> to vector<128x128xf32>
    %convert_element_type3A_312 = arith.truncf %concatenate3A_306 : vector<512x128xf32> to vector<512x128xbf16>
    %convert_element_type3A_313 = arith.truncf %get3A_311 : vector<128x128xf32> to vector<128x128xbf16>
    %dot_general3A_314 = arith.constant dense<0.000000e+00> : vector<512x128xf32>
    %dot_general3A_315 = tpu.matmul %convert_element_type3A_312, %convert_element_type3A_313, %dot_general3A_314 {dimension_numbers = #tpu.dot_dimension_numbers<[1], [1], [0], [0], [0, 0, 1, 0], [], []>, transpose_lhs_hint = false} : vector<512x128xbf16>, vector<128x128xbf16>, vector<512x128xf32> -> vector<512x128xf32>
    %get3A_316 = arith.constant 0 : index
    %get3A_317 = arith.constant 0 : index
    %get3A_318 = vector.load %arg5[%get3A_316, %get3A_317] : memref<2x128xf32, #tpu.memory_space<vmem>>, vector<1x128xf32>
    %get3A_319 = arith.constant 0 : index
    %get3A_320 = arith.constant 0 : index
    %get3A_321 = vector.load %arg6[%get3A_319, %get3A_320] : memref<2x128xf32, #tpu.memory_space<vmem>>, vector<1x128xf32>
    %concatenate3A_322 = tpu.concatenate %get3A_318, %get3A_321 in 0 : vector<1x128xf32>, vector<1x128xf32> -> vector<2x128xf32>
    %dot_general3A_323 = arith.constant dense<0.000000e+00> : vector<2x128xf32>
    %dot_general3A_324 = tpu.matmul %concatenate3A_322, %get3A_311, %dot_general3A_323 {dimension_numbers = #tpu.dot_dimension_numbers<[1], [0], [0], [1], [0, 0, 1, 1], [], []>, transpose_lhs_hint = false} : vector<2x128xf32>, vector<128x128xf32>, vector<2x128xf32> -> vector<2x128xf32>
    %dot_general3A_325 = arith.constant dense<0.000000e+00> : vector<2x512xf32>
    %dot_general3A_326 = tpu.matmul %dot_general3A_324, %concatenate3A_306, %dot_general3A_325 {dimension_numbers = #tpu.dot_dimension_numbers<[1], [1], [0], [0], [0, 0, 1, 0], [], []>, transpose_lhs_hint = false} : vector<2x128xf32>, vector<512x128xf32>, vector<2x512xf32> -> vector<2x512xf32>
    %dot_general3A_327 = arith.constant dense<0.000000e+00> : vector<512x2xf32>
    %dot_general3A_328 = tpu.matmul %concatenate3A_306, %dot_general3A_324, %dot_general3A_327 {dimension_numbers = #tpu.dot_dimension_numbers<[1], [1], [0], [0], [0, 0, 1, 0], [], []>, transpose_lhs_hint = false} : vector<512x128xf32>, vector<2x128xf32>, vector<512x2xf32> -> vector<512x2xf32>
    %slice3A_329 = vector.extract_strided_slice %dot_general3A_326 {offsets = [0, 0], sizes = [1, 512], strides = [1, 1]} : vector<2x512xf32> to vector<1x512xf32>
    %slice3A_330 = vector.extract_strided_slice %dot_general3A_328 {offsets = [0, 1], sizes = [512, 1], strides = [1, 1]} : vector<512x2xf32> to vector<512x1xf32>
    %reduce_max3A_331 = vector.shape_cast %slice3A_329 : vector<1x512xf32> to vector<1x1x512xf32>
    %reduce_max3A_332 = arith.constant dense<0xFF800000> : vector<1xf32>
    %reduce_max3A_333 = vector.multi_reduction <maximumf>, %reduce_max3A_331, %reduce_max3A_332 [1, 2] : vector<1x1x512xf32> to vector<1xf32>
    %reduce_max3A_334 = vector.shape_cast %reduce_max3A_333 : vector<1xf32> to vector<1x1x1xf32>
    %reduce_max3A_335 = vector.extract %reduce_max3A_334[0, 0, 0] : f32 from vector<1x1x1xf32>
    %add3A_336 = vector.broadcast %reduce_max3A_335 : f32 to vector<512x1xf32>
    %add3A_337 = arith.addf %slice3A_330, %add3A_336 : vector<512x1xf32>
    %mul3A_338 = arith.constant 2.000000e-01 : f32
    %mul3A_339 = vector.broadcast %mul3A_338 : f32 to vector<512x1xf32>
    %mul3A_340 = arith.mulf %mul3A_339, %add3A_337 : vector<512x1xf32>
    %max3A_341 = arith.maximumf %add3A_337, %mul3A_340 : vector<512x1xf32>
    %add3A_342 = vector.broadcast %slice3A_330 : vector<512x1xf32> to vector<512x512xf32>
    %add3A_343 = vector.broadcast %slice3A_329 : vector<1x512xf32> to vector<512x512xf32>
    %add3A_344 = arith.addf %add3A_342, %add3A_343 : vector<512x512xf32>
    %mul3A_345 = arith.constant 2.000000e-01 : f32
    %mul3A_346 = vector.broadcast %mul3A_345 : f32 to vector<512x512xf32>
    %mul3A_347 = arith.mulf %mul3A_346, %add3A_344 : vector<512x512xf32>
    %max3A_348 = arith.maximumf %add3A_344, %mul3A_347 : vector<512x512xf32>
    %sub3A_349 = vector.broadcast %max3A_341 : vector<512x1xf32> to vector<512x512xf32>
    %sub3A_350 = arith.subf %max3A_348, %sub3A_349 : vector<512x512xf32>
    %exp3A_351 = math.exp %sub3A_350 : vector<512x512xf32>
    %mul3A_352 = arith.mulf %get3A_1, %exp3A_351 : vector<512x512xf32>
    %reduce_sum3A_353 = arith.constant dense<0.000000e+00> : vector<512xf32>
    %reduce_sum3A_354 = vector.multi_reduction <add>, %mul3A_352, %reduce_sum3A_353 [1] : vector<512x512xf32> to vector<512xf32>
    %broadcast_in_dim3A_355 = vector.shape_cast %reduce_sum3A_354 : vector<512xf32> to vector<512x1xf32>
    %convert_element_type3A_356 = arith.truncf %mul3A_352 : vector<512x512xf32> to vector<512x512xbf16>
    %convert_element_type3A_357 = arith.truncf %dot_general3A_315 : vector<512x128xf32> to vector<512x128xbf16>
    %dot_general3A_358 = arith.constant dense<0.000000e+00> : vector<512x128xf32>
    %dot_general3A_359 = tpu.matmul %convert_element_type3A_356, %convert_element_type3A_357, %dot_general3A_358 {dimension_numbers = #tpu.dot_dimension_numbers<[1], [0], [0], [1], [0, 0, 1, 1], [], []>, transpose_lhs_hint = false} : vector<512x512xbf16>, vector<512x128xbf16>, vector<512x128xf32> -> vector<512x128xf32>
    %add3A_360 = arith.constant 1.000000e-16 : f32
    %add3A_361 = vector.broadcast %add3A_360 : f32 to vector<512x1xf32>
    %add3A_362 = arith.addf %broadcast_in_dim3A_355, %add3A_361 : vector<512x1xf32>
    %div3A_363 = vector.broadcast %add3A_362 : vector<512x1xf32> to vector<512x128xf32>
    %div3A_364 = arith.divf %dot_general3A_359, %div3A_363 : vector<512x128xf32>
    %get3A_365 = arith.constant 0 : index
    %get3A_366 = arith.constant 0 : index
    %get3A_367 = vector.load %arg7[%get3A_365, %get3A_366] : memref<2x128xf32, #tpu.memory_space<vmem>>, vector<1x128xf32>
    %get3A_368 = vector.shape_cast %get3A_367 : vector<1x128xf32> to vector<128xf32>
    %broadcast_in_dim3A_369 = vector.shape_cast %get3A_368 : vector<128xf32> to vector<1x128xf32>
    %add3A_370 = vector.broadcast %broadcast_in_dim3A_369 : vector<1x128xf32> to vector<512x128xf32>
    %add3A_371 = arith.addf %div3A_364, %add3A_370 : vector<512x128xf32>
    %max3A_372 = arith.constant 0.000000e+00 : f32
    %max3A_373 = vector.broadcast %max3A_372 : f32 to vector<512x128xf32>
    %max3A_374 = arith.maximumf %add3A_371, %max3A_373 : vector<512x128xf32>
    %get3A_375 = arith.constant 1 : index
    %get3A_376 = arith.constant 0 : index
    %get3A_377 = arith.constant 0 : index
    %get3A_378 = vector.load %arg4[%get3A_375, %get3A_376, %get3A_377] : memref<2x128x128xf32, #tpu.memory_space<vmem>>, vector<1x128x128xf32>
    %get3A_379 = vector.shape_cast %get3A_378 : vector<1x128x128xf32> to vector<128x128xf32>
    %convert_element_type3A_380 = arith.truncf %max3A_374 : vector<512x128xf32> to vector<512x128xbf16>
    %convert_element_type3A_381 = arith.truncf %get3A_379 : vector<128x128xf32> to vector<128x128xbf16>
    %dot_general3A_382 = arith.constant dense<0.000000e+00> : vector<512x128xf32>
    %dot_general3A_383 = tpu.matmul %convert_element_type3A_380, %convert_element_type3A_381, %dot_general3A_382 {dimension_numbers = #tpu.dot_dimension_numbers<[1], [1], [0], [0], [0, 0, 1, 0], [], []>, transpose_lhs_hint = false} : vector<512x128xbf16>, vector<128x128xbf16>, vector<512x128xf32> -> vector<512x128xf32>
    %get3A_384 = arith.constant 1 : index
    %get3A_385 = arith.constant 0 : index
    %get3A_386 = vector.load %arg5[%get3A_384, %get3A_385] : memref<2x128xf32, #tpu.memory_space<vmem>>, vector<1x128xf32>
    %get3A_387 = arith.constant 1 : index
    %get3A_388 = arith.constant 0 : index
    %get3A_389 = vector.load %arg6[%get3A_387, %get3A_388] : memref<2x128xf32, #tpu.memory_space<vmem>>, vector<1x128xf32>
    %concatenate3A_390 = tpu.concatenate %get3A_386, %get3A_389 in 0 : vector<1x128xf32>, vector<1x128xf32> -> vector<2x128xf32>
    %dot_general3A_391 = arith.constant dense<0.000000e+00> : vector<2x128xf32>
    %dot_general3A_392 = tpu.matmul %concatenate3A_390, %get3A_379, %dot_general3A_391 {dimension_numbers = #tpu.dot_dimension_numbers<[1], [0], [0], [1], [0, 0, 1, 1], [], []>, transpose_lhs_hint = false} : vector<2x128xf32>, vector<128x128xf32>, vector<2x128xf32> -> vector<2x128xf32>
    %dot_general3A_393 = arith.constant dense<0.000000e+00> : vector<2x512xf32>
    %dot_general3A_394 = tpu.matmul %dot_general3A_392, %max3A_374, %dot_general3A_393 {dimension_numbers = #tpu.dot_dimension_numbers<[1], [1], [0], [0], [0, 0, 1, 0], [], []>, transpose_lhs_hint = false} : vector<2x128xf32>, vector<512x128xf32>, vector<2x512xf32> -> vector<2x512xf32>
    %dot_general3A_395 = arith.constant dense<0.000000e+00> : vector<512x2xf32>
    %dot_general3A_396 = tpu.matmul %max3A_374, %dot_general3A_392, %dot_general3A_395 {dimension_numbers = #tpu.dot_dimension_numbers<[1], [1], [0], [0], [0, 0, 1, 0], [], []>, transpose_lhs_hint = false} : vector<512x128xf32>, vector<2x128xf32>, vector<512x2xf32> -> vector<512x2xf32>
    %slice3A_397 = vector.extract_strided_slice %dot_general3A_394 {offsets = [0, 0], sizes = [1, 512], strides = [1, 1]} : vector<2x512xf32> to vector<1x512xf32>
    %slice3A_398 = vector.extract_strided_slice %dot_general3A_396 {offsets = [0, 1], sizes = [512, 1], strides = [1, 1]} : vector<512x2xf32> to vector<512x1xf32>
    %reduce_max3A_399 = vector.shape_cast %slice3A_397 : vector<1x512xf32> to vector<1x1x512xf32>
    %reduce_max3A_400 = arith.constant dense<0xFF800000> : vector<1xf32>
    %reduce_max3A_401 = vector.multi_reduction <maximumf>, %reduce_max3A_399, %reduce_max3A_400 [1, 2] : vector<1x1x512xf32> to vector<1xf32>
    %reduce_max3A_402 = vector.shape_cast %reduce_max3A_401 : vector<1xf32> to vector<1x1x1xf32>
    %reduce_max3A_403 = vector.extract %reduce_max3A_402[0, 0, 0] : f32 from vector<1x1x1xf32>
    %add3A_404 = vector.broadcast %reduce_max3A_403 : f32 to vector<512x1xf32>
    %add3A_405 = arith.addf %slice3A_398, %add3A_404 : vector<512x1xf32>
    %mul3A_406 = arith.constant 2.000000e-01 : f32
    %mul3A_407 = vector.broadcast %mul3A_406 : f32 to vector<512x1xf32>
    %mul3A_408 = arith.mulf %mul3A_407, %add3A_405 : vector<512x1xf32>
    %max3A_409 = arith.maximumf %add3A_405, %mul3A_408 : vector<512x1xf32>
    %add3A_410 = vector.broadcast %slice3A_398 : vector<512x1xf32> to vector<512x512xf32>
    %add3A_411 = vector.broadcast %slice3A_397 : vector<1x512xf32> to vector<512x512xf32>
    %add3A_412 = arith.addf %add3A_410, %add3A_411 : vector<512x512xf32>
    %mul3A_413 = arith.constant 2.000000e-01 : f32
    %mul3A_414 = vector.broadcast %mul3A_413 : f32 to vector<512x512xf32>
    %mul3A_415 = arith.mulf %mul3A_414, %add3A_412 : vector<512x512xf32>
    %max3A_416 = arith.maximumf %add3A_412, %mul3A_415 : vector<512x512xf32>
    %sub3A_417 = vector.broadcast %max3A_409 : vector<512x1xf32> to vector<512x512xf32>
    %sub3A_418 = arith.subf %max3A_416, %sub3A_417 : vector<512x512xf32>
    %exp3A_419 = math.exp %sub3A_418 : vector<512x512xf32>
    %mul3A_420 = arith.mulf %get3A_1, %exp3A_419 : vector<512x512xf32>
    %reduce_sum3A_421 = arith.constant dense<0.000000e+00> : vector<512xf32>
    %reduce_sum3A_422 = vector.multi_reduction <add>, %mul3A_420, %reduce_sum3A_421 [1] : vector<512x512xf32> to vector<512xf32>
    %broadcast_in_dim3A_423 = vector.shape_cast %reduce_sum3A_422 : vector<512xf32> to vector<512x1xf32>
    %convert_element_type3A_424 = arith.truncf %mul3A_420 : vector<512x512xf32> to vector<512x512xbf16>
    %convert_element_type3A_425 = arith.truncf %dot_general3A_383 : vector<512x128xf32> to vector<512x128xbf16>
    %dot_general3A_426 = arith.constant dense<0.000000e+00> : vector<512x128xf32>
    %dot_general3A_427 = tpu.matmul %convert_element_type3A_424, %convert_element_type3A_425, %dot_general3A_426 {dimension_numbers = #tpu.dot_dimension_numbers<[1], [0], [0], [1], [0, 0, 1, 1], [], []>, transpose_lhs_hint = false} : vector<512x512xbf16>, vector<512x128xbf16>, vector<512x128xf32> -> vector<512x128xf32>
    %add3A_428 = arith.constant 1.000000e-16 : f32
    %add3A_429 = vector.broadcast %add3A_428 : f32 to vector<512x1xf32>
    %add3A_430 = arith.addf %broadcast_in_dim3A_423, %add3A_429 : vector<512x1xf32>
    %div3A_431 = vector.broadcast %add3A_430 : vector<512x1xf32> to vector<512x128xf32>
    %div3A_432 = arith.divf %dot_general3A_427, %div3A_431 : vector<512x128xf32>
    %get3A_433 = arith.constant 1 : index
    %get3A_434 = arith.constant 0 : index
    %get3A_435 = vector.load %arg7[%get3A_433, %get3A_434] : memref<2x128xf32, #tpu.memory_space<vmem>>, vector<1x128xf32>
    %get3A_436 = vector.shape_cast %get3A_435 : vector<1x128xf32> to vector<128xf32>
    %broadcast_in_dim3A_437 = vector.shape_cast %get3A_436 : vector<128xf32> to vector<1x128xf32>
    %add3A_438 = vector.broadcast %broadcast_in_dim3A_437 : vector<1x128xf32> to vector<512x128xf32>
    %add3A_439 = arith.addf %div3A_432, %add3A_438 : vector<512x128xf32>
    %max3A_440 = arith.constant 0.000000e+00 : f32
    %max3A_441 = vector.broadcast %max3A_440 : f32 to vector<512x128xf32>
    %max3A_442 = arith.maximumf %add3A_439, %max3A_441 : vector<512x128xf32>
    %convert_element_type3A_443 = arith.truncf %max3A_442 : vector<512x128xf32> to vector<512x128xbf16>
    %swap3A_444 = arith.constant 2 : index
    %swap3A_445 = arith.constant 0 : index
    %swap3A_446 = arith.constant 0 : index
    %swap3A_447 = vector.load %arg8[%swap3A_444, %swap3A_445, %swap3A_446] : memref<16x512x128xbf16, #tpu.memory_space<vmem>>, vector<1x512x128xbf16>
    %swap3A_448 = vector.shape_cast %swap3A_447 : vector<1x512x128xbf16> to vector<512x128xbf16>
    %swap3A_449 = vector.shape_cast %convert_element_type3A_443 : vector<512x128xbf16> to vector<1x512x128xbf16>
    tpu.vector_store %arg8[%swap3A_444, %swap3A_445, %swap3A_446], %swap3A_449 {strides = array<i32>} : memref<16x512x128xbf16, #tpu.memory_space<vmem>>, vector<1x512x128xbf16>,
    %get3A_450 = arith.constant 3 : index
    %get3A_451 = arith.constant 0 : index
    %get3A_452 = arith.constant 0 : index
    %get3A_453 = vector.load %arg1[%get3A_450, %get3A_451, %get3A_452] : memref<16x448x128xf32, #tpu.memory_space<vmem>>, vector<1x448x128xf32>
    %get3A_454 = vector.shape_cast %get3A_453 : vector<1x448x128xf32> to vector<448x128xf32>
    %get3A_455 = arith.constant 3 : index
    %get3A_456 = arith.constant 0 : index
    %get3A_457 = arith.constant 0 : index
    %get3A_458 = vector.load %arg2[%get3A_455, %get3A_456, %get3A_457] : memref<16x64x128xf32, #tpu.memory_space<vmem>>, vector<1x64x128xf32>
    %get3A_459 = vector.shape_cast %get3A_458 : vector<1x64x128xf32> to vector<64x128xf32>
    %concatenate3A_460 = tpu.concatenate %get3A_454, %get3A_459 in 0 : vector<448x128xf32>, vector<64x128xf32> -> vector<512x128xf32>
    %get3A_461 = arith.constant 0 : index
    %get3A_462 = arith.constant 0 : index
    %get3A_463 = arith.constant 0 : index
    %get3A_464 = vector.load %arg4[%get3A_461, %get3A_462, %get3A_463] : memref<2x128x128xf32, #tpu.memory_space<vmem>>, vector<1x128x128xf32>
    %get3A_465 = vector.shape_cast %get3A_464 : vector<1x128x128xf32> to vector<128x128xf32>
    %convert_element_type3A_466 = arith.truncf %concatenate3A_460 : vector<512x128xf32> to vector<512x128xbf16>
    %convert_element_type3A_467 = arith.truncf %get3A_465 : vector<128x128xf32> to vector<128x128xbf16>
    %dot_general3A_468 = arith.constant dense<0.000000e+00> : vector<512x128xf32>
    %dot_general3A_469 = tpu.matmul %convert_element_type3A_466, %convert_element_type3A_467, %dot_general3A_468 {dimension_numbers = #tpu.dot_dimension_numbers<[1], [1], [0], [0], [0, 0, 1, 0], [], []>, transpose_lhs_hint = false} : vector<512x128xbf16>, vector<128x128xbf16>, vector<512x128xf32> -> vector<512x128xf32>
    %get3A_470 = arith.constant 0 : index
    %get3A_471 = arith.constant 0 : index
    %get3A_472 = vector.load %arg5[%get3A_470, %get3A_471] : memref<2x128xf32, #tpu.memory_space<vmem>>, vector<1x128xf32>
    %get3A_473 = arith.constant 0 : index
    %get3A_474 = arith.constant 0 : index
    %get3A_475 = vector.load %arg6[%get3A_473, %get3A_474] : memref<2x128xf32, #tpu.memory_space<vmem>>, vector<1x128xf32>
    %concatenate3A_476 = tpu.concatenate %get3A_472, %get3A_475 in 0 : vector<1x128xf32>, vector<1x128xf32> -> vector<2x128xf32>
    %dot_general3A_477 = arith.constant dense<0.000000e+00> : vector<2x128xf32>
    %dot_general3A_478 = tpu.matmul %concatenate3A_476, %get3A_465, %dot_general3A_477 {dimension_numbers = #tpu.dot_dimension_numbers<[1], [0], [0], [1], [0, 0, 1, 1], [], []>, transpose_lhs_hint = false} : vector<2x128xf32>, vector<128x128xf32>, vector<2x128xf32> -> vector<2x128xf32>
    %dot_general3A_479 = arith.constant dense<0.000000e+00> : vector<2x512xf32>
    %dot_general3A_480 = tpu.matmul %dot_general3A_478, %concatenate3A_460, %dot_general3A_479 {dimension_numbers = #tpu.dot_dimension_numbers<[1], [1], [0], [0], [0, 0, 1, 0], [], []>, transpose_lhs_hint = false} : vector<2x128xf32>, vector<512x128xf32>, vector<2x512xf32> -> vector<2x512xf32>
    %dot_general3A_481 = arith.constant dense<0.000000e+00> : vector<512x2xf32>
    %dot_general3A_482 = tpu.matmul %concatenate3A_460, %dot_general3A_478, %dot_general3A_481 {dimension_numbers = #tpu.dot_dimension_numbers<[1], [1], [0], [0], [0, 0, 1, 0], [], []>, transpose_lhs_hint = false} : vector<512x128xf32>, vector<2x128xf32>, vector<512x2xf32> -> vector<512x2xf32>
    %slice3A_483 = vector.extract_strided_slice %dot_general3A_480 {offsets = [0, 0], sizes = [1, 512], strides = [1, 1]} : vector<2x512xf32> to vector<1x512xf32>
    %slice3A_484 = vector.extract_strided_slice %dot_general3A_482 {offsets = [0, 1], sizes = [512, 1], strides = [1, 1]} : vector<512x2xf32> to vector<512x1xf32>
    %reduce_max3A_485 = vector.shape_cast %slice3A_483 : vector<1x512xf32> to vector<1x1x512xf32>
    %reduce_max3A_486 = arith.constant dense<0xFF800000> : vector<1xf32>
    %reduce_max3A_487 = vector.multi_reduction <maximumf>, %reduce_max3A_485, %reduce_max3A_486 [1, 2] : vector<1x1x512xf32> to vector<1xf32>
    %reduce_max3A_488 = vector.shape_cast %reduce_max3A_487 : vector<1xf32> to vector<1x1x1xf32>
    %reduce_max3A_489 = vector.extract %reduce_max3A_488[0, 0, 0] : f32 from vector<1x1x1xf32>
    %add3A_490 = vector.broadcast %reduce_max3A_489 : f32 to vector<512x1xf32>
    %add3A_491 = arith.addf %slice3A_484, %add3A_490 : vector<512x1xf32>
    %mul3A_492 = arith.constant 2.000000e-01 : f32
    %mul3A_493 = vector.broadcast %mul3A_492 : f32 to vector<512x1xf32>
    %mul3A_494 = arith.mulf %mul3A_493, %add3A_491 : vector<512x1xf32>
    %max3A_495 = arith.maximumf %add3A_491, %mul3A_494 : vector<512x1xf32>
    %add3A_496 = vector.broadcast %slice3A_484 : vector<512x1xf32> to vector<512x512xf32>
    %add3A_497 = vector.broadcast %slice3A_483 : vector<1x512xf32> to vector<512x512xf32>
    %add3A_498 = arith.addf %add3A_496, %add3A_497 : vector<512x512xf32>
    %mul3A_499 = arith.constant 2.000000e-01 : f32
    %mul3A_500 = vector.broadcast %mul3A_499 : f32 to vector<512x512xf32>
    %mul3A_501 = arith.mulf %mul3A_500, %add3A_498 : vector<512x512xf32>
    %max3A_502 = arith.maximumf %add3A_498, %mul3A_501 : vector<512x512xf32>
    %sub3A_503 = vector.broadcast %max3A_495 : vector<512x1xf32> to vector<512x512xf32>
    %sub3A_504 = arith.subf %max3A_502, %sub3A_503 : vector<512x512xf32>
    %exp3A_505 = math.exp %sub3A_504 : vector<512x512xf32>
    %mul3A_506 = arith.mulf %get3A_1, %exp3A_505 : vector<512x512xf32>
    %reduce_sum3A_507 = arith.constant dense<0.000000e+00> : vector<512xf32>
    %reduce_sum3A_508 = vector.multi_reduction <add>, %mul3A_506, %reduce_sum3A_507 [1] : vector<512x512xf32> to vector<512xf32>
    %broadcast_in_dim3A_509 = vector.shape_cast %reduce_sum3A_508 : vector<512xf32> to vector<512x1xf32>
    %convert_element_type3A_510 = arith.truncf %mul3A_506 : vector<512x512xf32> to vector<512x512xbf16>
    %convert_element_type3A_511 = arith.truncf %dot_general3A_469 : vector<512x128xf32> to vector<512x128xbf16>
    %dot_general3A_512 = arith.constant dense<0.000000e+00> : vector<512x128xf32>
    %dot_general3A_513 = tpu.matmul %convert_element_type3A_510, %convert_element_type3A_511, %dot_general3A_512 {dimension_numbers = #tpu.dot_dimension_numbers<[1], [0], [0], [1], [0, 0, 1, 1], [], []>, transpose_lhs_hint = false} : vector<512x512xbf16>, vector<512x128xbf16>, vector<512x128xf32> -> vector<512x128xf32>
    %add3A_514 = arith.constant 1.000000e-16 : f32
    %add3A_515 = vector.broadcast %add3A_514 : f32 to vector<512x1xf32>
    %add3A_516 = arith.addf %broadcast_in_dim3A_509, %add3A_515 : vector<512x1xf32>
    %div3A_517 = vector.broadcast %add3A_516 : vector<512x1xf32> to vector<512x128xf32>
    %div3A_518 = arith.divf %dot_general3A_513, %div3A_517 : vector<512x128xf32>
    %get3A_519 = arith.constant 0 : index
    %get3A_520 = arith.constant 0 : index
    %get3A_521 = vector.load %arg7[%get3A_519, %get3A_520] : memref<2x128xf32, #tpu.memory_space<vmem>>, vector<1x128xf32>
    %get3A_522 = vector.shape_cast %get3A_521 : vector<1x128xf32> to vector<128xf32>
    %broadcast_in_dim3A_523 = vector.shape_cast %get3A_522 : vector<128xf32> to vector<1x128xf32>
    %add3A_524 = vector.broadcast %broadcast_in_dim3A_523 : vector<1x128xf32> to vector<512x128xf32>
    %add3A_525 = arith.addf %div3A_518, %add3A_524 : vector<512x128xf32>
    %max3A_526 = arith.constant 0.000000e+00 : f32
    %max3A_527 = vector.broadcast %max3A_526 : f32 to vector<512x128xf32>
    %max3A_528 = arith.maximumf %add3A_525, %max3A_527 : vector<512x128xf32>
    %get3A_529 = arith.constant 1 : index
    %get3A_530 = arith.constant 0 : index
    %get3A_531 = arith.constant 0 : index
    %get3A_532 = vector.load %arg4[%get3A_529, %get3A_530, %get3A_531] : memref<2x128x128xf32, #tpu.memory_space<vmem>>, vector<1x128x128xf32>
    %get3A_533 = vector.shape_cast %get3A_532 : vector<1x128x128xf32> to vector<128x128xf32>
    %convert_element_type3A_534 = arith.truncf %max3A_528 : vector<512x128xf32> to vector<512x128xbf16>
    %convert_element_type3A_535 = arith.truncf %get3A_533 : vector<128x128xf32> to vector<128x128xbf16>
    %dot_general3A_536 = arith.constant dense<0.000000e+00> : vector<512x128xf32>
    %dot_general3A_537 = tpu.matmul %convert_element_type3A_534, %convert_element_type3A_535, %dot_general3A_536 {dimension_numbers = #tpu.dot_dimension_numbers<[1], [1], [0], [0], [0, 0, 1, 0], [], []>, transpose_lhs_hint = false} : vector<512x128xbf16>, vector<128x128xbf16>, vector<512x128xf32> -> vector<512x128xf32>
    %get3A_538 = arith.constant 1 : index
    %get3A_539 = arith.constant 0 : index
    %get3A_540 = vector.load %arg5[%get3A_538, %get3A_539] : memref<2x128xf32, #tpu.memory_space<vmem>>, vector<1x128xf32>
    %get3A_541 = arith.constant 1 : index
    %get3A_542 = arith.constant 0 : index
    %get3A_543 = vector.load %arg6[%get3A_541, %get3A_542] : memref<2x128xf32, #tpu.memory_space<vmem>>, vector<1x128xf32>
    %concatenate3A_544 = tpu.concatenate %get3A_540, %get3A_543 in 0 : vector<1x128xf32>, vector<1x128xf32> -> vector<2x128xf32>
    %dot_general3A_545 = arith.constant dense<0.000000e+00> : vector<2x128xf32>
    %dot_general3A_546 = tpu.matmul %concatenate3A_544, %get3A_533, %dot_general3A_545 {dimension_numbers = #tpu.dot_dimension_numbers<[1], [0], [0], [1], [0, 0, 1, 1], [], []>, transpose_lhs_hint = false} : vector<2x128xf32>, vector<128x128xf32>, vector<2x128xf32> -> vector<2x128xf32>
    %dot_general3A_547 = arith.constant dense<0.000000e+00> : vector<2x512xf32>
    %dot_general3A_548 = tpu.matmul %dot_general3A_546, %max3A_528, %dot_general3A_547 {dimension_numbers = #tpu.dot_dimension_numbers<[1], [1], [0], [0], [0, 0, 1, 0], [], []>, transpose_lhs_hint = false} : vector<2x128xf32>, vector<512x128xf32>, vector<2x512xf32> -> vector<2x512xf32>
    %dot_general3A_549 = arith.constant dense<0.000000e+00> : vector<512x2xf32>
    %dot_general3A_550 = tpu.matmul %max3A_528, %dot_general3A_546, %dot_general3A_549 {dimension_numbers = #tpu.dot_dimension_numbers<[1], [1], [0], [0], [0, 0, 1, 0], [], []>, transpose_lhs_hint = false} : vector<512x128xf32>, vector<2x128xf32>, vector<512x2xf32> -> vector<512x2xf32>
    %slice3A_551 = vector.extract_strided_slice %dot_general3A_548 {offsets = [0, 0], sizes = [1, 512], strides = [1, 1]} : vector<2x512xf32> to vector<1x512xf32>
    %slice3A_552 = vector.extract_strided_slice %dot_general3A_550 {offsets = [0, 1], sizes = [512, 1], strides = [1, 1]} : vector<512x2xf32> to vector<512x1xf32>
    %reduce_max3A_553 = vector.shape_cast %slice3A_551 : vector<1x512xf32> to vector<1x1x512xf32>
    %reduce_max3A_554 = arith.constant dense<0xFF800000> : vector<1xf32>
    %reduce_max3A_555 = vector.multi_reduction <maximumf>, %reduce_max3A_553, %reduce_max3A_554 [1, 2] : vector<1x1x512xf32> to vector<1xf32>
    %reduce_max3A_556 = vector.shape_cast %reduce_max3A_555 : vector<1xf32> to vector<1x1x1xf32>
    %reduce_max3A_557 = vector.extract %reduce_max3A_556[0, 0, 0] : f32 from vector<1x1x1xf32>
    %add3A_558 = vector.broadcast %reduce_max3A_557 : f32 to vector<512x1xf32>
    %add3A_559 = arith.addf %slice3A_552, %add3A_558 : vector<512x1xf32>
    %mul3A_560 = arith.constant 2.000000e-01 : f32
    %mul3A_561 = vector.broadcast %mul3A_560 : f32 to vector<512x1xf32>
    %mul3A_562 = arith.mulf %mul3A_561, %add3A_559 : vector<512x1xf32>
    %max3A_563 = arith.maximumf %add3A_559, %mul3A_562 : vector<512x1xf32>
    %add3A_564 = vector.broadcast %slice3A_552 : vector<512x1xf32> to vector<512x512xf32>
    %add3A_565 = vector.broadcast %slice3A_551 : vector<1x512xf32> to vector<512x512xf32>
    %add3A_566 = arith.addf %add3A_564, %add3A_565 : vector<512x512xf32>
    %mul3A_567 = arith.constant 2.000000e-01 : f32
    %mul3A_568 = vector.broadcast %mul3A_567 : f32 to vector<512x512xf32>
    %mul3A_569 = arith.mulf %mul3A_568, %add3A_566 : vector<512x512xf32>
    %max3A_570 = arith.maximumf %add3A_566, %mul3A_569 : vector<512x512xf32>
    %sub3A_571 = vector.broadcast %max3A_563 : vector<512x1xf32> to vector<512x512xf32>
    %sub3A_572 = arith.subf %max3A_570, %sub3A_571 : vector<512x512xf32>
    %exp3A_573 = math.exp %sub3A_572 : vector<512x512xf32>
    %mul3A_574 = arith.mulf %get3A_1, %exp3A_573 : vector<512x512xf32>
    %reduce_sum3A_575 = arith.constant dense<0.000000e+00> : vector<512xf32>
    %reduce_sum3A_576 = vector.multi_reduction <add>, %mul3A_574, %reduce_sum3A_575 [1] : vector<512x512xf32> to vector<512xf32>
    %broadcast_in_dim3A_577 = vector.shape_cast %reduce_sum3A_576 : vector<512xf32> to vector<512x1xf32>
    %convert_element_type3A_578 = arith.truncf %mul3A_574 : vector<512x512xf32> to vector<512x512xbf16>
    %convert_element_type3A_579 = arith.truncf %dot_general3A_537 : vector<512x128xf32> to vector<512x128xbf16>
    %dot_general3A_580 = arith.constant dense<0.000000e+00> : vector<512x128xf32>
    %dot_general3A_581 = tpu.matmul %convert_element_type3A_578, %convert_element_type3A_579, %dot_general3A_580 {dimension_numbers = #tpu.dot_dimension_numbers<[1], [0], [0], [1], [0, 0, 1, 1], [], []>, transpose_lhs_hint = false} : vector<512x512xbf16>, vector<512x128xbf16>, vector<512x128xf32> -> vector<512x128xf32>
    %add3A_582 = arith.constant 1.000000e-16 : f32
    %add3A_583 = vector.broadcast %add3A_582 : f32 to vector<512x1xf32>
    %add3A_584 = arith.addf %broadcast_in_dim3A_577, %add3A_583 : vector<512x1xf32>
    %div3A_585 = vector.broadcast %add3A_584 : vector<512x1xf32> to vector<512x128xf32>
    %div3A_586 = arith.divf %dot_general3A_581, %div3A_585 : vector<512x128xf32>
    %get3A_587 = arith.constant 1 : index
    %get3A_588 = arith.constant 0 : index
    %get3A_589 = vector.load %arg7[%get3A_587, %get3A_588] : memref<2x128xf32, #tpu.memory_space<vmem>>, vector<1x128xf32>
    %get3A_590 = vector.shape_cast %get3A_589 : vector<1x128xf32> to vector<128xf32>
    %broadcast_in_dim3A_591 = vector.shape_cast %get3A_590 : vector<128xf32> to vector<1x128xf32>
    %add3A_592 = vector.broadcast %broadcast_in_dim3A_591 : vector<1x128xf32> to vector<512x128xf32>
    %add3A_593 = arith.addf %div3A_586, %add3A_592 : vector<512x128xf32>
    %max3A_594 = arith.constant 0.000000e+00 : f32
    %max3A_595 = vector.broadcast %max3A_594 : f32 to vector<512x128xf32>
    %max3A_596 = arith.maximumf %add3A_593, %max3A_595 : vector<512x128xf32>
    %convert_element_type3A_597 = arith.truncf %max3A_596 : vector<512x128xf32> to vector<512x128xbf16>
    %swap3A_598 = arith.constant 3 : index
    %swap3A_599 = arith.constant 0 : index
    %swap3A_600 = arith.constant 0 : index
    %swap3A_601 = vector.load %arg8[%swap3A_598, %swap3A_599, %swap3A_600] : memref<16x512x128xbf16, #tpu.memory_space<vmem>>, vector<1x512x128xbf16>
    %swap3A_602 = vector.shape_cast %swap3A_601 : vector<1x512x128xbf16> to vector<512x128xbf16>
    %swap3A_603 = vector.shape_cast %convert_element_type3A_597 : vector<512x128xbf16> to vector<1x512x128xbf16>
    tpu.vector_store %arg8[%swap3A_598, %swap3A_599, %swap3A_600], %swap3A_603 {strides = array<i32>} : memref<16x512x128xbf16, #tpu.memory_space<vmem>>, vector<1x512x128xbf16>,
    %get3A_604 = arith.constant 4 : index
    %get3A_605 = arith.constant 0 : index
    %get3A_606 = arith.constant 0 : index
    %get3A_607 = vector.load %arg1[%get3A_604, %get3A_605, %get3A_606] : memref<16x448x128xf32, #tpu.memory_space<vmem>>, vector<1x448x128xf32>
    %get3A_608 = vector.shape_cast %get3A_607 : vector<1x448x128xf32> to vector<448x128xf32>
    %get3A_609 = arith.constant 4 : index
    %get3A_610 = arith.constant 0 : index
    %get3A_611 = arith.constant 0 : index
    %get3A_612 = vector.load %arg2[%get3A_609, %get3A_610, %get3A_611] : memref<16x64x128xf32, #tpu.memory_space<vmem>>, vector<1x64x128xf32>
    %get3A_613 = vector.shape_cast %get3A_612 : vector<1x64x128xf32> to vector<64x128xf32>
    %concatenate3A_614 = tpu.concatenate %get3A_608, %get3A_613 in 0 : vector<448x128xf32>, vector<64x128xf32> -> vector<512x128xf32>
    %get3A_615 = arith.constant 0 : index
    %get3A_616 = arith.constant 0 : index
    %get3A_617 = arith.constant 0 : index
    %get3A_618 = vector.load %arg4[%get3A_615, %get3A_616, %get3A_617] : memref<2x128x128xf32, #tpu.memory_space<vmem>>, vector<1x128x128xf32>
    %get3A_619 = vector.shape_cast %get3A_618 : vector<1x128x128xf32> to vector<128x128xf32>
    %convert_element_type3A_620 = arith.truncf %concatenate3A_614 : vector<512x128xf32> to vector<512x128xbf16>
    %convert_element_type3A_621 = arith.truncf %get3A_619 : vector<128x128xf32> to vector<128x128xbf16>
    %dot_general3A_622 = arith.constant dense<0.000000e+00> : vector<512x128xf32>
    %dot_general3A_623 = tpu.matmul %convert_element_type3A_620, %convert_element_type3A_621, %dot_general3A_622 {dimension_numbers = #tpu.dot_dimension_numbers<[1], [1], [0], [0], [0, 0, 1, 0], [], []>, transpose_lhs_hint = false} : vector<512x128xbf16>, vector<128x128xbf16>, vector<512x128xf32> -> vector<512x128xf32>
    %get3A_624 = arith.constant 0 : index
    %get3A_625 = arith.constant 0 : index
    %get3A_626 = vector.load %arg5[%get3A_624, %get3A_625] : memref<2x128xf32, #tpu.memory_space<vmem>>, vector<1x128xf32>
    %get3A_627 = arith.constant 0 : index
    %get3A_628 = arith.constant 0 : index
    %get3A_629 = vector.load %arg6[%get3A_627, %get3A_628] : memref<2x128xf32, #tpu.memory_space<vmem>>, vector<1x128xf32>
    %concatenate3A_630 = tpu.concatenate %get3A_626, %get3A_629 in 0 : vector<1x128xf32>, vector<1x128xf32> -> vector<2x128xf32>
    %dot_general3A_631 = arith.constant dense<0.000000e+00> : vector<2x128xf32>
    %dot_general3A_632 = tpu.matmul %concatenate3A_630, %get3A_619, %dot_general3A_631 {dimension_numbers = #tpu.dot_dimension_numbers<[1], [0], [0], [1], [0, 0, 1, 1], [], []>, transpose_lhs_hint = false} : vector<2x128xf32>, vector<128x128xf32>, vector<2x128xf32> -> vector<2x128xf32>
    %dot_general3A_633 = arith.constant dense<0.000000e+00> : vector<2x512xf32>
    %dot_general3A_634 = tpu.matmul %dot_general3A_632, %concatenate3A_614, %dot_general3A_633 {dimension_numbers = #tpu.dot_dimension_numbers<[1], [1], [0], [0], [0, 0, 1, 0], [], []>, transpose_lhs_hint = false} : vector<2x128xf32>, vector<512x128xf32>, vector<2x512xf32> -> vector<2x512xf32>
    %dot_general3A_635 = arith.constant dense<0.000000e+00> : vector<512x2xf32>
    %dot_general3A_636 = tpu.matmul %concatenate3A_614, %dot_general3A_632, %dot_general3A_635 {dimension_numbers = #tpu.dot_dimension_numbers<[1], [1], [0], [0], [0, 0, 1, 0], [], []>, transpose_lhs_hint = false} : vector<512x128xf32>, vector<2x128xf32>, vector<512x2xf32> -> vector<512x2xf32>
    %slice3A_637 = vector.extract_strided_slice %dot_general3A_634 {offsets = [0, 0], sizes = [1, 512], strides = [1, 1]} : vector<2x512xf32> to vector<1x512xf32>
    %slice3A_638 = vector.extract_strided_slice %dot_general3A_636 {offsets = [0, 1], sizes = [512, 1], strides = [1, 1]} : vector<512x2xf32> to vector<512x1xf32>
    %reduce_max3A_639 = vector.shape_cast %slice3A_637 : vector<1x512xf32> to vector<1x1x512xf32>
    %reduce_max3A_640 = arith.constant dense<0xFF800000> : vector<1xf32>
    %reduce_max3A_641 = vector.multi_reduction <maximumf>, %reduce_max3A_639, %reduce_max3A_640 [1, 2] : vector<1x1x512xf32> to vector<1xf32>
    %reduce_max3A_642 = vector.shape_cast %reduce_max3A_641 : vector<1xf32> to vector<1x1x1xf32>
    %reduce_max3A_643 = vector.extract %reduce_max3A_642[0, 0, 0] : f32 from vector<1x1x1xf32>
    %add3A_644 = vector.broadcast %reduce_max3A_643 : f32 to vector<512x1xf32>
    %add3A_645 = arith.addf %slice3A_638, %add3A_644 : vector<512x1xf32>
    %mul3A_646 = arith.constant 2.000000e-01 : f32
    %mul3A_647 = vector.broadcast %mul3A_646 : f32 to vector<512x1xf32>
    %mul3A_648 = arith.mulf %mul3A_647, %add3A_645 : vector<512x1xf32>
    %max3A_649 = arith.maximumf %add3A_645, %mul3A_648 : vector<512x1xf32>
    %add3A_650 = vector.broadcast %slice3A_638 : vector<512x1xf32> to vector<512x512xf32>
    %add3A_651 = vector.broadcast %slice3A_637 : vector<1x512xf32> to vector<512x512xf32>
    %add3A_652 = arith.addf %add3A_650, %add3A_651 : vector<512x512xf32>
    %mul3A_653 = arith.constant 2.000000e-01 : f32
    %mul3A_654 = vector.broadcast %mul3A_653 : f32 to vector<512x512xf32>
    %mul3A_655 = arith.mulf %mul3A_654, %add3A_652 : vector<512x512xf32>
    %max3A_656 = arith.maximumf %add3A_652, %mul3A_655 : vector<512x512xf32>
    %sub3A_657 = vector.broadcast %max3A_649 : vector<512x1xf32> to vector<512x512xf32>
    %sub3A_658 = arith.subf %max3A_656, %sub3A_657 : vector<512x512xf32>
    %exp3A_659 = math.exp %sub3A_658 : vector<512x512xf32>
    %mul3A_660 = arith.mulf %get3A_1, %exp3A_659 : vector<512x512xf32>
    %reduce_sum3A_661 = arith.constant dense<0.000000e+00> : vector<512xf32>
    %reduce_sum3A_662 = vector.multi_reduction <add>, %mul3A_660, %reduce_sum3A_661 [1] : vector<512x512xf32> to vector<512xf32>
    %broadcast_in_dim3A_663 = vector.shape_cast %reduce_sum3A_662 : vector<512xf32> to vector<512x1xf32>
    %convert_element_type3A_664 = arith.truncf %mul3A_660 : vector<512x512xf32> to vector<512x512xbf16>
    %convert_element_type3A_665 = arith.truncf %dot_general3A_623 : vector<512x128xf32> to vector<512x128xbf16>
    %dot_general3A_666 = arith.constant dense<0.000000e+00> : vector<512x128xf32>
    %dot_general3A_667 = tpu.matmul %convert_element_type3A_664, %convert_element_type3A_665, %dot_general3A_666 {dimension_numbers = #tpu.dot_dimension_numbers<[1], [0], [0], [1], [0, 0, 1, 1], [], []>, transpose_lhs_hint = false} : vector<512x512xbf16>, vector<512x128xbf16>, vector<512x128xf32> -> vector<512x128xf32>
    %add3A_668 = arith.constant 1.000000e-16 : f32
    %add3A_669 = vector.broadcast %add3A_668 : f32 to vector<512x1xf32>
    %add3A_670 = arith.addf %broadcast_in_dim3A_663, %add3A_669 : vector<512x1xf32>
    %div3A_671 = vector.broadcast %add3A_670 : vector<512x1xf32> to vector<512x128xf32>
    %div3A_672 = arith.divf %dot_general3A_667, %div3A_671 : vector<512x128xf32>
    %get3A_673 = arith.constant 0 : index
    %get3A_674 = arith.constant 0 : index
    %get3A_675 = vector.load %arg7[%get3A_673, %get3A_674] : memref<2x128xf32, #tpu.memory_space<vmem>>, vector<1x128xf32>
    %get3A_676 = vector.shape_cast %get3A_675 : vector<1x128xf32> to vector<128xf32>
    %broadcast_in_dim3A_677 = vector.shape_cast %get3A_676 : vector<128xf32> to vector<1x128xf32>
    %add3A_678 = vector.broadcast %broadcast_in_dim3A_677 : vector<1x128xf32> to vector<512x128xf32>
    %add3A_679 = arith.addf %div3A_672, %add3A_678 : vector<512x128xf32>
    %max3A_680 = arith.constant 0.000000e+00 : f32
    %max3A_681 = vector.broadcast %max3A_680 : f32 to vector<512x128xf32>
    %max3A_682 = arith.maximumf %add3A_679, %max3A_681 : vector<512x128xf32>
    %get3A_683 = arith.constant 1 : index
    %get3A_684 = arith.constant 0 : index
    %get3A_685 = arith.constant 0 : index
    %get3A_686 = vector.load %arg4[%get3A_683, %get3A_684, %get3A_685] : memref<2x128x128xf32, #tpu.memory_space<vmem>>, vector<1x128x128xf32>
    %get3A_687 = vector.shape_cast %get3A_686 : vector<1x128x128xf32> to vector<128x128xf32>
    %convert_element_type3A_688 = arith.truncf %max3A_682 : vector<512x128xf32> to vector<512x128xbf16>
    %convert_element_type3A_689 = arith.truncf %get3A_687 : vector<128x128xf32> to vector<128x128xbf16>
    %dot_general3A_690 = arith.constant dense<0.000000e+00> : vector<512x128xf32>
    %dot_general3A_691 = tpu.matmul %convert_element_type3A_688, %convert_element_type3A_689, %dot_general3A_690 {dimension_numbers = #tpu.dot_dimension_numbers<[1], [1], [0], [0], [0, 0, 1, 0], [], []>, transpose_lhs_hint = false} : vector<512x128xbf16>, vector<128x128xbf16>, vector<512x128xf32> -> vector<512x128xf32>
    %get3A_692 = arith.constant 1 : index
    %get3A_693 = arith.constant 0 : index
    %get3A_694 = vector.load %arg5[%get3A_692, %get3A_693] : memref<2x128xf32, #tpu.memory_space<vmem>>, vector<1x128xf32>
    %get3A_695 = arith.constant 1 : index
    %get3A_696 = arith.constant 0 : index
    %get3A_697 = vector.load %arg6[%get3A_695, %get3A_696] : memref<2x128xf32, #tpu.memory_space<vmem>>, vector<1x128xf32>
    %concatenate3A_698 = tpu.concatenate %get3A_694, %get3A_697 in 0 : vector<1x128xf32>, vector<1x128xf32> -> vector<2x128xf32>
    %dot_general3A_699 = arith.constant dense<0.000000e+00> : vector<2x128xf32>
    %dot_general3A_700 = tpu.matmul %concatenate3A_698, %get3A_687, %dot_general3A_699 {dimension_numbers = #tpu.dot_dimension_numbers<[1], [0], [0], [1], [0, 0, 1, 1], [], []>, transpose_lhs_hint = false} : vector<2x128xf32>, vector<128x128xf32>, vector<2x128xf32> -> vector<2x128xf32>
    %dot_general3A_701 = arith.constant dense<0.000000e+00> : vector<2x512xf32>
    %dot_general3A_702 = tpu.matmul %dot_general3A_700, %max3A_682, %dot_general3A_701 {dimension_numbers = #tpu.dot_dimension_numbers<[1], [1], [0], [0], [0, 0, 1, 0], [], []>, transpose_lhs_hint = false} : vector<2x128xf32>, vector<512x128xf32>, vector<2x512xf32> -> vector<2x512xf32>
    %dot_general3A_703 = arith.constant dense<0.000000e+00> : vector<512x2xf32>
    %dot_general3A_704 = tpu.matmul %max3A_682, %dot_general3A_700, %dot_general3A_703 {dimension_numbers = #tpu.dot_dimension_numbers<[1], [1], [0], [0], [0, 0, 1, 0], [], []>, transpose_lhs_hint = false} : vector<512x128xf32>, vector<2x128xf32>, vector<512x2xf32> -> vector<512x2xf32>
    %slice3A_705 = vector.extract_strided_slice %dot_general3A_702 {offsets = [0, 0], sizes = [1, 512], strides = [1, 1]} : vector<2x512xf32> to vector<1x512xf32>
    %slice3A_706 = vector.extract_strided_slice %dot_general3A_704 {offsets = [0, 1], sizes = [512, 1], strides = [1, 1]} : vector<512x2xf32> to vector<512x1xf32>
    %reduce_max3A_707 = vector.shape_cast %slice3A_705 : vector<1x512xf32> to vector<1x1x512xf32>
    %reduce_max3A_708 = arith.constant dense<0xFF800000> : vector<1xf32>
    %reduce_max3A_709 = vector.multi_reduction <maximumf>, %reduce_max3A_707, %reduce_max3A_708 [1, 2] : vector<1x1x512xf32> to vector<1xf32>
    %reduce_max3A_710 = vector.shape_cast %reduce_max3A_709 : vector<1xf32> to vector<1x1x1xf32>
    %reduce_max3A_711 = vector.extract %reduce_max3A_710[0, 0, 0] : f32 from vector<1x1x1xf32>
    %add3A_712 = vector.broadcast %reduce_max3A_711 : f32 to vector<512x1xf32>
    %add3A_713 = arith.addf %slice3A_706, %add3A_712 : vector<512x1xf32>
    %mul3A_714 = arith.constant 2.000000e-01 : f32
    %mul3A_715 = vector.broadcast %mul3A_714 : f32 to vector<512x1xf32>
    %mul3A_716 = arith.mulf %mul3A_715, %add3A_713 : vector<512x1xf32>
    %max3A_717 = arith.maximumf %add3A_713, %mul3A_716 : vector<512x1xf32>
    %add3A_718 = vector.broadcast %slice3A_706 : vector<512x1xf32> to vector<512x512xf32>
    %add3A_719 = vector.broadcast %slice3A_705 : vector<1x512xf32> to vector<512x512xf32>
    %add3A_720 = arith.addf %add3A_718, %add3A_719 : vector<512x512xf32>
    %mul3A_721 = arith.constant 2.000000e-01 : f32
    %mul3A_722 = vector.broadcast %mul3A_721 : f32 to vector<512x512xf32>
    %mul3A_723 = arith.mulf %mul3A_722, %add3A_720 : vector<512x512xf32>
    %max3A_724 = arith.maximumf %add3A_720, %mul3A_723 : vector<512x512xf32>
    %sub3A_725 = vector.broadcast %max3A_717 : vector<512x1xf32> to vector<512x512xf32>
    %sub3A_726 = arith.subf %max3A_724, %sub3A_725 : vector<512x512xf32>
    %exp3A_727 = math.exp %sub3A_726 : vector<512x512xf32>
    %mul3A_728 = arith.mulf %get3A_1, %exp3A_727 : vector<512x512xf32>
    %reduce_sum3A_729 = arith.constant dense<0.000000e+00> : vector<512xf32>
    %reduce_sum3A_730 = vector.multi_reduction <add>, %mul3A_728, %reduce_sum3A_729 [1] : vector<512x512xf32> to vector<512xf32>
    %broadcast_in_dim3A_731 = vector.shape_cast %reduce_sum3A_730 : vector<512xf32> to vector<512x1xf32>
    %convert_element_type3A_732 = arith.truncf %mul3A_728 : vector<512x512xf32> to vector<512x512xbf16>
    %convert_element_type3A_733 = arith.truncf %dot_general3A_691 : vector<512x128xf32> to vector<512x128xbf16>
    %dot_general3A_734 = arith.constant dense<0.000000e+00> : vector<512x128xf32>
    %dot_general3A_735 = tpu.matmul %convert_element_type3A_732, %convert_element_type3A_733, %dot_general3A_734 {dimension_numbers = #tpu.dot_dimension_numbers<[1], [0], [0], [1], [0, 0, 1, 1], [], []>, transpose_lhs_hint = false} : vector<512x512xbf16>, vector<512x128xbf16>, vector<512x128xf32> -> vector<512x128xf32>
    %add3A_736 = arith.constant 1.000000e-16 : f32
    %add3A_737 = vector.broadcast %add3A_736 : f32 to vector<512x1xf32>
    %add3A_738 = arith.addf %broadcast_in_dim3A_731, %add3A_737 : vector<512x1xf32>
    %div3A_739 = vector.broadcast %add3A_738 : vector<512x1xf32> to vector<512x128xf32>
    %div3A_740 = arith.divf %dot_general3A_735, %div3A_739 : vector<512x128xf32>
    %get3A_741 = arith.constant 1 : index
    %get3A_742 = arith.constant 0 : index
    %get3A_743 = vector.load %arg7[%get3A_741, %get3A_742] : memref<2x128xf32, #tpu.memory_space<vmem>>, vector<1x128xf32>
    %get3A_744 = vector.shape_cast %get3A_743 : vector<1x128xf32> to vector<128xf32>
    %broadcast_in_dim3A_745 = vector.shape_cast %get3A_744 : vector<128xf32> to vector<1x128xf32>
    %add3A_746 = vector.broadcast %broadcast_in_dim3A_745 : vector<1x128xf32> to vector<512x128xf32>
    %add3A_747 = arith.addf %div3A_740, %add3A_746 : vector<512x128xf32>
    %max3A_748 = arith.constant 0.000000e+00 : f32
    %max3A_749 = vector.broadcast %max3A_748 : f32 to vector<512x128xf32>
    %max3A_750 = arith.maximumf %add3A_747, %max3A_749 : vector<512x128xf32>
    %convert_element_type3A_751 = arith.truncf %max3A_750 : vector<512x128xf32> to vector<512x128xbf16>
    %swap3A_752 = arith.constant 4 : index
    %swap3A_753 = arith.constant 0 : index
    %swap3A_754 = arith.constant 0 : index
    %swap3A_755 = vector.load %arg8[%swap3A_752, %swap3A_753, %swap3A_754] : memref<16x512x128xbf16, #tpu.memory_space<vmem>>, vector<1x512x128xbf16>
    %swap3A_756 = vector.shape_cast %swap3A_755 : vector<1x512x128xbf16> to vector<512x128xbf16>
    %swap3A_757 = vector.shape_cast %convert_element_type3A_751 : vector<512x128xbf16> to vector<1x512x128xbf16>
    tpu.vector_store %arg8[%swap3A_752, %swap3A_753, %swap3A_754], %swap3A_757 {strides = array<i32>} : memref<16x512x128xbf16, #tpu.memory_space<vmem>>, vector<1x512x128xbf16>,
    %get3A_758 = arith.constant 5 : index
    %get3A_759 = arith.constant 0 : index
    %get3A_760 = arith.constant 0 : index
    %get3A_761 = vector.load %arg1[%get3A_758, %get3A_759, %get3A_760] : memref<16x448x128xf32, #tpu.memory_space<vmem>>, vector<1x448x128xf32>
    %get3A_762 = vector.shape_cast %get3A_761 : vector<1x448x128xf32> to vector<448x128xf32>
    %get3A_763 = arith.constant 5 : index
    %get3A_764 = arith.constant 0 : index
    %get3A_765 = arith.constant 0 : index
    %get3A_766 = vector.load %arg2[%get3A_763, %get3A_764, %get3A_765] : memref<16x64x128xf32, #tpu.memory_space<vmem>>, vector<1x64x128xf32>
    %get3A_767 = vector.shape_cast %get3A_766 : vector<1x64x128xf32> to vector<64x128xf32>
    %concatenate3A_768 = tpu.concatenate %get3A_762, %get3A_767 in 0 : vector<448x128xf32>, vector<64x128xf32> -> vector<512x128xf32>
    %get3A_769 = arith.constant 0 : index
    %get3A_770 = arith.constant 0 : index
    %get3A_771 = arith.constant 0 : index
    %get3A_772 = vector.load %arg4[%get3A_769, %get3A_770, %get3A_771] : memref<2x128x128xf32, #tpu.memory_space<vmem>>, vector<1x128x128xf32>
    %get3A_773 = vector.shape_cast %get3A_772 : vector<1x128x128xf32> to vector<128x128xf32>
    %convert_element_type3A_774 = arith.truncf %concatenate3A_768 : vector<512x128xf32> to vector<512x128xbf16>
    %convert_element_type3A_775 = arith.truncf %get3A_773 : vector<128x128xf32> to vector<128x128xbf16>
    %dot_general3A_776 = arith.constant dense<0.000000e+00> : vector<512x128xf32>
    %dot_general3A_777 = tpu.matmul %convert_element_type3A_774, %convert_element_type3A_775, %dot_general3A_776 {dimension_numbers = #tpu.dot_dimension_numbers<[1], [1], [0], [0], [0, 0, 1, 0], [], []>, transpose_lhs_hint = false} : vector<512x128xbf16>, vector<128x128xbf16>, vector<512x128xf32> -> vector<512x128xf32>
    %get3A_778 = arith.constant 0 : index
    %get3A_779 = arith.constant 0 : index
    %get3A_780 = vector.load %arg5[%get3A_778, %get3A_779] : memref<2x128xf32, #tpu.memory_space<vmem>>, vector<1x128xf32>
    %get3A_781 = arith.constant 0 : index
    %get3A_782 = arith.constant 0 : index
    %get3A_783 = vector.load %arg6[%get3A_781, %get3A_782] : memref<2x128xf32, #tpu.memory_space<vmem>>, vector<1x128xf32>
    %concatenate3A_784 = tpu.concatenate %get3A_780, %get3A_783 in 0 : vector<1x128xf32>, vector<1x128xf32> -> vector<2x128xf32>
    %dot_general3A_785 = arith.constant dense<0.000000e+00> : vector<2x128xf32>
    %dot_general3A_786 = tpu.matmul %concatenate3A_784, %get3A_773, %dot_general3A_785 {dimension_numbers = #tpu.dot_dimension_numbers<[1], [0], [0], [1], [0, 0, 1, 1], [], []>, transpose_lhs_hint = false} : vector<2x128xf32>, vector<128x128xf32>, vector<2x128xf32> -> vector<2x128xf32>
    %dot_general3A_787 = arith.constant dense<0.000000e+00> : vector<2x512xf32>
    %dot_general3A_788 = tpu.matmul %dot_general3A_786, %concatenate3A_768, %dot_general3A_787 {dimension_numbers = #tpu.dot_dimension_numbers<[1], [1], [0], [0], [0, 0, 1, 0], [], []>, transpose_lhs_hint = false} : vector<2x128xf32>, vector<512x128xf32>, vector<2x512xf32> -> vector<2x512xf32>
    %dot_general3A_789 = arith.constant dense<0.000000e+00> : vector<512x2xf32>
    %dot_general3A_790 = tpu.matmul %concatenate3A_768, %dot_general3A_786, %dot_general3A_789 {dimension_numbers = #tpu.dot_dimension_numbers<[1], [1], [0], [0], [0, 0, 1, 0], [], []>, transpose_lhs_hint = false} : vector<512x128xf32>, vector<2x128xf32>, vector<512x2xf32> -> vector<512x2xf32>
    %slice3A_791 = vector.extract_strided_slice %dot_general3A_788 {offsets = [0, 0], sizes = [1, 512], strides = [1, 1]} : vector<2x512xf32> to vector<1x512xf32>
    %slice3A_792 = vector.extract_strided_slice %dot_general3A_790 {offsets = [0, 1], sizes = [512, 1], strides = [1, 1]} : vector<512x2xf32> to vector<512x1xf32>
    %reduce_max3A_793 = vector.shape_cast %slice3A_791 : vector<1x512xf32> to vector<1x1x512xf32>
    %reduce_max3A_794 = arith.constant dense<0xFF800000> : vector<1xf32>
    %reduce_max3A_795 = vector.multi_reduction <maximumf>, %reduce_max3A_793, %reduce_max3A_794 [1, 2] : vector<1x1x512xf32> to vector<1xf32>
    %reduce_max3A_796 = vector.shape_cast %reduce_max3A_795 : vector<1xf32> to vector<1x1x1xf32>
    %reduce_max3A_797 = vector.extract %reduce_max3A_796[0, 0, 0] : f32 from vector<1x1x1xf32>
    %add3A_798 = vector.broadcast %reduce_max3A_797 : f32 to vector<512x1xf32>
    %add3A_799 = arith.addf %slice3A_792, %add3A_798 : vector<512x1xf32>
    %mul3A_800 = arith.constant 2.000000e-01 : f32
    %mul3A_801 = vector.broadcast %mul3A_800 : f32 to vector<512x1xf32>
    %mul3A_802 = arith.mulf %mul3A_801, %add3A_799 : vector<512x1xf32>
    %max3A_803 = arith.maximumf %add3A_799, %mul3A_802 : vector<512x1xf32>
    %add3A_804 = vector.broadcast %slice3A_792 : vector<512x1xf32> to vector<512x512xf32>
    %add3A_805 = vector.broadcast %slice3A_791 : vector<1x512xf32> to vector<512x512xf32>
    %add3A_806 = arith.addf %add3A_804, %add3A_805 : vector<512x512xf32>
    %mul3A_807 = arith.constant 2.000000e-01 : f32
    %mul3A_808 = vector.broadcast %mul3A_807 : f32 to vector<512x512xf32>
    %mul3A_809 = arith.mulf %mul3A_808, %add3A_806 : vector<512x512xf32>
    %max3A_810 = arith.maximumf %add3A_806, %mul3A_809 : vector<512x512xf32>
    %sub3A_811 = vector.broadcast %max3A_803 : vector<512x1xf32> to vector<512x512xf32>
    %sub3A_812 = arith.subf %max3A_810, %sub3A_811 : vector<512x512xf32>
    %exp3A_813 = math.exp %sub3A_812 : vector<512x512xf32>
    %mul3A_814 = arith.mulf %get3A_1, %exp3A_813 : vector<512x512xf32>
    %reduce_sum3A_815 = arith.constant dense<0.000000e+00> : vector<512xf32>
    %reduce_sum3A_816 = vector.multi_reduction <add>, %mul3A_814, %reduce_sum3A_815 [1] : vector<512x512xf32> to vector<512xf32>
    %broadcast_in_dim3A_817 = vector.shape_cast %reduce_sum3A_816 : vector<512xf32> to vector<512x1xf32>
    %convert_element_type3A_818 = arith.truncf %mul3A_814 : vector<512x512xf32> to vector<512x512xbf16>
    %convert_element_type3A_819 = arith.truncf %dot_general3A_777 : vector<512x128xf32> to vector<512x128xbf16>
    %dot_general3A_820 = arith.constant dense<0.000000e+00> : vector<512x128xf32>
    %dot_general3A_821 = tpu.matmul %convert_element_type3A_818, %convert_element_type3A_819, %dot_general3A_820 {dimension_numbers = #tpu.dot_dimension_numbers<[1], [0], [0], [1], [0, 0, 1, 1], [], []>, transpose_lhs_hint = false} : vector<512x512xbf16>, vector<512x128xbf16>, vector<512x128xf32> -> vector<512x128xf32>
    %add3A_822 = arith.constant 1.000000e-16 : f32
    %add3A_823 = vector.broadcast %add3A_822 : f32 to vector<512x1xf32>
    %add3A_824 = arith.addf %broadcast_in_dim3A_817, %add3A_823 : vector<512x1xf32>
    %div3A_825 = vector.broadcast %add3A_824 : vector<512x1xf32> to vector<512x128xf32>
    %div3A_826 = arith.divf %dot_general3A_821, %div3A_825 : vector<512x128xf32>
    %get3A_827 = arith.constant 0 : index
    %get3A_828 = arith.constant 0 : index
    %get3A_829 = vector.load %arg7[%get3A_827, %get3A_828] : memref<2x128xf32, #tpu.memory_space<vmem>>, vector<1x128xf32>
    %get3A_830 = vector.shape_cast %get3A_829 : vector<1x128xf32> to vector<128xf32>
    %broadcast_in_dim3A_831 = vector.shape_cast %get3A_830 : vector<128xf32> to vector<1x128xf32>
    %add3A_832 = vector.broadcast %broadcast_in_dim3A_831 : vector<1x128xf32> to vector<512x128xf32>
    %add3A_833 = arith.addf %div3A_826, %add3A_832 : vector<512x128xf32>
    %max3A_834 = arith.constant 0.000000e+00 : f32
    %max3A_835 = vector.broadcast %max3A_834 : f32 to vector<512x128xf32>
    %max3A_836 = arith.maximumf %add3A_833, %max3A_835 : vector<512x128xf32>
    %get3A_837 = arith.constant 1 : index
    %get3A_838 = arith.constant 0 : index
    %get3A_839 = arith.constant 0 : index
    %get3A_840 = vector.load %arg4[%get3A_837, %get3A_838, %get3A_839] : memref<2x128x128xf32, #tpu.memory_space<vmem>>, vector<1x128x128xf32>
    %get3A_841 = vector.shape_cast %get3A_840 : vector<1x128x128xf32> to vector<128x128xf32>
    %convert_element_type3A_842 = arith.truncf %max3A_836 : vector<512x128xf32> to vector<512x128xbf16>
    %convert_element_type3A_843 = arith.truncf %get3A_841 : vector<128x128xf32> to vector<128x128xbf16>
    %dot_general3A_844 = arith.constant dense<0.000000e+00> : vector<512x128xf32>
    %dot_general3A_845 = tpu.matmul %convert_element_type3A_842, %convert_element_type3A_843, %dot_general3A_844 {dimension_numbers = #tpu.dot_dimension_numbers<[1], [1], [0], [0], [0, 0, 1, 0], [], []>, transpose_lhs_hint = false} : vector<512x128xbf16>, vector<128x128xbf16>, vector<512x128xf32> -> vector<512x128xf32>
    %get3A_846 = arith.constant 1 : index
    %get3A_847 = arith.constant 0 : index
    %get3A_848 = vector.load %arg5[%get3A_846, %get3A_847] : memref<2x128xf32, #tpu.memory_space<vmem>>, vector<1x128xf32>
    %get3A_849 = arith.constant 1 : index
    %get3A_850 = arith.constant 0 : index
    %get3A_851 = vector.load %arg6[%get3A_849, %get3A_850] : memref<2x128xf32, #tpu.memory_space<vmem>>, vector<1x128xf32>
    %concatenate3A_852 = tpu.concatenate %get3A_848, %get3A_851 in 0 : vector<1x128xf32>, vector<1x128xf32> -> vector<2x128xf32>
    %dot_general3A_853 = arith.constant dense<0.000000e+00> : vector<2x128xf32>
    %dot_general3A_854 = tpu.matmul %concatenate3A_852, %get3A_841, %dot_general3A_853 {dimension_numbers = #tpu.dot_dimension_numbers<[1], [0], [0], [1], [0, 0, 1, 1], [], []>, transpose_lhs_hint = false} : vector<2x128xf32>, vector<128x128xf32>, vector<2x128xf32> -> vector<2x128xf32>
    %dot_general3A_855 = arith.constant dense<0.000000e+00> : vector<2x512xf32>
    %dot_general3A_856 = tpu.matmul %dot_general3A_854, %max3A_836, %dot_general3A_855 {dimension_numbers = #tpu.dot_dimension_numbers<[1], [1], [0], [0], [0, 0, 1, 0], [], []>, transpose_lhs_hint = false} : vector<2x128xf32>, vector<512x128xf32>, vector<2x512xf32> -> vector<2x512xf32>
    %dot_general3A_857 = arith.constant dense<0.000000e+00> : vector<512x2xf32>
    %dot_general3A_858 = tpu.matmul %max3A_836, %dot_general3A_854, %dot_general3A_857 {dimension_numbers = #tpu.dot_dimension_numbers<[1], [1], [0], [0], [0, 0, 1, 0], [], []>, transpose_lhs_hint = false} : vector<512x128xf32>, vector<2x128xf32>, vector<512x2xf32> -> vector<512x2xf32>
    %slice3A_859 = vector.extract_strided_slice %dot_general3A_856 {offsets = [0, 0], sizes = [1, 512], strides = [1, 1]} : vector<2x512xf32> to vector<1x512xf32>
    %slice3A_860 = vector.extract_strided_slice %dot_general3A_858 {offsets = [0, 1], sizes = [512, 1], strides = [1, 1]} : vector<512x2xf32> to vector<512x1xf32>
    %reduce_max3A_861 = vector.shape_cast %slice3A_859 : vector<1x512xf32> to vector<1x1x512xf32>
    %reduce_max3A_862 = arith.constant dense<0xFF800000> : vector<1xf32>
    %reduce_max3A_863 = vector.multi_reduction <maximumf>, %reduce_max3A_861, %reduce_max3A_862 [1, 2] : vector<1x1x512xf32> to vector<1xf32>
    %reduce_max3A_864 = vector.shape_cast %reduce_max3A_863 : vector<1xf32> to vector<1x1x1xf32>
    %reduce_max3A_865 = vector.extract %reduce_max3A_864[0, 0, 0] : f32 from vector<1x1x1xf32>
    %add3A_866 = vector.broadcast %reduce_max3A_865 : f32 to vector<512x1xf32>
    %add3A_867 = arith.addf %slice3A_860, %add3A_866 : vector<512x1xf32>
    %mul3A_868 = arith.constant 2.000000e-01 : f32
    %mul3A_869 = vector.broadcast %mul3A_868 : f32 to vector<512x1xf32>
    %mul3A_870 = arith.mulf %mul3A_869, %add3A_867 : vector<512x1xf32>
    %max3A_871 = arith.maximumf %add3A_867, %mul3A_870 : vector<512x1xf32>
    %add3A_872 = vector.broadcast %slice3A_860 : vector<512x1xf32> to vector<512x512xf32>
    %add3A_873 = vector.broadcast %slice3A_859 : vector<1x512xf32> to vector<512x512xf32>
    %add3A_874 = arith.addf %add3A_872, %add3A_873 : vector<512x512xf32>
    %mul3A_875 = arith.constant 2.000000e-01 : f32
    %mul3A_876 = vector.broadcast %mul3A_875 : f32 to vector<512x512xf32>
    %mul3A_877 = arith.mulf %mul3A_876, %add3A_874 : vector<512x512xf32>
    %max3A_878 = arith.maximumf %add3A_874, %mul3A_877 : vector<512x512xf32>
    %sub3A_879 = vector.broadcast %max3A_871 : vector<512x1xf32> to vector<512x512xf32>
    %sub3A_880 = arith.subf %max3A_878, %sub3A_879 : vector<512x512xf32>
    %exp3A_881 = math.exp %sub3A_880 : vector<512x512xf32>
    %mul3A_882 = arith.mulf %get3A_1, %exp3A_881 : vector<512x512xf32>
    %reduce_sum3A_883 = arith.constant dense<0.000000e+00> : vector<512xf32>
    %reduce_sum3A_884 = vector.multi_reduction <add>, %mul3A_882, %reduce_sum3A_883 [1] : vector<512x512xf32> to vector<512xf32>
    %broadcast_in_dim3A_885 = vector.shape_cast %reduce_sum3A_884 : vector<512xf32> to vector<512x1xf32>
    %convert_element_type3A_886 = arith.truncf %mul3A_882 : vector<512x512xf32> to vector<512x512xbf16>
    %convert_element_type3A_887 = arith.truncf %dot_general3A_845 : vector<512x128xf32> to vector<512x128xbf16>
    %dot_general3A_888 = arith.constant dense<0.000000e+00> : vector<512x128xf32>
    %dot_general3A_889 = tpu.matmul %convert_element_type3A_886, %convert_element_type3A_887, %dot_general3A_888 {dimension_numbers = #tpu.dot_dimension_numbers<[1], [0], [0], [1], [0, 0, 1, 1], [], []>, transpose_lhs_hint = false} : vector<512x512xbf16>, vector<512x128xbf16>, vector<512x128xf32> -> vector<512x128xf32>
    %add3A_890 = arith.constant 1.000000e-16 : f32
    %add3A_891 = vector.broadcast %add3A_890 : f32 to vector<512x1xf32>
    %add3A_892 = arith.addf %broadcast_in_dim3A_885, %add3A_891 : vector<512x1xf32>
    %div3A_893 = vector.broadcast %add3A_892 : vector<512x1xf32> to vector<512x128xf32>
    %div3A_894 = arith.divf %dot_general3A_889, %div3A_893 : vector<512x128xf32>
    %get3A_895 = arith.constant 1 : index
    %get3A_896 = arith.constant 0 : index
    %get3A_897 = vector.load %arg7[%get3A_895, %get3A_896] : memref<2x128xf32, #tpu.memory_space<vmem>>, vector<1x128xf32>
    %get3A_898 = vector.shape_cast %get3A_897 : vector<1x128xf32> to vector<128xf32>
    %broadcast_in_dim3A_899 = vector.shape_cast %get3A_898 : vector<128xf32> to vector<1x128xf32>
    %add3A_900 = vector.broadcast %broadcast_in_dim3A_899 : vector<1x128xf32> to vector<512x128xf32>
    %add3A_901 = arith.addf %div3A_894, %add3A_900 : vector<512x128xf32>
    %max3A_902 = arith.constant 0.000000e+00 : f32
    %max3A_903 = vector.broadcast %max3A_902 : f32 to vector<512x128xf32>
    %max3A_904 = arith.maximumf %add3A_901, %max3A_903 : vector<512x128xf32>
    %convert_element_type3A_905 = arith.truncf %max3A_904 : vector<512x128xf32> to vector<512x128xbf16>
    %swap3A_906 = arith.constant 5 : index
    %swap3A_907 = arith.constant 0 : index
    %swap3A_908 = arith.constant 0 : index
    %swap3A_909 = vector.load %arg8[%swap3A_906, %swap3A_907, %swap3A_908] : memref<16x512x128xbf16, #tpu.memory_space<vmem>>, vector<1x512x128xbf16>
    %swap3A_910 = vector.shape_cast %swap3A_909 : vector<1x512x128xbf16> to vector<512x128xbf16>
    %swap3A_911 = vector.shape_cast %convert_element_type3A_905 : vector<512x128xbf16> to vector<1x512x128xbf16>
    tpu.vector_store %arg8[%swap3A_906, %swap3A_907, %swap3A_908], %swap3A_911 {strides = array<i32>} : memref<16x512x128xbf16, #tpu.memory_space<vmem>>, vector<1x512x128xbf16>,
    %get3A_912 = arith.constant 6 : index
    %get3A_913 = arith.constant 0 : index
    %get3A_914 = arith.constant 0 : index
    %get3A_915 = vector.load %arg1[%get3A_912, %get3A_913, %get3A_914] : memref<16x448x128xf32, #tpu.memory_space<vmem>>, vector<1x448x128xf32>
    %get3A_916 = vector.shape_cast %get3A_915 : vector<1x448x128xf32> to vector<448x128xf32>
    %get3A_917 = arith.constant 6 : index
    %get3A_918 = arith.constant 0 : index
    %get3A_919 = arith.constant 0 : index
    %get3A_920 = vector.load %arg2[%get3A_917, %get3A_918, %get3A_919] : memref<16x64x128xf32, #tpu.memory_space<vmem>>, vector<1x64x128xf32>
    %get3A_921 = vector.shape_cast %get3A_920 : vector<1x64x128xf32> to vector<64x128xf32>
    %concatenate3A_922 = tpu.concatenate %get3A_916, %get3A_921 in 0 : vector<448x128xf32>, vector<64x128xf32> -> vector<512x128xf32>
    %get3A_923 = arith.constant 0 : index
    %get3A_924 = arith.constant 0 : index
    %get3A_925 = arith.constant 0 : index
    %get3A_926 = vector.load %arg4[%get3A_923, %get3A_924, %get3A_925] : memref<2x128x128xf32, #tpu.memory_space<vmem>>, vector<1x128x128xf32>
    %get3A_927 = vector.shape_cast %get3A_926 : vector<1x128x128xf32> to vector<128x128xf32>
    %convert_element_type3A_928 = arith.truncf %concatenate3A_922 : vector<512x128xf32> to vector<512x128xbf16>
    %convert_element_type3A_929 = arith.truncf %get3A_927 : vector<128x128xf32> to vector<128x128xbf16>
    %dot_general3A_930 = arith.constant dense<0.000000e+00> : vector<512x128xf32>
    %dot_general3A_931 = tpu.matmul %convert_element_type3A_928, %convert_element_type3A_929, %dot_general3A_930 {dimension_numbers = #tpu.dot_dimension_numbers<[1], [1], [0], [0], [0, 0, 1, 0], [], []>, transpose_lhs_hint = false} : vector<512x128xbf16>, vector<128x128xbf16>, vector<512x128xf32> -> vector<512x128xf32>
    %get3A_932 = arith.constant 0 : index
    %get3A_933 = arith.constant 0 : index
    %get3A_934 = vector.load %arg5[%get3A_932, %get3A_933] : memref<2x128xf32, #tpu.memory_space<vmem>>, vector<1x128xf32>
    %get3A_935 = arith.constant 0 : index
    %get3A_936 = arith.constant 0 : index
    %get3A_937 = vector.load %arg6[%get3A_935, %get3A_936] : memref<2x128xf32, #tpu.memory_space<vmem>>, vector<1x128xf32>
    %concatenate3A_938 = tpu.concatenate %get3A_934, %get3A_937 in 0 : vector<1x128xf32>, vector<1x128xf32> -> vector<2x128xf32>
    %dot_general3A_939 = arith.constant dense<0.000000e+00> : vector<2x128xf32>
    %dot_general3A_940 = tpu.matmul %concatenate3A_938, %get3A_927, %dot_general3A_939 {dimension_numbers = #tpu.dot_dimension_numbers<[1], [0], [0], [1], [0, 0, 1, 1], [], []>, transpose_lhs_hint = false} : vector<2x128xf32>, vector<128x128xf32>, vector<2x128xf32> -> vector<2x128xf32>
    %dot_general3A_941 = arith.constant dense<0.000000e+00> : vector<2x512xf32>
    %dot_general3A_942 = tpu.matmul %dot_general3A_940, %concatenate3A_922, %dot_general3A_941 {dimension_numbers = #tpu.dot_dimension_numbers<[1], [1], [0], [0], [0, 0, 1, 0], [], []>, transpose_lhs_hint = false} : vector<2x128xf32>, vector<512x128xf32>, vector<2x512xf32> -> vector<2x512xf32>
    %dot_general3A_943 = arith.constant dense<0.000000e+00> : vector<512x2xf32>
    %dot_general3A_944 = tpu.matmul %concatenate3A_922, %dot_general3A_940, %dot_general3A_943 {dimension_numbers = #tpu.dot_dimension_numbers<[1], [1], [0], [0], [0, 0, 1, 0], [], []>, transpose_lhs_hint = false} : vector<512x128xf32>, vector<2x128xf32>, vector<512x2xf32> -> vector<512x2xf32>
    %slice3A_945 = vector.extract_strided_slice %dot_general3A_942 {offsets = [0, 0], sizes = [1, 512], strides = [1, 1]} : vector<2x512xf32> to vector<1x512xf32>
    %slice3A_946 = vector.extract_strided_slice %dot_general3A_944 {offsets = [0, 1], sizes = [512, 1], strides = [1, 1]} : vector<512x2xf32> to vector<512x1xf32>
    %reduce_max3A_947 = vector.shape_cast %slice3A_945 : vector<1x512xf32> to vector<1x1x512xf32>
    %reduce_max3A_948 = arith.constant dense<0xFF800000> : vector<1xf32>
    %reduce_max3A_949 = vector.multi_reduction <maximumf>, %reduce_max3A_947, %reduce_max3A_948 [1, 2] : vector<1x1x512xf32> to vector<1xf32>
    %reduce_max3A_950 = vector.shape_cast %reduce_max3A_949 : vector<1xf32> to vector<1x1x1xf32>
    %reduce_max3A_951 = vector.extract %reduce_max3A_950[0, 0, 0] : f32 from vector<1x1x1xf32>
    %add3A_952 = vector.broadcast %reduce_max3A_951 : f32 to vector<512x1xf32>
    %add3A_953 = arith.addf %slice3A_946, %add3A_952 : vector<512x1xf32>
    %mul3A_954 = arith.constant 2.000000e-01 : f32
    %mul3A_955 = vector.broadcast %mul3A_954 : f32 to vector<512x1xf32>
    %mul3A_956 = arith.mulf %mul3A_955, %add3A_953 : vector<512x1xf32>
    %max3A_957 = arith.maximumf %add3A_953, %mul3A_956 : vector<512x1xf32>
    %add3A_958 = vector.broadcast %slice3A_946 : vector<512x1xf32> to vector<512x512xf32>
    %add3A_959 = vector.broadcast %slice3A_945 : vector<1x512xf32> to vector<512x512xf32>
    %add3A_960 = arith.addf %add3A_958, %add3A_959 : vector<512x512xf32>
    %mul3A_961 = arith.constant 2.000000e-01 : f32
    %mul3A_962 = vector.broadcast %mul3A_961 : f32 to vector<512x512xf32>
    %mul3A_963 = arith.mulf %mul3A_962, %add3A_960 : vector<512x512xf32>
    %max3A_964 = arith.maximumf %add3A_960, %mul3A_963 : vector<512x512xf32>
    %sub3A_965 = vector.broadcast %max3A_957 : vector<512x1xf32> to vector<512x512xf32>
    %sub3A_966 = arith.subf %max3A_964, %sub3A_965 : vector<512x512xf32>
    %exp3A_967 = math.exp %sub3A_966 : vector<512x512xf32>
    %mul3A_968 = arith.mulf %get3A_1, %exp3A_967 : vector<512x512xf32>
    %reduce_sum3A_969 = arith.constant dense<0.000000e+00> : vector<512xf32>
    %reduce_sum3A_970 = vector.multi_reduction <add>, %mul3A_968, %reduce_sum3A_969 [1] : vector<512x512xf32> to vector<512xf32>
    %broadcast_in_dim3A_971 = vector.shape_cast %reduce_sum3A_970 : vector<512xf32> to vector<512x1xf32>
    %convert_element_type3A_972 = arith.truncf %mul3A_968 : vector<512x512xf32> to vector<512x512xbf16>
    %convert_element_type3A_973 = arith.truncf %dot_general3A_931 : vector<512x128xf32> to vector<512x128xbf16>
    %dot_general3A_974 = arith.constant dense<0.000000e+00> : vector<512x128xf32>
    %dot_general3A_975 = tpu.matmul %convert_element_type3A_972, %convert_element_type3A_973, %dot_general3A_974 {dimension_numbers = #tpu.dot_dimension_numbers<[1], [0], [0], [1], [0, 0, 1, 1], [], []>, transpose_lhs_hint = false} : vector<512x512xbf16>, vector<512x128xbf16>, vector<512x128xf32> -> vector<512x128xf32>
    %add3A_976 = arith.constant 1.000000e-16 : f32
    %add3A_977 = vector.broadcast %add3A_976 : f32 to vector<512x1xf32>
    %add3A_978 = arith.addf %broadcast_in_dim3A_971, %add3A_977 : vector<512x1xf32>
    %div3A_979 = vector.broadcast %add3A_978 : vector<512x1xf32> to vector<512x128xf32>
    %div3A_980 = arith.divf %dot_general3A_975, %div3A_979 : vector<512x128xf32>
    %get3A_981 = arith.constant 0 : index
    %get3A_982 = arith.constant 0 : index
    %get3A_983 = vector.load %arg7[%get3A_981, %get3A_982] : memref<2x128xf32, #tpu.memory_space<vmem>>, vector<1x128xf32>
    %get3A_984 = vector.shape_cast %get3A_983 : vector<1x128xf32> to vector<128xf32>
    %broadcast_in_dim3A_985 = vector.shape_cast %get3A_984 : vector<128xf32> to vector<1x128xf32>
    %add3A_986 = vector.broadcast %broadcast_in_dim3A_985 : vector<1x128xf32> to vector<512x128xf32>
    %add3A_987 = arith.addf %div3A_980, %add3A_986 : vector<512x128xf32>
    %max3A_988 = arith.constant 0.000000e+00 : f32
    %max3A_989 = vector.broadcast %max3A_988 : f32 to vector<512x128xf32>
    %max3A_990 = arith.maximumf %add3A_987, %max3A_989 : vector<512x128xf32>
    %get3A_991 = arith.constant 1 : index
    %get3A_992 = arith.constant 0 : index
    %get3A_993 = arith.constant 0 : index
    %get3A_994 = vector.load %arg4[%get3A_991, %get3A_992, %get3A_993] : memref<2x128x128xf32, #tpu.memory_space<vmem>>, vector<1x128x128xf32>
    %get3A_995 = vector.shape_cast %get3A_994 : vector<1x128x128xf32> to vector<128x128xf32>
    %convert_element_type3A_996 = arith.truncf %max3A_990 : vector<512x128xf32> to vector<512x128xbf16>
    %convert_element_type3A_997 = arith.truncf %get3A_995 : vector<128x128xf32> to vector<128x128xbf16>
    %dot_general3A_998 = arith.constant dense<0.000000e+00> : vector<512x128xf32>
    %dot_general3A_999 = tpu.matmul %convert_element_type3A_996, %convert_element_type3A_997, %dot_general3A_998 {dimension_numbers = #tpu.dot_dimension_numbers<[1], [1], [0], [0], [0, 0, 1, 0], [], []>, transpose_lhs_hint = false} : vector<512x128xbf16>, vector<128x128xbf16>, vector<512x128xf32> -> vector<512x128xf32>
    %get3A_1000 = arith.constant 1 : index
    %get3A_1001 = arith.constant 0 : index
    %get3A_1002 = vector.load %arg5[%get3A_1000, %get3A_1001] : memref<2x128xf32, #tpu.memory_space<vmem>>, vector<1x128xf32>
    %get3A_1003 = arith.constant 1 : index
    %get3A_1004 = arith.constant 0 : index
    %get3A_1005 = vector.load %arg6[%get3A_1003, %get3A_1004] : memref<2x128xf32, #tpu.memory_space<vmem>>, vector<1x128xf32>
    %concatenate3A_1006 = tpu.concatenate %get3A_1002, %get3A_1005 in 0 : vector<1x128xf32>, vector<1x128xf32> -> vector<2x128xf32>
    %dot_general3A_1007 = arith.constant dense<0.000000e+00> : vector<2x128xf32>
    %dot_general3A_1008 = tpu.matmul %concatenate3A_1006, %get3A_995, %dot_general3A_1007 {dimension_numbers = #tpu.dot_dimension_numbers<[1], [0], [0], [1], [0, 0, 1, 1], [], []>, transpose_lhs_hint = false} : vector<2x128xf32>, vector<128x128xf32>, vector<2x128xf32> -> vector<2x128xf32>
    %dot_general3A_1009 = arith.constant dense<0.000000e+00> : vector<2x512xf32>
    %dot_general3A_1010 = tpu.matmul %dot_general3A_1008, %max3A_990, %dot_general3A_1009 {dimension_numbers = #tpu.dot_dimension_numbers<[1], [1], [0], [0], [0, 0, 1, 0], [], []>, transpose_lhs_hint = false} : vector<2x128xf32>, vector<512x128xf32>, vector<2x512xf32> -> vector<2x512xf32>
    %dot_general3A_1011 = arith.constant dense<0.000000e+00> : vector<512x2xf32>
    %dot_general3A_1012 = tpu.matmul %max3A_990, %dot_general3A_1008, %dot_general3A_1011 {dimension_numbers = #tpu.dot_dimension_numbers<[1], [1], [0], [0], [0, 0, 1, 0], [], []>, transpose_lhs_hint = false} : vector<512x128xf32>, vector<2x128xf32>, vector<512x2xf32> -> vector<512x2xf32>
    %slice3A_1013 = vector.extract_strided_slice %dot_general3A_1010 {offsets = [0, 0], sizes = [1, 512], strides = [1, 1]} : vector<2x512xf32> to vector<1x512xf32>
    %slice3A_1014 = vector.extract_strided_slice %dot_general3A_1012 {offsets = [0, 1], sizes = [512, 1], strides = [1, 1]} : vector<512x2xf32> to vector<512x1xf32>
    %reduce_max3A_1015 = vector.shape_cast %slice3A_1013 : vector<1x512xf32> to vector<1x1x512xf32>
    %reduce_max3A_1016 = arith.constant dense<0xFF800000> : vector<1xf32>
    %reduce_max3A_1017 = vector.multi_reduction <maximumf>, %reduce_max3A_1015, %reduce_max3A_1016 [1, 2] : vector<1x1x512xf32> to vector<1xf32>
    %reduce_max3A_1018 = vector.shape_cast %reduce_max3A_1017 : vector<1xf32> to vector<1x1x1xf32>
    %reduce_max3A_1019 = vector.extract %reduce_max3A_1018[0, 0, 0] : f32 from vector<1x1x1xf32>
    %add3A_1020 = vector.broadcast %reduce_max3A_1019 : f32 to vector<512x1xf32>
    %add3A_1021 = arith.addf %slice3A_1014, %add3A_1020 : vector<512x1xf32>
    %mul3A_1022 = arith.constant 2.000000e-01 : f32
    %mul3A_1023 = vector.broadcast %mul3A_1022 : f32 to vector<512x1xf32>
    %mul3A_1024 = arith.mulf %mul3A_1023, %add3A_1021 : vector<512x1xf32>
    %max3A_1025 = arith.maximumf %add3A_1021, %mul3A_1024 : vector<512x1xf32>
    %add3A_1026 = vector.broadcast %slice3A_1014 : vector<512x1xf32> to vector<512x512xf32>
    %add3A_1027 = vector.broadcast %slice3A_1013 : vector<1x512xf32> to vector<512x512xf32>
    %add3A_1028 = arith.addf %add3A_1026, %add3A_1027 : vector<512x512xf32>
    %mul3A_1029 = arith.constant 2.000000e-01 : f32
    %mul3A_1030 = vector.broadcast %mul3A_1029 : f32 to vector<512x512xf32>
    %mul3A_1031 = arith.mulf %mul3A_1030, %add3A_1028 : vector<512x512xf32>
    %max3A_1032 = arith.maximumf %add3A_1028, %mul3A_1031 : vector<512x512xf32>
    %sub3A_1033 = vector.broadcast %max3A_1025 : vector<512x1xf32> to vector<512x512xf32>
    %sub3A_1034 = arith.subf %max3A_1032, %sub3A_1033 : vector<512x512xf32>
    %exp3A_1035 = math.exp %sub3A_1034 : vector<512x512xf32>
    %mul3A_1036 = arith.mulf %get3A_1, %exp3A_1035 : vector<512x512xf32>
    %reduce_sum3A_1037 = arith.constant dense<0.000000e+00> : vector<512xf32>
    %reduce_sum3A_1038 = vector.multi_reduction <add>, %mul3A_1036, %reduce_sum3A_1037 [1] : vector<512x512xf32> to vector<512xf32>
    %broadcast_in_dim3A_1039 = vector.shape_cast %reduce_sum3A_1038 : vector<512xf32> to vector<512x1xf32>
    %convert_element_type3A_1040 = arith.truncf %mul3A_1036 : vector<512x512xf32> to vector<512x512xbf16>
    %convert_element_type3A_1041 = arith.truncf %dot_general3A_999 : vector<512x128xf32> to vector<512x128xbf16>
    %dot_general3A_1042 = arith.constant dense<0.000000e+00> : vector<512x128xf32>
    %dot_general3A_1043 = tpu.matmul %convert_element_type3A_1040, %convert_element_type3A_1041, %dot_general3A_1042 {dimension_numbers = #tpu.dot_dimension_numbers<[1], [0], [0], [1], [0, 0, 1, 1], [], []>, transpose_lhs_hint = false} : vector<512x512xbf16>, vector<512x128xbf16>, vector<512x128xf32> -> vector<512x128xf32>
    %add3A_1044 = arith.constant 1.000000e-16 : f32
    %add3A_1045 = vector.broadcast %add3A_1044 : f32 to vector<512x1xf32>
    %add3A_1046 = arith.addf %broadcast_in_dim3A_1039, %add3A_1045 : vector<512x1xf32>
    %div3A_1047 = vector.broadcast %add3A_1046 : vector<512x1xf32> to vector<512x128xf32>
    %div3A_1048 = arith.divf %dot_general3A_1043, %div3A_1047 : vector<512x128xf32>
    %get3A_1049 = arith.constant 1 : index
    %get3A_1050 = arith.constant 0 : index
    %get3A_1051 = vector.load %arg7[%get3A_1049, %get3A_1050] : memref<2x128xf32, #tpu.memory_space<vmem>>, vector<1x128xf32>
    %get3A_1052 = vector.shape_cast %get3A_1051 : vector<1x128xf32> to vector<128xf32>
    %broadcast_in_dim3A_1053 = vector.shape_cast %get3A_1052 : vector<128xf32> to vector<1x128xf32>
    %add3A_1054 = vector.broadcast %broadcast_in_dim3A_1053 : vector<1x128xf32> to vector<512x128xf32>
    %add3A_1055 = arith.addf %div3A_1048, %add3A_1054 : vector<512x128xf32>
    %max3A_1056 = arith.constant 0.000000e+00 : f32
    %max3A_1057 = vector.broadcast %max3A_1056 : f32 to vector<512x128xf32>
    %max3A_1058 = arith.maximumf %add3A_1055, %max3A_1057 : vector<512x128xf32>
    %convert_element_type3A_1059 = arith.truncf %max3A_1058 : vector<512x128xf32> to vector<512x128xbf16>
    %swap3A_1060 = arith.constant 6 : index
    %swap3A_1061 = arith.constant 0 : index
    %swap3A_1062 = arith.constant 0 : index
    %swap3A_1063 = vector.load %arg8[%swap3A_1060, %swap3A_1061, %swap3A_1062] : memref<16x512x128xbf16, #tpu.memory_space<vmem>>, vector<1x512x128xbf16>
    %swap3A_1064 = vector.shape_cast %swap3A_1063 : vector<1x512x128xbf16> to vector<512x128xbf16>
    %swap3A_1065 = vector.shape_cast %convert_element_type3A_1059 : vector<512x128xbf16> to vector<1x512x128xbf16>
    tpu.vector_store %arg8[%swap3A_1060, %swap3A_1061, %swap3A_1062], %swap3A_1065 {strides = array<i32>} : memref<16x512x128xbf16, #tpu.memory_space<vmem>>, vector<1x512x128xbf16>,
    %get3A_1066 = arith.constant 7 : index
    %get3A_1067 = arith.constant 0 : index
    %get3A_1068 = arith.constant 0 : index
    %get3A_1069 = vector.load %arg1[%get3A_1066, %get3A_1067, %get3A_1068] : memref<16x448x128xf32, #tpu.memory_space<vmem>>, vector<1x448x128xf32>
    %get3A_1070 = vector.shape_cast %get3A_1069 : vector<1x448x128xf32> to vector<448x128xf32>
    %get3A_1071 = arith.constant 7 : index
    %get3A_1072 = arith.constant 0 : index
    %get3A_1073 = arith.constant 0 : index
    %get3A_1074 = vector.load %arg2[%get3A_1071, %get3A_1072, %get3A_1073] : memref<16x64x128xf32, #tpu.memory_space<vmem>>, vector<1x64x128xf32>
    %get3A_1075 = vector.shape_cast %get3A_1074 : vector<1x64x128xf32> to vector<64x128xf32>
    %concatenate3A_1076 = tpu.concatenate %get3A_1070, %get3A_1075 in 0 : vector<448x128xf32>, vector<64x128xf32> -> vector<512x128xf32>
    %get3A_1077 = arith.constant 0 : index
    %get3A_1078 = arith.constant 0 : index
    %get3A_1079 = arith.constant 0 : index
    %get3A_1080 = vector.load %arg4[%get3A_1077, %get3A_1078, %get3A_1079] : memref<2x128x128xf32, #tpu.memory_space<vmem>>, vector<1x128x128xf32>
    %get3A_1081 = vector.shape_cast %get3A_1080 : vector<1x128x128xf32> to vector<128x128xf32>
    %convert_element_type3A_1082 = arith.truncf %concatenate3A_1076 : vector<512x128xf32> to vector<512x128xbf16>
    %convert_element_type3A_1083 = arith.truncf %get3A_1081 : vector<128x128xf32> to vector<128x128xbf16>
    %dot_general3A_1084 = arith.constant dense<0.000000e+00> : vector<512x128xf32>
    %dot_general3A_1085 = tpu.matmul %convert_element_type3A_1082, %convert_element_type3A_1083, %dot_general3A_1084 {dimension_numbers = #tpu.dot_dimension_numbers<[1], [1], [0], [0], [0, 0, 1, 0], [], []>, transpose_lhs_hint = false} : vector<512x128xbf16>, vector<128x128xbf16>, vector<512x128xf32> -> vector<512x128xf32>
    %get3A_1086 = arith.constant 0 : index
    %get3A_1087 = arith.constant 0 : index
    %get3A_1088 = vector.load %arg5[%get3A_1086, %get3A_1087] : memref<2x128xf32, #tpu.memory_space<vmem>>, vector<1x128xf32>
    %get3A_1089 = arith.constant 0 : index
    %get3A_1090 = arith.constant 0 : index
    %get3A_1091 = vector.load %arg6[%get3A_1089, %get3A_1090] : memref<2x128xf32, #tpu.memory_space<vmem>>, vector<1x128xf32>
    %concatenate3A_1092 = tpu.concatenate %get3A_1088, %get3A_1091 in 0 : vector<1x128xf32>, vector<1x128xf32> -> vector<2x128xf32>
    %dot_general3A_1093 = arith.constant dense<0.000000e+00> : vector<2x128xf32>
    %dot_general3A_1094 = tpu.matmul %concatenate3A_1092, %get3A_1081, %dot_general3A_1093 {dimension_numbers = #tpu.dot_dimension_numbers<[1], [0], [0], [1], [0, 0, 1, 1], [], []>, transpose_lhs_hint = false} : vector<2x128xf32>, vector<128x128xf32>, vector<2x128xf32> -> vector<2x128xf32>
    %dot_general3A_1095 = arith.constant dense<0.000000e+00> : vector<2x512xf32>
    %dot_general3A_1096 = tpu.matmul %dot_general3A_1094, %concatenate3A_1076, %dot_general3A_1095 {dimension_numbers = #tpu.dot_dimension_numbers<[1], [1], [0], [0], [0, 0, 1, 0], [], []>, transpose_lhs_hint = false} : vector<2x128xf32>, vector<512x128xf32>, vector<2x512xf32> -> vector<2x512xf32>
    %dot_general3A_1097 = arith.constant dense<0.000000e+00> : vector<512x2xf32>
    %dot_general3A_1098 = tpu.matmul %concatenate3A_1076, %dot_general3A_1094, %dot_general3A_1097 {dimension_numbers = #tpu.dot_dimension_numbers<[1], [1], [0], [0], [0, 0, 1, 0], [], []>, transpose_lhs_hint = false} : vector<512x128xf32>, vector<2x128xf32>, vector<512x2xf32> -> vector<512x2xf32>
    %slice3A_1099 = vector.extract_strided_slice %dot_general3A_1096 {offsets = [0, 0], sizes = [1, 512], strides = [1, 1]} : vector<2x512xf32> to vector<1x512xf32>
    %slice3A_1100 = vector.extract_strided_slice %dot_general3A_1098 {offsets = [0, 1], sizes = [512, 1], strides = [1, 1]} : vector<512x2xf32> to vector<512x1xf32>
    %reduce_max3A_1101 = vector.shape_cast %slice3A_1099 : vector<1x512xf32> to vector<1x1x512xf32>
    %reduce_max3A_1102 = arith.constant dense<0xFF800000> : vector<1xf32>
    %reduce_max3A_1103 = vector.multi_reduction <maximumf>, %reduce_max3A_1101, %reduce_max3A_1102 [1, 2] : vector<1x1x512xf32> to vector<1xf32>
    %reduce_max3A_1104 = vector.shape_cast %reduce_max3A_1103 : vector<1xf32> to vector<1x1x1xf32>
    %reduce_max3A_1105 = vector.extract %reduce_max3A_1104[0, 0, 0] : f32 from vector<1x1x1xf32>
    %add3A_1106 = vector.broadcast %reduce_max3A_1105 : f32 to vector<512x1xf32>
    %add3A_1107 = arith.addf %slice3A_1100, %add3A_1106 : vector<512x1xf32>
    %mul3A_1108 = arith.constant 2.000000e-01 : f32
    %mul3A_1109 = vector.broadcast %mul3A_1108 : f32 to vector<512x1xf32>
    %mul3A_1110 = arith.mulf %mul3A_1109, %add3A_1107 : vector<512x1xf32>
    %max3A_1111 = arith.maximumf %add3A_1107, %mul3A_1110 : vector<512x1xf32>
    %add3A_1112 = vector.broadcast %slice3A_1100 : vector<512x1xf32> to vector<512x512xf32>
    %add3A_1113 = vector.broadcast %slice3A_1099 : vector<1x512xf32> to vector<512x512xf32>
    %add3A_1114 = arith.addf %add3A_1112, %add3A_1113 : vector<512x512xf32>
    %mul3A_1115 = arith.constant 2.000000e-01 : f32
    %mul3A_1116 = vector.broadcast %mul3A_1115 : f32 to vector<512x512xf32>
    %mul3A_1117 = arith.mulf %mul3A_1116, %add3A_1114 : vector<512x512xf32>
    %max3A_1118 = arith.maximumf %add3A_1114, %mul3A_1117 : vector<512x512xf32>
    %sub3A_1119 = vector.broadcast %max3A_1111 : vector<512x1xf32> to vector<512x512xf32>
    %sub3A_1120 = arith.subf %max3A_1118, %sub3A_1119 : vector<512x512xf32>
    %exp3A_1121 = math.exp %sub3A_1120 : vector<512x512xf32>
    %mul3A_1122 = arith.mulf %get3A_1, %exp3A_1121 : vector<512x512xf32>
    %reduce_sum3A_1123 = arith.constant dense<0.000000e+00> : vector<512xf32>
    %reduce_sum3A_1124 = vector.multi_reduction <add>, %mul3A_1122, %reduce_sum3A_1123 [1] : vector<512x512xf32> to vector<512xf32>
    %broadcast_in_dim3A_1125 = vector.shape_cast %reduce_sum3A_1124 : vector<512xf32> to vector<512x1xf32>
    %convert_element_type3A_1126 = arith.truncf %mul3A_1122 : vector<512x512xf32> to vector<512x512xbf16>
    %convert_element_type3A_1127 = arith.truncf %dot_general3A_1085 : vector<512x128xf32> to vector<512x128xbf16>
    %dot_general3A_1128 = arith.constant dense<0.000000e+00> : vector<512x128xf32>
    %dot_general3A_1129 = tpu.matmul %convert_element_type3A_1126, %convert_element_type3A_1127, %dot_general3A_1128 {dimension_numbers = #tpu.dot_dimension_numbers<[1], [0], [0], [1], [0, 0, 1, 1], [], []>, transpose_lhs_hint = false} : vector<512x512xbf16>, vector<512x128xbf16>, vector<512x128xf32> -> vector<512x128xf32>
    %add3A_1130 = arith.constant 1.000000e-16 : f32
    %add3A_1131 = vector.broadcast %add3A_1130 : f32 to vector<512x1xf32>
    %add3A_1132 = arith.addf %broadcast_in_dim3A_1125, %add3A_1131 : vector<512x1xf32>
    %div3A_1133 = vector.broadcast %add3A_1132 : vector<512x1xf32> to vector<512x128xf32>
    %div3A_1134 = arith.divf %dot_general3A_1129, %div3A_1133 : vector<512x128xf32>
    %get3A_1135 = arith.constant 0 : index
    %get3A_1136 = arith.constant 0 : index
    %get3A_1137 = vector.load %arg7[%get3A_1135, %get3A_1136] : memref<2x128xf32, #tpu.memory_space<vmem>>, vector<1x128xf32>
    %get3A_1138 = vector.shape_cast %get3A_1137 : vector<1x128xf32> to vector<128xf32>
    %broadcast_in_dim3A_1139 = vector.shape_cast %get3A_1138 : vector<128xf32> to vector<1x128xf32>
    %add3A_1140 = vector.broadcast %broadcast_in_dim3A_1139 : vector<1x128xf32> to vector<512x128xf32>
    %add3A_1141 = arith.addf %div3A_1134, %add3A_1140 : vector<512x128xf32>
    %max3A_1142 = arith.constant 0.000000e+00 : f32
    %max3A_1143 = vector.broadcast %max3A_1142 : f32 to vector<512x128xf32>
    %max3A_1144 = arith.maximumf %add3A_1141, %max3A_1143 : vector<512x128xf32>
    %get3A_1145 = arith.constant 1 : index
    %get3A_1146 = arith.constant 0 : index
    %get3A_1147 = arith.constant 0 : index
    %get3A_1148 = vector.load %arg4[%get3A_1145, %get3A_1146, %get3A_1147] : memref<2x128x128xf32, #tpu.memory_space<vmem>>, vector<1x128x128xf32>
    %get3A_1149 = vector.shape_cast %get3A_1148 : vector<1x128x128xf32> to vector<128x128xf32>
    %convert_element_type3A_1150 = arith.truncf %max3A_1144 : vector<512x128xf32> to vector<512x128xbf16>
    %convert_element_type3A_1151 = arith.truncf %get3A_1149 : vector<128x128xf32> to vector<128x128xbf16>
    %dot_general3A_1152 = arith.constant dense<0.000000e+00> : vector<512x128xf32>
    %dot_general3A_1153 = tpu.matmul %convert_element_type3A_1150, %convert_element_type3A_1151, %dot_general3A_1152 {dimension_numbers = #tpu.dot_dimension_numbers<[1], [1], [0], [0], [0, 0, 1, 0], [], []>, transpose_lhs_hint = false} : vector<512x128xbf16>, vector<128x128xbf16>, vector<512x128xf32> -> vector<512x128xf32>
    %get3A_1154 = arith.constant 1 : index
    %get3A_1155 = arith.constant 0 : index
    %get3A_1156 = vector.load %arg5[%get3A_1154, %get3A_1155] : memref<2x128xf32, #tpu.memory_space<vmem>>, vector<1x128xf32>
    %get3A_1157 = arith.constant 1 : index
    %get3A_1158 = arith.constant 0 : index
    %get3A_1159 = vector.load %arg6[%get3A_1157, %get3A_1158] : memref<2x128xf32, #tpu.memory_space<vmem>>, vector<1x128xf32>
    %concatenate3A_1160 = tpu.concatenate %get3A_1156, %get3A_1159 in 0 : vector<1x128xf32>, vector<1x128xf32> -> vector<2x128xf32>
    %dot_general3A_1161 = arith.constant dense<0.000000e+00> : vector<2x128xf32>
    %dot_general3A_1162 = tpu.matmul %concatenate3A_1160, %get3A_1149, %dot_general3A_1161 {dimension_numbers = #tpu.dot_dimension_numbers<[1], [0], [0], [1], [0, 0, 1, 1], [], []>, transpose_lhs_hint = false} : vector<2x128xf32>, vector<128x128xf32>, vector<2x128xf32> -> vector<2x128xf32>
    %dot_general3A_1163 = arith.constant dense<0.000000e+00> : vector<2x512xf32>
    %dot_general3A_1164 = tpu.matmul %dot_general3A_1162, %max3A_1144, %dot_general3A_1163 {dimension_numbers = #tpu.dot_dimension_numbers<[1], [1], [0], [0], [0, 0, 1, 0], [], []>, transpose_lhs_hint = false} : vector<2x128xf32>, vector<512x128xf32>, vector<2x512xf32> -> vector<2x512xf32>
    %dot_general3A_1165 = arith.constant dense<0.000000e+00> : vector<512x2xf32>
    %dot_general3A_1166 = tpu.matmul %max3A_1144, %dot_general3A_1162, %dot_general3A_1165 {dimension_numbers = #tpu.dot_dimension_numbers<[1], [1], [0], [0], [0, 0, 1, 0], [], []>, transpose_lhs_hint = false} : vector<512x128xf32>, vector<2x128xf32>, vector<512x2xf32> -> vector<512x2xf32>
    %slice3A_1167 = vector.extract_strided_slice %dot_general3A_1164 {offsets = [0, 0], sizes = [1, 512], strides = [1, 1]} : vector<2x512xf32> to vector<1x512xf32>
    %slice3A_1168 = vector.extract_strided_slice %dot_general3A_1166 {offsets = [0, 1], sizes = [512, 1], strides = [1, 1]} : vector<512x2xf32> to vector<512x1xf32>
    %reduce_max3A_1169 = vector.shape_cast %slice3A_1167 : vector<1x512xf32> to vector<1x1x512xf32>
    %reduce_max3A_1170 = arith.constant dense<0xFF800000> : vector<1xf32>
    %reduce_max3A_1171 = vector.multi_reduction <maximumf>, %reduce_max3A_1169, %reduce_max3A_1170 [1, 2] : vector<1x1x512xf32> to vector<1xf32>
    %reduce_max3A_1172 = vector.shape_cast %reduce_max3A_1171 : vector<1xf32> to vector<1x1x1xf32>
    %reduce_max3A_1173 = vector.extract %reduce_max3A_1172[0, 0, 0] : f32 from vector<1x1x1xf32>
    %add3A_1174 = vector.broadcast %reduce_max3A_1173 : f32 to vector<512x1xf32>
    %add3A_1175 = arith.addf %slice3A_1168, %add3A_1174 : vector<512x1xf32>
    %mul3A_1176 = arith.constant 2.000000e-01 : f32
    %mul3A_1177 = vector.broadcast %mul3A_1176 : f32 to vector<512x1xf32>
    %mul3A_1178 = arith.mulf %mul3A_1177, %add3A_1175 : vector<512x1xf32>
    %max3A_1179 = arith.maximumf %add3A_1175, %mul3A_1178 : vector<512x1xf32>
    %add3A_1180 = vector.broadcast %slice3A_1168 : vector<512x1xf32> to vector<512x512xf32>
    %add3A_1181 = vector.broadcast %slice3A_1167 : vector<1x512xf32> to vector<512x512xf32>
    %add3A_1182 = arith.addf %add3A_1180, %add3A_1181 : vector<512x512xf32>
    %mul3A_1183 = arith.constant 2.000000e-01 : f32
    %mul3A_1184 = vector.broadcast %mul3A_1183 : f32 to vector<512x512xf32>
    %mul3A_1185 = arith.mulf %mul3A_1184, %add3A_1182 : vector<512x512xf32>
    %max3A_1186 = arith.maximumf %add3A_1182, %mul3A_1185 : vector<512x512xf32>
    %sub3A_1187 = vector.broadcast %max3A_1179 : vector<512x1xf32> to vector<512x512xf32>
    %sub3A_1188 = arith.subf %max3A_1186, %sub3A_1187 : vector<512x512xf32>
    %exp3A_1189 = math.exp %sub3A_1188 : vector<512x512xf32>
    %mul3A_1190 = arith.mulf %get3A_1, %exp3A_1189 : vector<512x512xf32>
    %reduce_sum3A_1191 = arith.constant dense<0.000000e+00> : vector<512xf32>
    %reduce_sum3A_1192 = vector.multi_reduction <add>, %mul3A_1190, %reduce_sum3A_1191 [1] : vector<512x512xf32> to vector<512xf32>
    %broadcast_in_dim3A_1193 = vector.shape_cast %reduce_sum3A_1192 : vector<512xf32> to vector<512x1xf32>
    %convert_element_type3A_1194 = arith.truncf %mul3A_1190 : vector<512x512xf32> to vector<512x512xbf16>
    %convert_element_type3A_1195 = arith.truncf %dot_general3A_1153 : vector<512x128xf32> to vector<512x128xbf16>
    %dot_general3A_1196 = arith.constant dense<0.000000e+00> : vector<512x128xf32>
    %dot_general3A_1197 = tpu.matmul %convert_element_type3A_1194, %convert_element_type3A_1195, %dot_general3A_1196 {dimension_numbers = #tpu.dot_dimension_numbers<[1], [0], [0], [1], [0, 0, 1, 1], [], []>, transpose_lhs_hint = false} : vector<512x512xbf16>, vector<512x128xbf16>, vector<512x128xf32> -> vector<512x128xf32>
    %add3A_1198 = arith.constant 1.000000e-16 : f32
    %add3A_1199 = vector.broadcast %add3A_1198 : f32 to vector<512x1xf32>
    %add3A_1200 = arith.addf %broadcast_in_dim3A_1193, %add3A_1199 : vector<512x1xf32>
    %div3A_1201 = vector.broadcast %add3A_1200 : vector<512x1xf32> to vector<512x128xf32>
    %div3A_1202 = arith.divf %dot_general3A_1197, %div3A_1201 : vector<512x128xf32>
    %get3A_1203 = arith.constant 1 : index
    %get3A_1204 = arith.constant 0 : index
    %get3A_1205 = vector.load %arg7[%get3A_1203, %get3A_1204] : memref<2x128xf32, #tpu.memory_space<vmem>>, vector<1x128xf32>
    %get3A_1206 = vector.shape_cast %get3A_1205 : vector<1x128xf32> to vector<128xf32>
    %broadcast_in_dim3A_1207 = vector.shape_cast %get3A_1206 : vector<128xf32> to vector<1x128xf32>
    %add3A_1208 = vector.broadcast %broadcast_in_dim3A_1207 : vector<1x128xf32> to vector<512x128xf32>
    %add3A_1209 = arith.addf %div3A_1202, %add3A_1208 : vector<512x128xf32>
    %max3A_1210 = arith.constant 0.000000e+00 : f32
    %max3A_1211 = vector.broadcast %max3A_1210 : f32 to vector<512x128xf32>
    %max3A_1212 = arith.maximumf %add3A_1209, %max3A_1211 : vector<512x128xf32>
    %convert_element_type3A_1213 = arith.truncf %max3A_1212 : vector<512x128xf32> to vector<512x128xbf16>
    %swap3A_1214 = arith.constant 7 : index
    %swap3A_1215 = arith.constant 0 : index
    %swap3A_1216 = arith.constant 0 : index
    %swap3A_1217 = vector.load %arg8[%swap3A_1214, %swap3A_1215, %swap3A_1216] : memref<16x512x128xbf16, #tpu.memory_space<vmem>>, vector<1x512x128xbf16>
    %swap3A_1218 = vector.shape_cast %swap3A_1217 : vector<1x512x128xbf16> to vector<512x128xbf16>
    %swap3A_1219 = vector.shape_cast %convert_element_type3A_1213 : vector<512x128xbf16> to vector<1x512x128xbf16>
    tpu.vector_store %arg8[%swap3A_1214, %swap3A_1215, %swap3A_1216], %swap3A_1219 {strides = array<i32>} : memref<16x512x128xbf16, #tpu.memory_space<vmem>>, vector<1x512x128xbf16>,
    %get3A_1220 = arith.constant 8 : index
    %get3A_1221 = arith.constant 0 : index
    %get3A_1222 = arith.constant 0 : index
    %get3A_1223 = vector.load %arg1[%get3A_1220, %get3A_1221, %get3A_1222] : memref<16x448x128xf32, #tpu.memory_space<vmem>>, vector<1x448x128xf32>
    %get3A_1224 = vector.shape_cast %get3A_1223 : vector<1x448x128xf32> to vector<448x128xf32>
    %get3A_1225 = arith.constant 8 : index
    %get3A_1226 = arith.constant 0 : index
    %get3A_1227 = arith.constant 0 : index
    %get3A_1228 = vector.load %arg2[%get3A_1225, %get3A_1226, %get3A_1227] : memref<16x64x128xf32, #tpu.memory_space<vmem>>, vector<1x64x128xf32>
    %get3A_1229 = vector.shape_cast %get3A_1228 : vector<1x64x128xf32> to vector<64x128xf32>
    %concatenate3A_1230 = tpu.concatenate %get3A_1224, %get3A_1229 in 0 : vector<448x128xf32>, vector<64x128xf32> -> vector<512x128xf32>
    %get3A_1231 = arith.constant 0 : index
    %get3A_1232 = arith.constant 0 : index
    %get3A_1233 = arith.constant 0 : index
    %get3A_1234 = vector.load %arg4[%get3A_1231, %get3A_1232, %get3A_1233] : memref<2x128x128xf32, #tpu.memory_space<vmem>>, vector<1x128x128xf32>
    %get3A_1235 = vector.shape_cast %get3A_1234 : vector<1x128x128xf32> to vector<128x128xf32>
    %convert_element_type3A_1236 = arith.truncf %concatenate3A_1230 : vector<512x128xf32> to vector<512x128xbf16>
    %convert_element_type3A_1237 = arith.truncf %get3A_1235 : vector<128x128xf32> to vector<128x128xbf16>
    %dot_general3A_1238 = arith.constant dense<0.000000e+00> : vector<512x128xf32>
    %dot_general3A_1239 = tpu.matmul %convert_element_type3A_1236, %convert_element_type3A_1237, %dot_general3A_1238 {dimension_numbers = #tpu.dot_dimension_numbers<[1], [1], [0], [0], [0, 0, 1, 0], [], []>, transpose_lhs_hint = false} : vector<512x128xbf16>, vector<128x128xbf16>, vector<512x128xf32> -> vector<512x128xf32>
    %get3A_1240 = arith.constant 0 : index
    %get3A_1241 = arith.constant 0 : index
    %get3A_1242 = vector.load %arg5[%get3A_1240, %get3A_1241] : memref<2x128xf32, #tpu.memory_space<vmem>>, vector<1x128xf32>
    %get3A_1243 = arith.constant 0 : index
    %get3A_1244 = arith.constant 0 : index
    %get3A_1245 = vector.load %arg6[%get3A_1243, %get3A_1244] : memref<2x128xf32, #tpu.memory_space<vmem>>, vector<1x128xf32>
    %concatenate3A_1246 = tpu.concatenate %get3A_1242, %get3A_1245 in 0 : vector<1x128xf32>, vector<1x128xf32> -> vector<2x128xf32>
    %dot_general3A_1247 = arith.constant dense<0.000000e+00> : vector<2x128xf32>
    %dot_general3A_1248 = tpu.matmul %concatenate3A_1246, %get3A_1235, %dot_general3A_1247 {dimension_numbers = #tpu.dot_dimension_numbers<[1], [0], [0], [1], [0, 0, 1, 1], [], []>, transpose_lhs_hint = false} : vector<2x128xf32>, vector<128x128xf32>, vector<2x128xf32> -> vector<2x128xf32>
    %dot_general3A_1249 = arith.constant dense<0.000000e+00> : vector<2x512xf32>
    %dot_general3A_1250 = tpu.matmul %dot_general3A_1248, %concatenate3A_1230, %dot_general3A_1249 {dimension_numbers = #tpu.dot_dimension_numbers<[1], [1], [0], [0], [0, 0, 1, 0], [], []>, transpose_lhs_hint = false} : vector<2x128xf32>, vector<512x128xf32>, vector<2x512xf32> -> vector<2x512xf32>
    %dot_general3A_1251 = arith.constant dense<0.000000e+00> : vector<512x2xf32>
    %dot_general3A_1252 = tpu.matmul %concatenate3A_1230, %dot_general3A_1248, %dot_general3A_1251 {dimension_numbers = #tpu.dot_dimension_numbers<[1], [1], [0], [0], [0, 0, 1, 0], [], []>, transpose_lhs_hint = false} : vector<512x128xf32>, vector<2x128xf32>, vector<512x2xf32> -> vector<512x2xf32>
    %slice3A_1253 = vector.extract_strided_slice %dot_general3A_1250 {offsets = [0, 0], sizes = [1, 512], strides = [1, 1]} : vector<2x512xf32> to vector<1x512xf32>
    %slice3A_1254 = vector.extract_strided_slice %dot_general3A_1252 {offsets = [0, 1], sizes = [512, 1], strides = [1, 1]} : vector<512x2xf32> to vector<512x1xf32>
    %reduce_max3A_1255 = vector.shape_cast %slice3A_1253 : vector<1x512xf32> to vector<1x1x512xf32>
    %reduce_max3A_1256 = arith.constant dense<0xFF800000> : vector<1xf32>
    %reduce_max3A_1257 = vector.multi_reduction <maximumf>, %reduce_max3A_1255, %reduce_max3A_1256 [1, 2] : vector<1x1x512xf32> to vector<1xf32>
    %reduce_max3A_1258 = vector.shape_cast %reduce_max3A_1257 : vector<1xf32> to vector<1x1x1xf32>
    %reduce_max3A_1259 = vector.extract %reduce_max3A_1258[0, 0, 0] : f32 from vector<1x1x1xf32>
    %add3A_1260 = vector.broadcast %reduce_max3A_1259 : f32 to vector<512x1xf32>
    %add3A_1261 = arith.addf %slice3A_1254, %add3A_1260 : vector<512x1xf32>
    %mul3A_1262 = arith.constant 2.000000e-01 : f32
    %mul3A_1263 = vector.broadcast %mul3A_1262 : f32 to vector<512x1xf32>
    %mul3A_1264 = arith.mulf %mul3A_1263, %add3A_1261 : vector<512x1xf32>
    %max3A_1265 = arith.maximumf %add3A_1261, %mul3A_1264 : vector<512x1xf32>
    %add3A_1266 = vector.broadcast %slice3A_1254 : vector<512x1xf32> to vector<512x512xf32>
    %add3A_1267 = vector.broadcast %slice3A_1253 : vector<1x512xf32> to vector<512x512xf32>
    %add3A_1268 = arith.addf %add3A_1266, %add3A_1267 : vector<512x512xf32>
    %mul3A_1269 = arith.constant 2.000000e-01 : f32
    %mul3A_1270 = vector.broadcast %mul3A_1269 : f32 to vector<512x512xf32>
    %mul3A_1271 = arith.mulf %mul3A_1270, %add3A_1268 : vector<512x512xf32>
    %max3A_1272 = arith.maximumf %add3A_1268, %mul3A_1271 : vector<512x512xf32>
    %sub3A_1273 = vector.broadcast %max3A_1265 : vector<512x1xf32> to vector<512x512xf32>
    %sub3A_1274 = arith.subf %max3A_1272, %sub3A_1273 : vector<512x512xf32>
    %exp3A_1275 = math.exp %sub3A_1274 : vector<512x512xf32>
    %mul3A_1276 = arith.mulf %get3A_1, %exp3A_1275 : vector<512x512xf32>
    %reduce_sum3A_1277 = arith.constant dense<0.000000e+00> : vector<512xf32>
    %reduce_sum3A_1278 = vector.multi_reduction <add>, %mul3A_1276, %reduce_sum3A_1277 [1] : vector<512x512xf32> to vector<512xf32>
    %broadcast_in_dim3A_1279 = vector.shape_cast %reduce_sum3A_1278 : vector<512xf32> to vector<512x1xf32>
    %convert_element_type3A_1280 = arith.truncf %mul3A_1276 : vector<512x512xf32> to vector<512x512xbf16>
    %convert_element_type3A_1281 = arith.truncf %dot_general3A_1239 : vector<512x128xf32> to vector<512x128xbf16>
    %dot_general3A_1282 = arith.constant dense<0.000000e+00> : vector<512x128xf32>
    %dot_general3A_1283 = tpu.matmul %convert_element_type3A_1280, %convert_element_type3A_1281, %dot_general3A_1282 {dimension_numbers = #tpu.dot_dimension_numbers<[1], [0], [0], [1], [0, 0, 1, 1], [], []>, transpose_lhs_hint = false} : vector<512x512xbf16>, vector<512x128xbf16>, vector<512x128xf32> -> vector<512x128xf32>
    %add3A_1284 = arith.constant 1.000000e-16 : f32
    %add3A_1285 = vector.broadcast %add3A_1284 : f32 to vector<512x1xf32>
    %add3A_1286 = arith.addf %broadcast_in_dim3A_1279, %add3A_1285 : vector<512x1xf32>
    %div3A_1287 = vector.broadcast %add3A_1286 : vector<512x1xf32> to vector<512x128xf32>
    %div3A_1288 = arith.divf %dot_general3A_1283, %div3A_1287 : vector<512x128xf32>
    %get3A_1289 = arith.constant 0 : index
    %get3A_1290 = arith.constant 0 : index
    %get3A_1291 = vector.load %arg7[%get3A_1289, %get3A_1290] : memref<2x128xf32, #tpu.memory_space<vmem>>, vector<1x128xf32>
    %get3A_1292 = vector.shape_cast %get3A_1291 : vector<1x128xf32> to vector<128xf32>
    %broadcast_in_dim3A_1293 = vector.shape_cast %get3A_1292 : vector<128xf32> to vector<1x128xf32>
    %add3A_1294 = vector.broadcast %broadcast_in_dim3A_1293 : vector<1x128xf32> to vector<512x128xf32>
    %add3A_1295 = arith.addf %div3A_1288, %add3A_1294 : vector<512x128xf32>
    %max3A_1296 = arith.constant 0.000000e+00 : f32
    %max3A_1297 = vector.broadcast %max3A_1296 : f32 to vector<512x128xf32>
    %max3A_1298 = arith.maximumf %add3A_1295, %max3A_1297 : vector<512x128xf32>
    %get3A_1299 = arith.constant 1 : index
    %get3A_1300 = arith.constant 0 : index
    %get3A_1301 = arith.constant 0 : index
    %get3A_1302 = vector.load %arg4[%get3A_1299, %get3A_1300, %get3A_1301] : memref<2x128x128xf32, #tpu.memory_space<vmem>>, vector<1x128x128xf32>
    %get3A_1303 = vector.shape_cast %get3A_1302 : vector<1x128x128xf32> to vector<128x128xf32>
    %convert_element_type3A_1304 = arith.truncf %max3A_1298 : vector<512x128xf32> to vector<512x128xbf16>
    %convert_element_type3A_1305 = arith.truncf %get3A_1303 : vector<128x128xf32> to vector<128x128xbf16>
    %dot_general3A_1306 = arith.constant dense<0.000000e+00> : vector<512x128xf32>
    %dot_general3A_1307 = tpu.matmul %convert_element_type3A_1304, %convert_element_type3A_1305, %dot_general3A_1306 {dimension_numbers = #tpu.dot_dimension_numbers<[1], [1], [0], [0], [0, 0, 1, 0], [], []>, transpose_lhs_hint = false} : vector<512x128xbf16>, vector<128x128xbf16>, vector<512x128xf32> -> vector<512x128xf32>
    %get3A_1308 = arith.constant 1 : index
    %get3A_1309 = arith.constant 0 : index
    %get3A_1310 = vector.load %arg5[%get3A_1308, %get3A_1309] : memref<2x128xf32, #tpu.memory_space<vmem>>, vector<1x128xf32>
    %get3A_1311 = arith.constant 1 : index
    %get3A_1312 = arith.constant 0 : index
    %get3A_1313 = vector.load %arg6[%get3A_1311, %get3A_1312] : memref<2x128xf32, #tpu.memory_space<vmem>>, vector<1x128xf32>
    %concatenate3A_1314 = tpu.concatenate %get3A_1310, %get3A_1313 in 0 : vector<1x128xf32>, vector<1x128xf32> -> vector<2x128xf32>
    %dot_general3A_1315 = arith.constant dense<0.000000e+00> : vector<2x128xf32>
    %dot_general3A_1316 = tpu.matmul %concatenate3A_1314, %get3A_1303, %dot_general3A_1315 {dimension_numbers = #tpu.dot_dimension_numbers<[1], [0], [0], [1], [0, 0, 1, 1], [], []>, transpose_lhs_hint = false} : vector<2x128xf32>, vector<128x128xf32>, vector<2x128xf32> -> vector<2x128xf32>
    %dot_general3A_1317 = arith.constant dense<0.000000e+00> : vector<2x512xf32>
    %dot_general3A_1318 = tpu.matmul %dot_general3A_1316, %max3A_1298, %dot_general3A_1317 {dimension_numbers = #tpu.dot_dimension_numbers<[1], [1], [0], [0], [0, 0, 1, 0], [], []>, transpose_lhs_hint = false} : vector<2x128xf32>, vector<512x128xf32>, vector<2x512xf32> -> vector<2x512xf32>
    %dot_general3A_1319 = arith.constant dense<0.000000e+00> : vector<512x2xf32>
    %dot_general3A_1320 = tpu.matmul %max3A_1298, %dot_general3A_1316, %dot_general3A_1319 {dimension_numbers = #tpu.dot_dimension_numbers<[1], [1], [0], [0], [0, 0, 1, 0], [], []>, transpose_lhs_hint = false} : vector<512x128xf32>, vector<2x128xf32>, vector<512x2xf32> -> vector<512x2xf32>
    %slice3A_1321 = vector.extract_strided_slice %dot_general3A_1318 {offsets = [0, 0], sizes = [1, 512], strides = [1, 1]} : vector<2x512xf32> to vector<1x512xf32>
    %slice3A_1322 = vector.extract_strided_slice %dot_general3A_1320 {offsets = [0, 1], sizes = [512, 1], strides = [1, 1]} : vector<512x2xf32> to vector<512x1xf32>
    %reduce_max3A_1323 = vector.shape_cast %slice3A_1321 : vector<1x512xf32> to vector<1x1x512xf32>
    %reduce_max3A_1324 = arith.constant dense<0xFF800000> : vector<1xf32>
    %reduce_max3A_1325 = vector.multi_reduction <maximumf>, %reduce_max3A_1323, %reduce_max3A_1324 [1, 2] : vector<1x1x512xf32> to vector<1xf32>
    %reduce_max3A_1326 = vector.shape_cast %reduce_max3A_1325 : vector<1xf32> to vector<1x1x1xf32>
    %reduce_max3A_1327 = vector.extract %reduce_max3A_1326[0, 0, 0] : f32 from vector<1x1x1xf32>
    %add3A_1328 = vector.broadcast %reduce_max3A_1327 : f32 to vector<512x1xf32>
    %add3A_1329 = arith.addf %slice3A_1322, %add3A_1328 : vector<512x1xf32>
    %mul3A_1330 = arith.constant 2.000000e-01 : f32
    %mul3A_1331 = vector.broadcast %mul3A_1330 : f32 to vector<512x1xf32>
    %mul3A_1332 = arith.mulf %mul3A_1331, %add3A_1329 : vector<512x1xf32>
    %max3A_1333 = arith.maximumf %add3A_1329, %mul3A_1332 : vector<512x1xf32>
    %add3A_1334 = vector.broadcast %slice3A_1322 : vector<512x1xf32> to vector<512x512xf32>
    %add3A_1335 = vector.broadcast %slice3A_1321 : vector<1x512xf32> to vector<512x512xf32>
    %add3A_1336 = arith.addf %add3A_1334, %add3A_1335 : vector<512x512xf32>
    %mul3A_1337 = arith.constant 2.000000e-01 : f32
    %mul3A_1338 = vector.broadcast %mul3A_1337 : f32 to vector<512x512xf32>
    %mul3A_1339 = arith.mulf %mul3A_1338, %add3A_1336 : vector<512x512xf32>
    %max3A_1340 = arith.maximumf %add3A_1336, %mul3A_1339 : vector<512x512xf32>
    %sub3A_1341 = vector.broadcast %max3A_1333 : vector<512x1xf32> to vector<512x512xf32>
    %sub3A_1342 = arith.subf %max3A_1340, %sub3A_1341 : vector<512x512xf32>
    %exp3A_1343 = math.exp %sub3A_1342 : vector<512x512xf32>
    %mul3A_1344 = arith.mulf %get3A_1, %exp3A_1343 : vector<512x512xf32>
    %reduce_sum3A_1345 = arith.constant dense<0.000000e+00> : vector<512xf32>
    %reduce_sum3A_1346 = vector.multi_reduction <add>, %mul3A_1344, %reduce_sum3A_1345 [1] : vector<512x512xf32> to vector<512xf32>
    %broadcast_in_dim3A_1347 = vector.shape_cast %reduce_sum3A_1346 : vector<512xf32> to vector<512x1xf32>
    %convert_element_type3A_1348 = arith.truncf %mul3A_1344 : vector<512x512xf32> to vector<512x512xbf16>
    %convert_element_type3A_1349 = arith.truncf %dot_general3A_1307 : vector<512x128xf32> to vector<512x128xbf16>
    %dot_general3A_1350 = arith.constant dense<0.000000e+00> : vector<512x128xf32>
    %dot_general3A_1351 = tpu.matmul %convert_element_type3A_1348, %convert_element_type3A_1349, %dot_general3A_1350 {dimension_numbers = #tpu.dot_dimension_numbers<[1], [0], [0], [1], [0, 0, 1, 1], [], []>, transpose_lhs_hint = false} : vector<512x512xbf16>, vector<512x128xbf16>, vector<512x128xf32> -> vector<512x128xf32>
    %add3A_1352 = arith.constant 1.000000e-16 : f32
    %add3A_1353 = vector.broadcast %add3A_1352 : f32 to vector<512x1xf32>
    %add3A_1354 = arith.addf %broadcast_in_dim3A_1347, %add3A_1353 : vector<512x1xf32>
    %div3A_1355 = vector.broadcast %add3A_1354 : vector<512x1xf32> to vector<512x128xf32>
    %div3A_1356 = arith.divf %dot_general3A_1351, %div3A_1355 : vector<512x128xf32>
    %get3A_1357 = arith.constant 1 : index
    %get3A_1358 = arith.constant 0 : index
    %get3A_1359 = vector.load %arg7[%get3A_1357, %get3A_1358] : memref<2x128xf32, #tpu.memory_space<vmem>>, vector<1x128xf32>
    %get3A_1360 = vector.shape_cast %get3A_1359 : vector<1x128xf32> to vector<128xf32>
    %broadcast_in_dim3A_1361 = vector.shape_cast %get3A_1360 : vector<128xf32> to vector<1x128xf32>
    %add3A_1362 = vector.broadcast %broadcast_in_dim3A_1361 : vector<1x128xf32> to vector<512x128xf32>
    %add3A_1363 = arith.addf %div3A_1356, %add3A_1362 : vector<512x128xf32>
    %max3A_1364 = arith.constant 0.000000e+00 : f32
    %max3A_1365 = vector.broadcast %max3A_1364 : f32 to vector<512x128xf32>
    %max3A_1366 = arith.maximumf %add3A_1363, %max3A_1365 : vector<512x128xf32>
    %convert_element_type3A_1367 = arith.truncf %max3A_1366 : vector<512x128xf32> to vector<512x128xbf16>
    %swap3A_1368 = arith.constant 8 : index
    %swap3A_1369 = arith.constant 0 : index
    %swap3A_1370 = arith.constant 0 : index
    %swap3A_1371 = vector.load %arg8[%swap3A_1368, %swap3A_1369, %swap3A_1370] : memref<16x512x128xbf16, #tpu.memory_space<vmem>>, vector<1x512x128xbf16>
    %swap3A_1372 = vector.shape_cast %swap3A_1371 : vector<1x512x128xbf16> to vector<512x128xbf16>
    %swap3A_1373 = vector.shape_cast %convert_element_type3A_1367 : vector<512x128xbf16> to vector<1x512x128xbf16>
    tpu.vector_store %arg8[%swap3A_1368, %swap3A_1369, %swap3A_1370], %swap3A_1373 {strides = array<i32>} : memref<16x512x128xbf16, #tpu.memory_space<vmem>>, vector<1x512x128xbf16>,
    %get3A_1374 = arith.constant 9 : index
    %get3A_1375 = arith.constant 0 : index
    %get3A_1376 = arith.constant 0 : index
    %get3A_1377 = vector.load %arg1[%get3A_1374, %get3A_1375, %get3A_1376] : memref<16x448x128xf32, #tpu.memory_space<vmem>>, vector<1x448x128xf32>
    %get3A_1378 = vector.shape_cast %get3A_1377 : vector<1x448x128xf32> to vector<448x128xf32>
    %get3A_1379 = arith.constant 9 : index
    %get3A_1380 = arith.constant 0 : index
    %get3A_1381 = arith.constant 0 : index
    %get3A_1382 = vector.load %arg2[%get3A_1379, %get3A_1380, %get3A_1381] : memref<16x64x128xf32, #tpu.memory_space<vmem>>, vector<1x64x128xf32>
    %get3A_1383 = vector.shape_cast %get3A_1382 : vector<1x64x128xf32> to vector<64x128xf32>
    %concatenate3A_1384 = tpu.concatenate %get3A_1378, %get3A_1383 in 0 : vector<448x128xf32>, vector<64x128xf32> -> vector<512x128xf32>
    %get3A_1385 = arith.constant 0 : index
    %get3A_1386 = arith.constant 0 : index
    %get3A_1387 = arith.constant 0 : index
    %get3A_1388 = vector.load %arg4[%get3A_1385, %get3A_1386, %get3A_1387] : memref<2x128x128xf32, #tpu.memory_space<vmem>>, vector<1x128x128xf32>
    %get3A_1389 = vector.shape_cast %get3A_1388 : vector<1x128x128xf32> to vector<128x128xf32>
    %convert_element_type3A_1390 = arith.truncf %concatenate3A_1384 : vector<512x128xf32> to vector<512x128xbf16>
    %convert_element_type3A_1391 = arith.truncf %get3A_1389 : vector<128x128xf32> to vector<128x128xbf16>
    %dot_general3A_1392 = arith.constant dense<0.000000e+00> : vector<512x128xf32>
    %dot_general3A_1393 = tpu.matmul %convert_element_type3A_1390, %convert_element_type3A_1391, %dot_general3A_1392 {dimension_numbers = #tpu.dot_dimension_numbers<[1], [1], [0], [0], [0, 0, 1, 0], [], []>, transpose_lhs_hint = false} : vector<512x128xbf16>, vector<128x128xbf16>, vector<512x128xf32> -> vector<512x128xf32>
    %get3A_1394 = arith.constant 0 : index
    %get3A_1395 = arith.constant 0 : index
    %get3A_1396 = vector.load %arg5[%get3A_1394, %get3A_1395] : memref<2x128xf32, #tpu.memory_space<vmem>>, vector<1x128xf32>
    %get3A_1397 = arith.constant 0 : index
    %get3A_1398 = arith.constant 0 : index
    %get3A_1399 = vector.load %arg6[%get3A_1397, %get3A_1398] : memref<2x128xf32, #tpu.memory_space<vmem>>, vector<1x128xf32>
    %concatenate3A_1400 = tpu.concatenate %get3A_1396, %get3A_1399 in 0 : vector<1x128xf32>, vector<1x128xf32> -> vector<2x128xf32>
    %dot_general3A_1401 = arith.constant dense<0.000000e+00> : vector<2x128xf32>
    %dot_general3A_1402 = tpu.matmul %concatenate3A_1400, %get3A_1389, %dot_general3A_1401 {dimension_numbers = #tpu.dot_dimension_numbers<[1], [0], [0], [1], [0, 0, 1, 1], [], []>, transpose_lhs_hint = false} : vector<2x128xf32>, vector<128x128xf32>, vector<2x128xf32> -> vector<2x128xf32>
    %dot_general3A_1403 = arith.constant dense<0.000000e+00> : vector<2x512xf32>
    %dot_general3A_1404 = tpu.matmul %dot_general3A_1402, %concatenate3A_1384, %dot_general3A_1403 {dimension_numbers = #tpu.dot_dimension_numbers<[1], [1], [0], [0], [0, 0, 1, 0], [], []>, transpose_lhs_hint = false} : vector<2x128xf32>, vector<512x128xf32>, vector<2x512xf32> -> vector<2x512xf32>
    %dot_general3A_1405 = arith.constant dense<0.000000e+00> : vector<512x2xf32>
    %dot_general3A_1406 = tpu.matmul %concatenate3A_1384, %dot_general3A_1402, %dot_general3A_1405 {dimension_numbers = #tpu.dot_dimension_numbers<[1], [1], [0], [0], [0, 0, 1, 0], [], []>, transpose_lhs_hint = false} : vector<512x128xf32>, vector<2x128xf32>, vector<512x2xf32> -> vector<512x2xf32>
    %slice3A_1407 = vector.extract_strided_slice %dot_general3A_1404 {offsets = [0, 0], sizes = [1, 512], strides = [1, 1]} : vector<2x512xf32> to vector<1x512xf32>
    %slice3A_1408 = vector.extract_strided_slice %dot_general3A_1406 {offsets = [0, 1], sizes = [512, 1], strides = [1, 1]} : vector<512x2xf32> to vector<512x1xf32>
    %reduce_max3A_1409 = vector.shape_cast %slice3A_1407 : vector<1x512xf32> to vector<1x1x512xf32>
    %reduce_max3A_1410 = arith.constant dense<0xFF800000> : vector<1xf32>
    %reduce_max3A_1411 = vector.multi_reduction <maximumf>, %reduce_max3A_1409, %reduce_max3A_1410 [1, 2] : vector<1x1x512xf32> to vector<1xf32>
    %reduce_max3A_1412 = vector.shape_cast %reduce_max3A_1411 : vector<1xf32> to vector<1x1x1xf32>
    %reduce_max3A_1413 = vector.extract %reduce_max3A_1412[0, 0, 0] : f32 from vector<1x1x1xf32>
    %add3A_1414 = vector.broadcast %reduce_max3A_1413 : f32 to vector<512x1xf32>
    %add3A_1415 = arith.addf %slice3A_1408, %add3A_1414 : vector<512x1xf32>
    %mul3A_1416 = arith.constant 2.000000e-01 : f32
    %mul3A_1417 = vector.broadcast %mul3A_1416 : f32 to vector<512x1xf32>
    %mul3A_1418 = arith.mulf %mul3A_1417, %add3A_1415 : vector<512x1xf32>
    %max3A_1419 = arith.maximumf %add3A_1415, %mul3A_1418 : vector<512x1xf32>
    %add3A_1420 = vector.broadcast %slice3A_1408 : vector<512x1xf32> to vector<512x512xf32>
    %add3A_1421 = vector.broadcast %slice3A_1407 : vector<1x512xf32> to vector<512x512xf32>
    %add3A_1422 = arith.addf %add3A_1420, %add3A_1421 : vector<512x512xf32>
    %mul3A_1423 = arith.constant 2.000000e-01 : f32
    %mul3A_1424 = vector.broadcast %mul3A_1423 : f32 to vector<512x512xf32>
    %mul3A_1425 = arith.mulf %mul3A_1424, %add3A_1422 : vector<512x512xf32>
    %max3A_1426 = arith.maximumf %add3A_1422, %mul3A_1425 : vector<512x512xf32>
    %sub3A_1427 = vector.broadcast %max3A_1419 : vector<512x1xf32> to vector<512x512xf32>
    %sub3A_1428 = arith.subf %max3A_1426, %sub3A_1427 : vector<512x512xf32>
    %exp3A_1429 = math.exp %sub3A_1428 : vector<512x512xf32>
    %mul3A_1430 = arith.mulf %get3A_1, %exp3A_1429 : vector<512x512xf32>
    %reduce_sum3A_1431 = arith.constant dense<0.000000e+00> : vector<512xf32>
    %reduce_sum3A_1432 = vector.multi_reduction <add>, %mul3A_1430, %reduce_sum3A_1431 [1] : vector<512x512xf32> to vector<512xf32>
    %broadcast_in_dim3A_1433 = vector.shape_cast %reduce_sum3A_1432 : vector<512xf32> to vector<512x1xf32>
    %convert_element_type3A_1434 = arith.truncf %mul3A_1430 : vector<512x512xf32> to vector<512x512xbf16>
    %convert_element_type3A_1435 = arith.truncf %dot_general3A_1393 : vector<512x128xf32> to vector<512x128xbf16>
    %dot_general3A_1436 = arith.constant dense<0.000000e+00> : vector<512x128xf32>
    %dot_general3A_1437 = tpu.matmul %convert_element_type3A_1434, %convert_element_type3A_1435, %dot_general3A_1436 {dimension_numbers = #tpu.dot_dimension_numbers<[1], [0], [0], [1], [0, 0, 1, 1], [], []>, transpose_lhs_hint = false} : vector<512x512xbf16>, vector<512x128xbf16>, vector<512x128xf32> -> vector<512x128xf32>
    %add3A_1438 = arith.constant 1.000000e-16 : f32
    %add3A_1439 = vector.broadcast %add3A_1438 : f32 to vector<512x1xf32>
    %add3A_1440 = arith.addf %broadcast_in_dim3A_1433, %add3A_1439 : vector<512x1xf32>
    %div3A_1441 = vector.broadcast %add3A_1440 : vector<512x1xf32> to vector<512x128xf32>
    %div3A_1442 = arith.divf %dot_general3A_1437, %div3A_1441 : vector<512x128xf32>
    %get3A_1443 = arith.constant 0 : index
    %get3A_1444 = arith.constant 0 : index
    %get3A_1445 = vector.load %arg7[%get3A_1443, %get3A_1444] : memref<2x128xf32, #tpu.memory_space<vmem>>, vector<1x128xf32>
    %get3A_1446 = vector.shape_cast %get3A_1445 : vector<1x128xf32> to vector<128xf32>
    %broadcast_in_dim3A_1447 = vector.shape_cast %get3A_1446 : vector<128xf32> to vector<1x128xf32>
    %add3A_1448 = vector.broadcast %broadcast_in_dim3A_1447 : vector<1x128xf32> to vector<512x128xf32>
    %add3A_1449 = arith.addf %div3A_1442, %add3A_1448 : vector<512x128xf32>
    %max3A_1450 = arith.constant 0.000000e+00 : f32
    %max3A_1451 = vector.broadcast %max3A_1450 : f32 to vector<512x128xf32>
    %max3A_1452 = arith.maximumf %add3A_1449, %max3A_1451 : vector<512x128xf32>
    %get3A_1453 = arith.constant 1 : index
    %get3A_1454 = arith.constant 0 : index
    %get3A_1455 = arith.constant 0 : index
    %get3A_1456 = vector.load %arg4[%get3A_1453, %get3A_1454, %get3A_1455] : memref<2x128x128xf32, #tpu.memory_space<vmem>>, vector<1x128x128xf32>
    %get3A_1457 = vector.shape_cast %get3A_1456 : vector<1x128x128xf32> to vector<128x128xf32>
    %convert_element_type3A_1458 = arith.truncf %max3A_1452 : vector<512x128xf32> to vector<512x128xbf16>
    %convert_element_type3A_1459 = arith.truncf %get3A_1457 : vector<128x128xf32> to vector<128x128xbf16>
    %dot_general3A_1460 = arith.constant dense<0.000000e+00> : vector<512x128xf32>
    %dot_general3A_1461 = tpu.matmul %convert_element_type3A_1458, %convert_element_type3A_1459, %dot_general3A_1460 {dimension_numbers = #tpu.dot_dimension_numbers<[1], [1], [0], [0], [0, 0, 1, 0], [], []>, transpose_lhs_hint = false} : vector<512x128xbf16>, vector<128x128xbf16>, vector<512x128xf32> -> vector<512x128xf32>
    %get3A_1462 = arith.constant 1 : index
    %get3A_1463 = arith.constant 0 : index
    %get3A_1464 = vector.load %arg5[%get3A_1462, %get3A_1463] : memref<2x128xf32, #tpu.memory_space<vmem>>, vector<1x128xf32>
    %get3A_1465 = arith.constant 1 : index
    %get3A_1466 = arith.constant 0 : index
    %get3A_1467 = vector.load %arg6[%get3A_1465, %get3A_1466] : memref<2x128xf32, #tpu.memory_space<vmem>>, vector<1x128xf32>
    %concatenate3A_1468 = tpu.concatenate %get3A_1464, %get3A_1467 in 0 : vector<1x128xf32>, vector<1x128xf32> -> vector<2x128xf32>
    %dot_general3A_1469 = arith.constant dense<0.000000e+00> : vector<2x128xf32>
    %dot_general3A_1470 = tpu.matmul %concatenate3A_1468, %get3A_1457, %dot_general3A_1469 {dimension_numbers = #tpu.dot_dimension_numbers<[1], [0], [0], [1], [0, 0, 1, 1], [], []>, transpose_lhs_hint = false} : vector<2x128xf32>, vector<128x128xf32>, vector<2x128xf32> -> vector<2x128xf32>
    %dot_general3A_1471 = arith.constant dense<0.000000e+00> : vector<2x512xf32>
    %dot_general3A_1472 = tpu.matmul %dot_general3A_1470, %max3A_1452, %dot_general3A_1471 {dimension_numbers = #tpu.dot_dimension_numbers<[1], [1], [0], [0], [0, 0, 1, 0], [], []>, transpose_lhs_hint = false} : vector<2x128xf32>, vector<512x128xf32>, vector<2x512xf32> -> vector<2x512xf32>
    %dot_general3A_1473 = arith.constant dense<0.000000e+00> : vector<512x2xf32>
    %dot_general3A_1474 = tpu.matmul %max3A_1452, %dot_general3A_1470, %dot_general3A_1473 {dimension_numbers = #tpu.dot_dimension_numbers<[1], [1], [0], [0], [0, 0, 1, 0], [], []>, transpose_lhs_hint = false} : vector<512x128xf32>, vector<2x128xf32>, vector<512x2xf32> -> vector<512x2xf32>
    %slice3A_1475 = vector.extract_strided_slice %dot_general3A_1472 {offsets = [0, 0], sizes = [1, 512], strides = [1, 1]} : vector<2x512xf32> to vector<1x512xf32>
    %slice3A_1476 = vector.extract_strided_slice %dot_general3A_1474 {offsets = [0, 1], sizes = [512, 1], strides = [1, 1]} : vector<512x2xf32> to vector<512x1xf32>
    %reduce_max3A_1477 = vector.shape_cast %slice3A_1475 : vector<1x512xf32> to vector<1x1x512xf32>
    %reduce_max3A_1478 = arith.constant dense<0xFF800000> : vector<1xf32>
    %reduce_max3A_1479 = vector.multi_reduction <maximumf>, %reduce_max3A_1477, %reduce_max3A_1478 [1, 2] : vector<1x1x512xf32> to vector<1xf32>
    %reduce_max3A_1480 = vector.shape_cast %reduce_max3A_1479 : vector<1xf32> to vector<1x1x1xf32>
    %reduce_max3A_1481 = vector.extract %reduce_max3A_1480[0, 0, 0] : f32 from vector<1x1x1xf32>
    %add3A_1482 = vector.broadcast %reduce_max3A_1481 : f32 to vector<512x1xf32>
    %add3A_1483 = arith.addf %slice3A_1476, %add3A_1482 : vector<512x1xf32>
    %mul3A_1484 = arith.constant 2.000000e-01 : f32
    %mul3A_1485 = vector.broadcast %mul3A_1484 : f32 to vector<512x1xf32>
    %mul3A_1486 = arith.mulf %mul3A_1485, %add3A_1483 : vector<512x1xf32>
    %max3A_1487 = arith.maximumf %add3A_1483, %mul3A_1486 : vector<512x1xf32>
    %add3A_1488 = vector.broadcast %slice3A_1476 : vector<512x1xf32> to vector<512x512xf32>
    %add3A_1489 = vector.broadcast %slice3A_1475 : vector<1x512xf32> to vector<512x512xf32>
    %add3A_1490 = arith.addf %add3A_1488, %add3A_1489 : vector<512x512xf32>
    %mul3A_1491 = arith.constant 2.000000e-01 : f32
    %mul3A_1492 = vector.broadcast %mul3A_1491 : f32 to vector<512x512xf32>
    %mul3A_1493 = arith.mulf %mul3A_1492, %add3A_1490 : vector<512x512xf32>
    %max3A_1494 = arith.maximumf %add3A_1490, %mul3A_1493 : vector<512x512xf32>
    %sub3A_1495 = vector.broadcast %max3A_1487 : vector<512x1xf32> to vector<512x512xf32>
    %sub3A_1496 = arith.subf %max3A_1494, %sub3A_1495 : vector<512x512xf32>
    %exp3A_1497 = math.exp %sub3A_1496 : vector<512x512xf32>
    %mul3A_1498 = arith.mulf %get3A_1, %exp3A_1497 : vector<512x512xf32>
    %reduce_sum3A_1499 = arith.constant dense<0.000000e+00> : vector<512xf32>
    %reduce_sum3A_1500 = vector.multi_reduction <add>, %mul3A_1498, %reduce_sum3A_1499 [1] : vector<512x512xf32> to vector<512xf32>
    %broadcast_in_dim3A_1501 = vector.shape_cast %reduce_sum3A_1500 : vector<512xf32> to vector<512x1xf32>
    %convert_element_type3A_1502 = arith.truncf %mul3A_1498 : vector<512x512xf32> to vector<512x512xbf16>
    %convert_element_type3A_1503 = arith.truncf %dot_general3A_1461 : vector<512x128xf32> to vector<512x128xbf16>
    %dot_general3A_1504 = arith.constant dense<0.000000e+00> : vector<512x128xf32>
    %dot_general3A_1505 = tpu.matmul %convert_element_type3A_1502, %convert_element_type3A_1503, %dot_general3A_1504 {dimension_numbers = #tpu.dot_dimension_numbers<[1], [0], [0], [1], [0, 0, 1, 1], [], []>, transpose_lhs_hint = false} : vector<512x512xbf16>, vector<512x128xbf16>, vector<512x128xf32> -> vector<512x128xf32>
    %add3A_1506 = arith.constant 1.000000e-16 : f32
    %add3A_1507 = vector.broadcast %add3A_1506 : f32 to vector<512x1xf32>
    %add3A_1508 = arith.addf %broadcast_in_dim3A_1501, %add3A_1507 : vector<512x1xf32>
    %div3A_1509 = vector.broadcast %add3A_1508 : vector<512x1xf32> to vector<512x128xf32>
    %div3A_1510 = arith.divf %dot_general3A_1505, %div3A_1509 : vector<512x128xf32>
    %get3A_1511 = arith.constant 1 : index
    %get3A_1512 = arith.constant 0 : index
    %get3A_1513 = vector.load %arg7[%get3A_1511, %get3A_1512] : memref<2x128xf32, #tpu.memory_space<vmem>>, vector<1x128xf32>
    %get3A_1514 = vector.shape_cast %get3A_1513 : vector<1x128xf32> to vector<128xf32>
    %broadcast_in_dim3A_1515 = vector.shape_cast %get3A_1514 : vector<128xf32> to vector<1x128xf32>
    %add3A_1516 = vector.broadcast %broadcast_in_dim3A_1515 : vector<1x128xf32> to vector<512x128xf32>
    %add3A_1517 = arith.addf %div3A_1510, %add3A_1516 : vector<512x128xf32>
    %max3A_1518 = arith.constant 0.000000e+00 : f32
    %max3A_1519 = vector.broadcast %max3A_1518 : f32 to vector<512x128xf32>
    %max3A_1520 = arith.maximumf %add3A_1517, %max3A_1519 : vector<512x128xf32>
    %convert_element_type3A_1521 = arith.truncf %max3A_1520 : vector<512x128xf32> to vector<512x128xbf16>
    %swap3A_1522 = arith.constant 9 : index
    %swap3A_1523 = arith.constant 0 : index
    %swap3A_1524 = arith.constant 0 : index
    %swap3A_1525 = vector.load %arg8[%swap3A_1522, %swap3A_1523, %swap3A_1524] : memref<16x512x128xbf16, #tpu.memory_space<vmem>>, vector<1x512x128xbf16>
    %swap3A_1526 = vector.shape_cast %swap3A_1525 : vector<1x512x128xbf16> to vector<512x128xbf16>
    %swap3A_1527 = vector.shape_cast %convert_element_type3A_1521 : vector<512x128xbf16> to vector<1x512x128xbf16>
    tpu.vector_store %arg8[%swap3A_1522, %swap3A_1523, %swap3A_1524], %swap3A_1527 {strides = array<i32>} : memref<16x512x128xbf16, #tpu.memory_space<vmem>>, vector<1x512x128xbf16>,
    %get3A_1528 = arith.constant 10 : index
    %get3A_1529 = arith.constant 0 : index
    %get3A_1530 = arith.constant 0 : index
    %get3A_1531 = vector.load %arg1[%get3A_1528, %get3A_1529, %get3A_1530] : memref<16x448x128xf32, #tpu.memory_space<vmem>>, vector<1x448x128xf32>
    %get3A_1532 = vector.shape_cast %get3A_1531 : vector<1x448x128xf32> to vector<448x128xf32>
    %get3A_1533 = arith.constant 10 : index
    %get3A_1534 = arith.constant 0 : index
    %get3A_1535 = arith.constant 0 : index
    %get3A_1536 = vector.load %arg2[%get3A_1533, %get3A_1534, %get3A_1535] : memref<16x64x128xf32, #tpu.memory_space<vmem>>, vector<1x64x128xf32>
    %get3A_1537 = vector.shape_cast %get3A_1536 : vector<1x64x128xf32> to vector<64x128xf32>
    %concatenate3A_1538 = tpu.concatenate %get3A_1532, %get3A_1537 in 0 : vector<448x128xf32>, vector<64x128xf32> -> vector<512x128xf32>
    %get3A_1539 = arith.constant 0 : index
    %get3A_1540 = arith.constant 0 : index
    %get3A_1541 = arith.constant 0 : index
    %get3A_1542 = vector.load %arg4[%get3A_1539, %get3A_1540, %get3A_1541] : memref<2x128x128xf32, #tpu.memory_space<vmem>>, vector<1x128x128xf32>
    %get3A_1543 = vector.shape_cast %get3A_1542 : vector<1x128x128xf32> to vector<128x128xf32>
    %convert_element_type3A_1544 = arith.truncf %concatenate3A_1538 : vector<512x128xf32> to vector<512x128xbf16>
    %convert_element_type3A_1545 = arith.truncf %get3A_1543 : vector<128x128xf32> to vector<128x128xbf16>
    %dot_general3A_1546 = arith.constant dense<0.000000e+00> : vector<512x128xf32>
    %dot_general3A_1547 = tpu.matmul %convert_element_type3A_1544, %convert_element_type3A_1545, %dot_general3A_1546 {dimension_numbers = #tpu.dot_dimension_numbers<[1], [1], [0], [0], [0, 0, 1, 0], [], []>, transpose_lhs_hint = false} : vector<512x128xbf16>, vector<128x128xbf16>, vector<512x128xf32> -> vector<512x128xf32>
    %get3A_1548 = arith.constant 0 : index
    %get3A_1549 = arith.constant 0 : index
    %get3A_1550 = vector.load %arg5[%get3A_1548, %get3A_1549] : memref<2x128xf32, #tpu.memory_space<vmem>>, vector<1x128xf32>
    %get3A_1551 = arith.constant 0 : index
    %get3A_1552 = arith.constant 0 : index
    %get3A_1553 = vector.load %arg6[%get3A_1551, %get3A_1552] : memref<2x128xf32, #tpu.memory_space<vmem>>, vector<1x128xf32>
    %concatenate3A_1554 = tpu.concatenate %get3A_1550, %get3A_1553 in 0 : vector<1x128xf32>, vector<1x128xf32> -> vector<2x128xf32>
    %dot_general3A_1555 = arith.constant dense<0.000000e+00> : vector<2x128xf32>
    %dot_general3A_1556 = tpu.matmul %concatenate3A_1554, %get3A_1543, %dot_general3A_1555 {dimension_numbers = #tpu.dot_dimension_numbers<[1], [0], [0], [1], [0, 0, 1, 1], [], []>, transpose_lhs_hint = false} : vector<2x128xf32>, vector<128x128xf32>, vector<2x128xf32> -> vector<2x128xf32>
    %dot_general3A_1557 = arith.constant dense<0.000000e+00> : vector<2x512xf32>
    %dot_general3A_1558 = tpu.matmul %dot_general3A_1556, %concatenate3A_1538, %dot_general3A_1557 {dimension_numbers = #tpu.dot_dimension_numbers<[1], [1], [0], [0], [0, 0, 1, 0], [], []>, transpose_lhs_hint = false} : vector<2x128xf32>, vector<512x128xf32>, vector<2x512xf32> -> vector<2x512xf32>
    %dot_general3A_1559 = arith.constant dense<0.000000e+00> : vector<512x2xf32>
    %dot_general3A_1560 = tpu.matmul %concatenate3A_1538, %dot_general3A_1556, %dot_general3A_1559 {dimension_numbers = #tpu.dot_dimension_numbers<[1], [1], [0], [0], [0, 0, 1, 0], [], []>, transpose_lhs_hint = false} : vector<512x128xf32>, vector<2x128xf32>, vector<512x2xf32> -> vector<512x2xf32>
    %slice3A_1561 = vector.extract_strided_slice %dot_general3A_1558 {offsets = [0, 0], sizes = [1, 512], strides = [1, 1]} : vector<2x512xf32> to vector<1x512xf32>
    %slice3A_1562 = vector.extract_strided_slice %dot_general3A_1560 {offsets = [0, 1], sizes = [512, 1], strides = [1, 1]} : vector<512x2xf32> to vector<512x1xf32>
    %reduce_max3A_1563 = vector.shape_cast %slice3A_1561 : vector<1x512xf32> to vector<1x1x512xf32>
    %reduce_max3A_1564 = arith.constant dense<0xFF800000> : vector<1xf32>
    %reduce_max3A_1565 = vector.multi_reduction <maximumf>, %reduce_max3A_1563, %reduce_max3A_1564 [1, 2] : vector<1x1x512xf32> to vector<1xf32>
    %reduce_max3A_1566 = vector.shape_cast %reduce_max3A_1565 : vector<1xf32> to vector<1x1x1xf32>
    %reduce_max3A_1567 = vector.extract %reduce_max3A_1566[0, 0, 0] : f32 from vector<1x1x1xf32>
    %add3A_1568 = vector.broadcast %reduce_max3A_1567 : f32 to vector<512x1xf32>
    %add3A_1569 = arith.addf %slice3A_1562, %add3A_1568 : vector<512x1xf32>
    %mul3A_1570 = arith.constant 2.000000e-01 : f32
    %mul3A_1571 = vector.broadcast %mul3A_1570 : f32 to vector<512x1xf32>
    %mul3A_1572 = arith.mulf %mul3A_1571, %add3A_1569 : vector<512x1xf32>
    %max3A_1573 = arith.maximumf %add3A_1569, %mul3A_1572 : vector<512x1xf32>
    %add3A_1574 = vector.broadcast %slice3A_1562 : vector<512x1xf32> to vector<512x512xf32>
    %add3A_1575 = vector.broadcast %slice3A_1561 : vector<1x512xf32> to vector<512x512xf32>
    %add3A_1576 = arith.addf %add3A_1574, %add3A_1575 : vector<512x512xf32>
    %mul3A_1577 = arith.constant 2.000000e-01 : f32
    %mul3A_1578 = vector.broadcast %mul3A_1577 : f32 to vector<512x512xf32>
    %mul3A_1579 = arith.mulf %mul3A_1578, %add3A_1576 : vector<512x512xf32>
    %max3A_1580 = arith.maximumf %add3A_1576, %mul3A_1579 : vector<512x512xf32>
    %sub3A_1581 = vector.broadcast %max3A_1573 : vector<512x1xf32> to vector<512x512xf32>
    %sub3A_1582 = arith.subf %max3A_1580, %sub3A_1581 : vector<512x512xf32>
    %exp3A_1583 = math.exp %sub3A_1582 : vector<512x512xf32>
    %mul3A_1584 = arith.mulf %get3A_1, %exp3A_1583 : vector<512x512xf32>
    %reduce_sum3A_1585 = arith.constant dense<0.000000e+00> : vector<512xf32>
    %reduce_sum3A_1586 = vector.multi_reduction <add>, %mul3A_1584, %reduce_sum3A_1585 [1] : vector<512x512xf32> to vector<512xf32>
    %broadcast_in_dim3A_1587 = vector.shape_cast %reduce_sum3A_1586 : vector<512xf32> to vector<512x1xf32>
    %convert_element_type3A_1588 = arith.truncf %mul3A_1584 : vector<512x512xf32> to vector<512x512xbf16>
    %convert_element_type3A_1589 = arith.truncf %dot_general3A_1547 : vector<512x128xf32> to vector<512x128xbf16>
    %dot_general3A_1590 = arith.constant dense<0.000000e+00> : vector<512x128xf32>
    %dot_general3A_1591 = tpu.matmul %convert_element_type3A_1588, %convert_element_type3A_1589, %dot_general3A_1590 {dimension_numbers = #tpu.dot_dimension_numbers<[1], [0], [0], [1], [0, 0, 1, 1], [], []>, transpose_lhs_hint = false} : vector<512x512xbf16>, vector<512x128xbf16>, vector<512x128xf32> -> vector<512x128xf32>
    %add3A_1592 = arith.constant 1.000000e-16 : f32
    %add3A_1593 = vector.broadcast %add3A_1592 : f32 to vector<512x1xf32>
    %add3A_1594 = arith.addf %broadcast_in_dim3A_1587, %add3A_1593 : vector<512x1xf32>
    %div3A_1595 = vector.broadcast %add3A_1594 : vector<512x1xf32> to vector<512x128xf32>
    %div3A_1596 = arith.divf %dot_general3A_1591, %div3A_1595 : vector<512x128xf32>
    %get3A_1597 = arith.constant 0 : index
    %get3A_1598 = arith.constant 0 : index
    %get3A_1599 = vector.load %arg7[%get3A_1597, %get3A_1598] : memref<2x128xf32, #tpu.memory_space<vmem>>, vector<1x128xf32>
    %get3A_1600 = vector.shape_cast %get3A_1599 : vector<1x128xf32> to vector<128xf32>
    %broadcast_in_dim3A_1601 = vector.shape_cast %get3A_1600 : vector<128xf32> to vector<1x128xf32>
    %add3A_1602 = vector.broadcast %broadcast_in_dim3A_1601 : vector<1x128xf32> to vector<512x128xf32>
    %add3A_1603 = arith.addf %div3A_1596, %add3A_1602 : vector<512x128xf32>
    %max3A_1604 = arith.constant 0.000000e+00 : f32
    %max3A_1605 = vector.broadcast %max3A_1604 : f32 to vector<512x128xf32>
    %max3A_1606 = arith.maximumf %add3A_1603, %max3A_1605 : vector<512x128xf32>
    %get3A_1607 = arith.constant 1 : index
    %get3A_1608 = arith.constant 0 : index
    %get3A_1609 = arith.constant 0 : index
    %get3A_1610 = vector.load %arg4[%get3A_1607, %get3A_1608, %get3A_1609] : memref<2x128x128xf32, #tpu.memory_space<vmem>>, vector<1x128x128xf32>
    %get3A_1611 = vector.shape_cast %get3A_1610 : vector<1x128x128xf32> to vector<128x128xf32>
    %convert_element_type3A_1612 = arith.truncf %max3A_1606 : vector<512x128xf32> to vector<512x128xbf16>
    %convert_element_type3A_1613 = arith.truncf %get3A_1611 : vector<128x128xf32> to vector<128x128xbf16>
    %dot_general3A_1614 = arith.constant dense<0.000000e+00> : vector<512x128xf32>
    %dot_general3A_1615 = tpu.matmul %convert_element_type3A_1612, %convert_element_type3A_1613, %dot_general3A_1614 {dimension_numbers = #tpu.dot_dimension_numbers<[1], [1], [0], [0], [0, 0, 1, 0], [], []>, transpose_lhs_hint = false} : vector<512x128xbf16>, vector<128x128xbf16>, vector<512x128xf32> -> vector<512x128xf32>
    %get3A_1616 = arith.constant 1 : index
    %get3A_1617 = arith.constant 0 : index
    %get3A_1618 = vector.load %arg5[%get3A_1616, %get3A_1617] : memref<2x128xf32, #tpu.memory_space<vmem>>, vector<1x128xf32>
    %get3A_1619 = arith.constant 1 : index
    %get3A_1620 = arith.constant 0 : index
    %get3A_1621 = vector.load %arg6[%get3A_1619, %get3A_1620] : memref<2x128xf32, #tpu.memory_space<vmem>>, vector<1x128xf32>
    %concatenate3A_1622 = tpu.concatenate %get3A_1618, %get3A_1621 in 0 : vector<1x128xf32>, vector<1x128xf32> -> vector<2x128xf32>
    %dot_general3A_1623 = arith.constant dense<0.000000e+00> : vector<2x128xf32>
    %dot_general3A_1624 = tpu.matmul %concatenate3A_1622, %get3A_1611, %dot_general3A_1623 {dimension_numbers = #tpu.dot_dimension_numbers<[1], [0], [0], [1], [0, 0, 1, 1], [], []>, transpose_lhs_hint = false} : vector<2x128xf32>, vector<128x128xf32>, vector<2x128xf32> -> vector<2x128xf32>
    %dot_general3A_1625 = arith.constant dense<0.000000e+00> : vector<2x512xf32>
    %dot_general3A_1626 = tpu.matmul %dot_general3A_1624, %max3A_1606, %dot_general3A_1625 {dimension_numbers = #tpu.dot_dimension_numbers<[1], [1], [0], [0], [0, 0, 1, 0], [], []>, transpose_lhs_hint = false} : vector<2x128xf32>, vector<512x128xf32>, vector<2x512xf32> -> vector<2x512xf32>
    %dot_general3A_1627 = arith.constant dense<0.000000e+00> : vector<512x2xf32>
    %dot_general3A_1628 = tpu.matmul %max3A_1606, %dot_general3A_1624, %dot_general3A_1627 {dimension_numbers = #tpu.dot_dimension_numbers<[1], [1], [0], [0], [0, 0, 1, 0], [], []>, transpose_lhs_hint = false} : vector<512x128xf32>, vector<2x128xf32>, vector<512x2xf32> -> vector<512x2xf32>
    %slice3A_1629 = vector.extract_strided_slice %dot_general3A_1626 {offsets = [0, 0], sizes = [1, 512], strides = [1, 1]} : vector<2x512xf32> to vector<1x512xf32>
    %slice3A_1630 = vector.extract_strided_slice %dot_general3A_1628 {offsets = [0, 1], sizes = [512, 1], strides = [1, 1]} : vector<512x2xf32> to vector<512x1xf32>
    %reduce_max3A_1631 = vector.shape_cast %slice3A_1629 : vector<1x512xf32> to vector<1x1x512xf32>
    %reduce_max3A_1632 = arith.constant dense<0xFF800000> : vector<1xf32>
    %reduce_max3A_1633 = vector.multi_reduction <maximumf>, %reduce_max3A_1631, %reduce_max3A_1632 [1, 2] : vector<1x1x512xf32> to vector<1xf32>
    %reduce_max3A_1634 = vector.shape_cast %reduce_max3A_1633 : vector<1xf32> to vector<1x1x1xf32>
    %reduce_max3A_1635 = vector.extract %reduce_max3A_1634[0, 0, 0] : f32 from vector<1x1x1xf32>
    %add3A_1636 = vector.broadcast %reduce_max3A_1635 : f32 to vector<512x1xf32>
    %add3A_1637 = arith.addf %slice3A_1630, %add3A_1636 : vector<512x1xf32>
    %mul3A_1638 = arith.constant 2.000000e-01 : f32
    %mul3A_1639 = vector.broadcast %mul3A_1638 : f32 to vector<512x1xf32>
    %mul3A_1640 = arith.mulf %mul3A_1639, %add3A_1637 : vector<512x1xf32>
    %max3A_1641 = arith.maximumf %add3A_1637, %mul3A_1640 : vector<512x1xf32>
    %add3A_1642 = vector.broadcast %slice3A_1630 : vector<512x1xf32> to vector<512x512xf32>
    %add3A_1643 = vector.broadcast %slice3A_1629 : vector<1x512xf32> to vector<512x512xf32>
    %add3A_1644 = arith.addf %add3A_1642, %add3A_1643 : vector<512x512xf32>
    %mul3A_1645 = arith.constant 2.000000e-01 : f32
    %mul3A_1646 = vector.broadcast %mul3A_1645 : f32 to vector<512x512xf32>
    %mul3A_1647 = arith.mulf %mul3A_1646, %add3A_1644 : vector<512x512xf32>
    %max3A_1648 = arith.maximumf %add3A_1644, %mul3A_1647 : vector<512x512xf32>
    %sub3A_1649 = vector.broadcast %max3A_1641 : vector<512x1xf32> to vector<512x512xf32>
    %sub3A_1650 = arith.subf %max3A_1648, %sub3A_1649 : vector<512x512xf32>
    %exp3A_1651 = math.exp %sub3A_1650 : vector<512x512xf32>
    %mul3A_1652 = arith.mulf %get3A_1, %exp3A_1651 : vector<512x512xf32>
    %reduce_sum3A_1653 = arith.constant dense<0.000000e+00> : vector<512xf32>
    %reduce_sum3A_1654 = vector.multi_reduction <add>, %mul3A_1652, %reduce_sum3A_1653 [1] : vector<512x512xf32> to vector<512xf32>
    %broadcast_in_dim3A_1655 = vector.shape_cast %reduce_sum3A_1654 : vector<512xf32> to vector<512x1xf32>
    %convert_element_type3A_1656 = arith.truncf %mul3A_1652 : vector<512x512xf32> to vector<512x512xbf16>
    %convert_element_type3A_1657 = arith.truncf %dot_general3A_1615 : vector<512x128xf32> to vector<512x128xbf16>
    %dot_general3A_1658 = arith.constant dense<0.000000e+00> : vector<512x128xf32>
    %dot_general3A_1659 = tpu.matmul %convert_element_type3A_1656, %convert_element_type3A_1657, %dot_general3A_1658 {dimension_numbers = #tpu.dot_dimension_numbers<[1], [0], [0], [1], [0, 0, 1, 1], [], []>, transpose_lhs_hint = false} : vector<512x512xbf16>, vector<512x128xbf16>, vector<512x128xf32> -> vector<512x128xf32>
    %add3A_1660 = arith.constant 1.000000e-16 : f32
    %add3A_1661 = vector.broadcast %add3A_1660 : f32 to vector<512x1xf32>
    %add3A_1662 = arith.addf %broadcast_in_dim3A_1655, %add3A_1661 : vector<512x1xf32>
    %div3A_1663 = vector.broadcast %add3A_1662 : vector<512x1xf32> to vector<512x128xf32>
    %div3A_1664 = arith.divf %dot_general3A_1659, %div3A_1663 : vector<512x128xf32>
    %get3A_1665 = arith.constant 1 : index
    %get3A_1666 = arith.constant 0 : index
    %get3A_1667 = vector.load %arg7[%get3A_1665, %get3A_1666] : memref<2x128xf32, #tpu.memory_space<vmem>>, vector<1x128xf32>
    %get3A_1668 = vector.shape_cast %get3A_1667 : vector<1x128xf32> to vector<128xf32>
    %broadcast_in_dim3A_1669 = vector.shape_cast %get3A_1668 : vector<128xf32> to vector<1x128xf32>
    %add3A_1670 = vector.broadcast %broadcast_in_dim3A_1669 : vector<1x128xf32> to vector<512x128xf32>
    %add3A_1671 = arith.addf %div3A_1664, %add3A_1670 : vector<512x128xf32>
    %max3A_1672 = arith.constant 0.000000e+00 : f32
    %max3A_1673 = vector.broadcast %max3A_1672 : f32 to vector<512x128xf32>
    %max3A_1674 = arith.maximumf %add3A_1671, %max3A_1673 : vector<512x128xf32>
    %convert_element_type3A_1675 = arith.truncf %max3A_1674 : vector<512x128xf32> to vector<512x128xbf16>
    %swap3A_1676 = arith.constant 10 : index
    %swap3A_1677 = arith.constant 0 : index
    %swap3A_1678 = arith.constant 0 : index
    %swap3A_1679 = vector.load %arg8[%swap3A_1676, %swap3A_1677, %swap3A_1678] : memref<16x512x128xbf16, #tpu.memory_space<vmem>>, vector<1x512x128xbf16>
    %swap3A_1680 = vector.shape_cast %swap3A_1679 : vector<1x512x128xbf16> to vector<512x128xbf16>
    %swap3A_1681 = vector.shape_cast %convert_element_type3A_1675 : vector<512x128xbf16> to vector<1x512x128xbf16>
    tpu.vector_store %arg8[%swap3A_1676, %swap3A_1677, %swap3A_1678], %swap3A_1681 {strides = array<i32>} : memref<16x512x128xbf16, #tpu.memory_space<vmem>>, vector<1x512x128xbf16>,
    %get3A_1682 = arith.constant 11 : index
    %get3A_1683 = arith.constant 0 : index
    %get3A_1684 = arith.constant 0 : index
    %get3A_1685 = vector.load %arg1[%get3A_1682, %get3A_1683, %get3A_1684] : memref<16x448x128xf32, #tpu.memory_space<vmem>>, vector<1x448x128xf32>
    %get3A_1686 = vector.shape_cast %get3A_1685 : vector<1x448x128xf32> to vector<448x128xf32>
    %get3A_1687 = arith.constant 11 : index
    %get3A_1688 = arith.constant 0 : index
    %get3A_1689 = arith.constant 0 : index
    %get3A_1690 = vector.load %arg2[%get3A_1687, %get3A_1688, %get3A_1689] : memref<16x64x128xf32, #tpu.memory_space<vmem>>, vector<1x64x128xf32>
    %get3A_1691 = vector.shape_cast %get3A_1690 : vector<1x64x128xf32> to vector<64x128xf32>
    %concatenate3A_1692 = tpu.concatenate %get3A_1686, %get3A_1691 in 0 : vector<448x128xf32>, vector<64x128xf32> -> vector<512x128xf32>
    %get3A_1693 = arith.constant 0 : index
    %get3A_1694 = arith.constant 0 : index
    %get3A_1695 = arith.constant 0 : index
    %get3A_1696 = vector.load %arg4[%get3A_1693, %get3A_1694, %get3A_1695] : memref<2x128x128xf32, #tpu.memory_space<vmem>>, vector<1x128x128xf32>
    %get3A_1697 = vector.shape_cast %get3A_1696 : vector<1x128x128xf32> to vector<128x128xf32>
    %convert_element_type3A_1698 = arith.truncf %concatenate3A_1692 : vector<512x128xf32> to vector<512x128xbf16>
    %convert_element_type3A_1699 = arith.truncf %get3A_1697 : vector<128x128xf32> to vector<128x128xbf16>
    %dot_general3A_1700 = arith.constant dense<0.000000e+00> : vector<512x128xf32>
    %dot_general3A_1701 = tpu.matmul %convert_element_type3A_1698, %convert_element_type3A_1699, %dot_general3A_1700 {dimension_numbers = #tpu.dot_dimension_numbers<[1], [1], [0], [0], [0, 0, 1, 0], [], []>, transpose_lhs_hint = false} : vector<512x128xbf16>, vector<128x128xbf16>, vector<512x128xf32> -> vector<512x128xf32>
    %get3A_1702 = arith.constant 0 : index
    %get3A_1703 = arith.constant 0 : index
    %get3A_1704 = vector.load %arg5[%get3A_1702, %get3A_1703] : memref<2x128xf32, #tpu.memory_space<vmem>>, vector<1x128xf32>
    %get3A_1705 = arith.constant 0 : index
    %get3A_1706 = arith.constant 0 : index
    %get3A_1707 = vector.load %arg6[%get3A_1705, %get3A_1706] : memref<2x128xf32, #tpu.memory_space<vmem>>, vector<1x128xf32>
    %concatenate3A_1708 = tpu.concatenate %get3A_1704, %get3A_1707 in 0 : vector<1x128xf32>, vector<1x128xf32> -> vector<2x128xf32>
    %dot_general3A_1709 = arith.constant dense<0.000000e+00> : vector<2x128xf32>
    %dot_general3A_1710 = tpu.matmul %concatenate3A_1708, %get3A_1697, %dot_general3A_1709 {dimension_numbers = #tpu.dot_dimension_numbers<[1], [0], [0], [1], [0, 0, 1, 1], [], []>, transpose_lhs_hint = false} : vector<2x128xf32>, vector<128x128xf32>, vector<2x128xf32> -> vector<2x128xf32>
    %dot_general3A_1711 = arith.constant dense<0.000000e+00> : vector<2x512xf32>
    %dot_general3A_1712 = tpu.matmul %dot_general3A_1710, %concatenate3A_1692, %dot_general3A_1711 {dimension_numbers = #tpu.dot_dimension_numbers<[1], [1], [0], [0], [0, 0, 1, 0], [], []>, transpose_lhs_hint = false} : vector<2x128xf32>, vector<512x128xf32>, vector<2x512xf32> -> vector<2x512xf32>
    %dot_general3A_1713 = arith.constant dense<0.000000e+00> : vector<512x2xf32>
    %dot_general3A_1714 = tpu.matmul %concatenate3A_1692, %dot_general3A_1710, %dot_general3A_1713 {dimension_numbers = #tpu.dot_dimension_numbers<[1], [1], [0], [0], [0, 0, 1, 0], [], []>, transpose_lhs_hint = false} : vector<512x128xf32>, vector<2x128xf32>, vector<512x2xf32> -> vector<512x2xf32>
    %slice3A_1715 = vector.extract_strided_slice %dot_general3A_1712 {offsets = [0, 0], sizes = [1, 512], strides = [1, 1]} : vector<2x512xf32> to vector<1x512xf32>
    %slice3A_1716 = vector.extract_strided_slice %dot_general3A_1714 {offsets = [0, 1], sizes = [512, 1], strides = [1, 1]} : vector<512x2xf32> to vector<512x1xf32>
    %reduce_max3A_1717 = vector.shape_cast %slice3A_1715 : vector<1x512xf32> to vector<1x1x512xf32>
    %reduce_max3A_1718 = arith.constant dense<0xFF800000> : vector<1xf32>
    %reduce_max3A_1719 = vector.multi_reduction <maximumf>, %reduce_max3A_1717, %reduce_max3A_1718 [1, 2] : vector<1x1x512xf32> to vector<1xf32>
    %reduce_max3A_1720 = vector.shape_cast %reduce_max3A_1719 : vector<1xf32> to vector<1x1x1xf32>
    %reduce_max3A_1721 = vector.extract %reduce_max3A_1720[0, 0, 0] : f32 from vector<1x1x1xf32>
    %add3A_1722 = vector.broadcast %reduce_max3A_1721 : f32 to vector<512x1xf32>
    %add3A_1723 = arith.addf %slice3A_1716, %add3A_1722 : vector<512x1xf32>
    %mul3A_1724 = arith.constant 2.000000e-01 : f32
    %mul3A_1725 = vector.broadcast %mul3A_1724 : f32 to vector<512x1xf32>
    %mul3A_1726 = arith.mulf %mul3A_1725, %add3A_1723 : vector<512x1xf32>
    %max3A_1727 = arith.maximumf %add3A_1723, %mul3A_1726 : vector<512x1xf32>
    %add3A_1728 = vector.broadcast %slice3A_1716 : vector<512x1xf32> to vector<512x512xf32>
    %add3A_1729 = vector.broadcast %slice3A_1715 : vector<1x512xf32> to vector<512x512xf32>
    %add3A_1730 = arith.addf %add3A_1728, %add3A_1729 : vector<512x512xf32>
    %mul3A_1731 = arith.constant 2.000000e-01 : f32
    %mul3A_1732 = vector.broadcast %mul3A_1731 : f32 to vector<512x512xf32>
    %mul3A_1733 = arith.mulf %mul3A_1732, %add3A_1730 : vector<512x512xf32>
    %max3A_1734 = arith.maximumf %add3A_1730, %mul3A_1733 : vector<512x512xf32>
    %sub3A_1735 = vector.broadcast %max3A_1727 : vector<512x1xf32> to vector<512x512xf32>
    %sub3A_1736 = arith.subf %max3A_1734, %sub3A_1735 : vector<512x512xf32>
    %exp3A_1737 = math.exp %sub3A_1736 : vector<512x512xf32>
    %mul3A_1738 = arith.mulf %get3A_1, %exp3A_1737 : vector<512x512xf32>
    %reduce_sum3A_1739 = arith.constant dense<0.000000e+00> : vector<512xf32>
    %reduce_sum3A_1740 = vector.multi_reduction <add>, %mul3A_1738, %reduce_sum3A_1739 [1] : vector<512x512xf32> to vector<512xf32>
    %broadcast_in_dim3A_1741 = vector.shape_cast %reduce_sum3A_1740 : vector<512xf32> to vector<512x1xf32>
    %convert_element_type3A_1742 = arith.truncf %mul3A_1738 : vector<512x512xf32> to vector<512x512xbf16>
    %convert_element_type3A_1743 = arith.truncf %dot_general3A_1701 : vector<512x128xf32> to vector<512x128xbf16>
    %dot_general3A_1744 = arith.constant dense<0.000000e+00> : vector<512x128xf32>
    %dot_general3A_1745 = tpu.matmul %convert_element_type3A_1742, %convert_element_type3A_1743, %dot_general3A_1744 {dimension_numbers = #tpu.dot_dimension_numbers<[1], [0], [0], [1], [0, 0, 1, 1], [], []>, transpose_lhs_hint = false} : vector<512x512xbf16>, vector<512x128xbf16>, vector<512x128xf32> -> vector<512x128xf32>
    %add3A_1746 = arith.constant 1.000000e-16 : f32
    %add3A_1747 = vector.broadcast %add3A_1746 : f32 to vector<512x1xf32>
    %add3A_1748 = arith.addf %broadcast_in_dim3A_1741, %add3A_1747 : vector<512x1xf32>
    %div3A_1749 = vector.broadcast %add3A_1748 : vector<512x1xf32> to vector<512x128xf32>
    %div3A_1750 = arith.divf %dot_general3A_1745, %div3A_1749 : vector<512x128xf32>
    %get3A_1751 = arith.constant 0 : index
    %get3A_1752 = arith.constant 0 : index
    %get3A_1753 = vector.load %arg7[%get3A_1751, %get3A_1752] : memref<2x128xf32, #tpu.memory_space<vmem>>, vector<1x128xf32>
    %get3A_1754 = vector.shape_cast %get3A_1753 : vector<1x128xf32> to vector<128xf32>
    %broadcast_in_dim3A_1755 = vector.shape_cast %get3A_1754 : vector<128xf32> to vector<1x128xf32>
    %add3A_1756 = vector.broadcast %broadcast_in_dim3A_1755 : vector<1x128xf32> to vector<512x128xf32>
    %add3A_1757 = arith.addf %div3A_1750, %add3A_1756 : vector<512x128xf32>
    %max3A_1758 = arith.constant 0.000000e+00 : f32
    %max3A_1759 = vector.broadcast %max3A_1758 : f32 to vector<512x128xf32>
    %max3A_1760 = arith.maximumf %add3A_1757, %max3A_1759 : vector<512x128xf32>
    %get3A_1761 = arith.constant 1 : index
    %get3A_1762 = arith.constant 0 : index
    %get3A_1763 = arith.constant 0 : index
    %get3A_1764 = vector.load %arg4[%get3A_1761, %get3A_1762, %get3A_1763] : memref<2x128x128xf32, #tpu.memory_space<vmem>>, vector<1x128x128xf32>
    %get3A_1765 = vector.shape_cast %get3A_1764 : vector<1x128x128xf32> to vector<128x128xf32>
    %convert_element_type3A_1766 = arith.truncf %max3A_1760 : vector<512x128xf32> to vector<512x128xbf16>
    %convert_element_type3A_1767 = arith.truncf %get3A_1765 : vector<128x128xf32> to vector<128x128xbf16>
    %dot_general3A_1768 = arith.constant dense<0.000000e+00> : vector<512x128xf32>
    %dot_general3A_1769 = tpu.matmul %convert_element_type3A_1766, %convert_element_type3A_1767, %dot_general3A_1768 {dimension_numbers = #tpu.dot_dimension_numbers<[1], [1], [0], [0], [0, 0, 1, 0], [], []>, transpose_lhs_hint = false} : vector<512x128xbf16>, vector<128x128xbf16>, vector<512x128xf32> -> vector<512x128xf32>
    %get3A_1770 = arith.constant 1 : index
    %get3A_1771 = arith.constant 0 : index
    %get3A_1772 = vector.load %arg5[%get3A_1770, %get3A_1771] : memref<2x128xf32, #tpu.memory_space<vmem>>, vector<1x128xf32>
    %get3A_1773 = arith.constant 1 : index
    %get3A_1774 = arith.constant 0 : index
    %get3A_1775 = vector.load %arg6[%get3A_1773, %get3A_1774] : memref<2x128xf32, #tpu.memory_space<vmem>>, vector<1x128xf32>
    %concatenate3A_1776 = tpu.concatenate %get3A_1772, %get3A_1775 in 0 : vector<1x128xf32>, vector<1x128xf32> -> vector<2x128xf32>
    %dot_general3A_1777 = arith.constant dense<0.000000e+00> : vector<2x128xf32>
    %dot_general3A_1778 = tpu.matmul %concatenate3A_1776, %get3A_1765, %dot_general3A_1777 {dimension_numbers = #tpu.dot_dimension_numbers<[1], [0], [0], [1], [0, 0, 1, 1], [], []>, transpose_lhs_hint = false} : vector<2x128xf32>, vector<128x128xf32>, vector<2x128xf32> -> vector<2x128xf32>
    %dot_general3A_1779 = arith.constant dense<0.000000e+00> : vector<2x512xf32>
    %dot_general3A_1780 = tpu.matmul %dot_general3A_1778, %max3A_1760, %dot_general3A_1779 {dimension_numbers = #tpu.dot_dimension_numbers<[1], [1], [0], [0], [0, 0, 1, 0], [], []>, transpose_lhs_hint = false} : vector<2x128xf32>, vector<512x128xf32>, vector<2x512xf32> -> vector<2x512xf32>
    %dot_general3A_1781 = arith.constant dense<0.000000e+00> : vector<512x2xf32>
    %dot_general3A_1782 = tpu.matmul %max3A_1760, %dot_general3A_1778, %dot_general3A_1781 {dimension_numbers = #tpu.dot_dimension_numbers<[1], [1], [0], [0], [0, 0, 1, 0], [], []>, transpose_lhs_hint = false} : vector<512x128xf32>, vector<2x128xf32>, vector<512x2xf32> -> vector<512x2xf32>
    %slice3A_1783 = vector.extract_strided_slice %dot_general3A_1780 {offsets = [0, 0], sizes = [1, 512], strides = [1, 1]} : vector<2x512xf32> to vector<1x512xf32>
    %slice3A_1784 = vector.extract_strided_slice %dot_general3A_1782 {offsets = [0, 1], sizes = [512, 1], strides = [1, 1]} : vector<512x2xf32> to vector<512x1xf32>
    %reduce_max3A_1785 = vector.shape_cast %slice3A_1783 : vector<1x512xf32> to vector<1x1x512xf32>
    %reduce_max3A_1786 = arith.constant dense<0xFF800000> : vector<1xf32>
    %reduce_max3A_1787 = vector.multi_reduction <maximumf>, %reduce_max3A_1785, %reduce_max3A_1786 [1, 2] : vector<1x1x512xf32> to vector<1xf32>
    %reduce_max3A_1788 = vector.shape_cast %reduce_max3A_1787 : vector<1xf32> to vector<1x1x1xf32>
    %reduce_max3A_1789 = vector.extract %reduce_max3A_1788[0, 0, 0] : f32 from vector<1x1x1xf32>
    %add3A_1790 = vector.broadcast %reduce_max3A_1789 : f32 to vector<512x1xf32>
    %add3A_1791 = arith.addf %slice3A_1784, %add3A_1790 : vector<512x1xf32>
    %mul3A_1792 = arith.constant 2.000000e-01 : f32
    %mul3A_1793 = vector.broadcast %mul3A_1792 : f32 to vector<512x1xf32>
    %mul3A_1794 = arith.mulf %mul3A_1793, %add3A_1791 : vector<512x1xf32>
    %max3A_1795 = arith.maximumf %add3A_1791, %mul3A_1794 : vector<512x1xf32>
    %add3A_1796 = vector.broadcast %slice3A_1784 : vector<512x1xf32> to vector<512x512xf32>
    %add3A_1797 = vector.broadcast %slice3A_1783 : vector<1x512xf32> to vector<512x512xf32>
    %add3A_1798 = arith.addf %add3A_1796, %add3A_1797 : vector<512x512xf32>
    %mul3A_1799 = arith.constant 2.000000e-01 : f32
    %mul3A_1800 = vector.broadcast %mul3A_1799 : f32 to vector<512x512xf32>
    %mul3A_1801 = arith.mulf %mul3A_1800, %add3A_1798 : vector<512x512xf32>
    %max3A_1802 = arith.maximumf %add3A_1798, %mul3A_1801 : vector<512x512xf32>
    %sub3A_1803 = vector.broadcast %max3A_1795 : vector<512x1xf32> to vector<512x512xf32>
    %sub3A_1804 = arith.subf %max3A_1802, %sub3A_1803 : vector<512x512xf32>
    %exp3A_1805 = math.exp %sub3A_1804 : vector<512x512xf32>
    %mul3A_1806 = arith.mulf %get3A_1, %exp3A_1805 : vector<512x512xf32>
    %reduce_sum3A_1807 = arith.constant dense<0.000000e+00> : vector<512xf32>
    %reduce_sum3A_1808 = vector.multi_reduction <add>, %mul3A_1806, %reduce_sum3A_1807 [1] : vector<512x512xf32> to vector<512xf32>
    %broadcast_in_dim3A_1809 = vector.shape_cast %reduce_sum3A_1808 : vector<512xf32> to vector<512x1xf32>
    %convert_element_type3A_1810 = arith.truncf %mul3A_1806 : vector<512x512xf32> to vector<512x512xbf16>
    %convert_element_type3A_1811 = arith.truncf %dot_general3A_1769 : vector<512x128xf32> to vector<512x128xbf16>
    %dot_general3A_1812 = arith.constant dense<0.000000e+00> : vector<512x128xf32>
    %dot_general3A_1813 = tpu.matmul %convert_element_type3A_1810, %convert_element_type3A_1811, %dot_general3A_1812 {dimension_numbers = #tpu.dot_dimension_numbers<[1], [0], [0], [1], [0, 0, 1, 1], [], []>, transpose_lhs_hint = false} : vector<512x512xbf16>, vector<512x128xbf16>, vector<512x128xf32> -> vector<512x128xf32>
    %add3A_1814 = arith.constant 1.000000e-16 : f32
    %add3A_1815 = vector.broadcast %add3A_1814 : f32 to vector<512x1xf32>
    %add3A_1816 = arith.addf %broadcast_in_dim3A_1809, %add3A_1815 : vector<512x1xf32>
    %div3A_1817 = vector.broadcast %add3A_1816 : vector<512x1xf32> to vector<512x128xf32>
    %div3A_1818 = arith.divf %dot_general3A_1813, %div3A_1817 : vector<512x128xf32>
    %get3A_1819 = arith.constant 1 : index
    %get3A_1820 = arith.constant 0 : index
    %get3A_1821 = vector.load %arg7[%get3A_1819, %get3A_1820] : memref<2x128xf32, #tpu.memory_space<vmem>>, vector<1x128xf32>
    %get3A_1822 = vector.shape_cast %get3A_1821 : vector<1x128xf32> to vector<128xf32>
    %broadcast_in_dim3A_1823 = vector.shape_cast %get3A_1822 : vector<128xf32> to vector<1x128xf32>
    %add3A_1824 = vector.broadcast %broadcast_in_dim3A_1823 : vector<1x128xf32> to vector<512x128xf32>
    %add3A_1825 = arith.addf %div3A_1818, %add3A_1824 : vector<512x128xf32>
    %max3A_1826 = arith.constant 0.000000e+00 : f32
    %max3A_1827 = vector.broadcast %max3A_1826 : f32 to vector<512x128xf32>
    %max3A_1828 = arith.maximumf %add3A_1825, %max3A_1827 : vector<512x128xf32>
    %convert_element_type3A_1829 = arith.truncf %max3A_1828 : vector<512x128xf32> to vector<512x128xbf16>
    %swap3A_1830 = arith.constant 11 : index
    %swap3A_1831 = arith.constant 0 : index
    %swap3A_1832 = arith.constant 0 : index
    %swap3A_1833 = vector.load %arg8[%swap3A_1830, %swap3A_1831, %swap3A_1832] : memref<16x512x128xbf16, #tpu.memory_space<vmem>>, vector<1x512x128xbf16>
    %swap3A_1834 = vector.shape_cast %swap3A_1833 : vector<1x512x128xbf16> to vector<512x128xbf16>
    %swap3A_1835 = vector.shape_cast %convert_element_type3A_1829 : vector<512x128xbf16> to vector<1x512x128xbf16>
    tpu.vector_store %arg8[%swap3A_1830, %swap3A_1831, %swap3A_1832], %swap3A_1835 {strides = array<i32>} : memref<16x512x128xbf16, #tpu.memory_space<vmem>>, vector<1x512x128xbf16>,
    %get3A_1836 = arith.constant 12 : index
    %get3A_1837 = arith.constant 0 : index
    %get3A_1838 = arith.constant 0 : index
    %get3A_1839 = vector.load %arg1[%get3A_1836, %get3A_1837, %get3A_1838] : memref<16x448x128xf32, #tpu.memory_space<vmem>>, vector<1x448x128xf32>
    %get3A_1840 = vector.shape_cast %get3A_1839 : vector<1x448x128xf32> to vector<448x128xf32>
    %get3A_1841 = arith.constant 12 : index
    %get3A_1842 = arith.constant 0 : index
    %get3A_1843 = arith.constant 0 : index
    %get3A_1844 = vector.load %arg2[%get3A_1841, %get3A_1842, %get3A_1843] : memref<16x64x128xf32, #tpu.memory_space<vmem>>, vector<1x64x128xf32>
    %get3A_1845 = vector.shape_cast %get3A_1844 : vector<1x64x128xf32> to vector<64x128xf32>
    %concatenate3A_1846 = tpu.concatenate %get3A_1840, %get3A_1845 in 0 : vector<448x128xf32>, vector<64x128xf32> -> vector<512x128xf32>
    %get3A_1847 = arith.constant 0 : index
    %get3A_1848 = arith.constant 0 : index
    %get3A_1849 = arith.constant 0 : index
    %get3A_1850 = vector.load %arg4[%get3A_1847, %get3A_1848, %get3A_1849] : memref<2x128x128xf32, #tpu.memory_space<vmem>>, vector<1x128x128xf32>
    %get3A_1851 = vector.shape_cast %get3A_1850 : vector<1x128x128xf32> to vector<128x128xf32>
    %convert_element_type3A_1852 = arith.truncf %concatenate3A_1846 : vector<512x128xf32> to vector<512x128xbf16>
    %convert_element_type3A_1853 = arith.truncf %get3A_1851 : vector<128x128xf32> to vector<128x128xbf16>
    %dot_general3A_1854 = arith.constant dense<0.000000e+00> : vector<512x128xf32>
    %dot_general3A_1855 = tpu.matmul %convert_element_type3A_1852, %convert_element_type3A_1853, %dot_general3A_1854 {dimension_numbers = #tpu.dot_dimension_numbers<[1], [1], [0], [0], [0, 0, 1, 0], [], []>, transpose_lhs_hint = false} : vector<512x128xbf16>, vector<128x128xbf16>, vector<512x128xf32> -> vector<512x128xf32>
    %get3A_1856 = arith.constant 0 : index
    %get3A_1857 = arith.constant 0 : index
    %get3A_1858 = vector.load %arg5[%get3A_1856, %get3A_1857] : memref<2x128xf32, #tpu.memory_space<vmem>>, vector<1x128xf32>
    %get3A_1859 = arith.constant 0 : index
    %get3A_1860 = arith.constant 0 : index
    %get3A_1861 = vector.load %arg6[%get3A_1859, %get3A_1860] : memref<2x128xf32, #tpu.memory_space<vmem>>, vector<1x128xf32>
    %concatenate3A_1862 = tpu.concatenate %get3A_1858, %get3A_1861 in 0 : vector<1x128xf32>, vector<1x128xf32> -> vector<2x128xf32>
    %dot_general3A_1863 = arith.constant dense<0.000000e+00> : vector<2x128xf32>
    %dot_general3A_1864 = tpu.matmul %concatenate3A_1862, %get3A_1851, %dot_general3A_1863 {dimension_numbers = #tpu.dot_dimension_numbers<[1], [0], [0], [1], [0, 0, 1, 1], [], []>, transpose_lhs_hint = false} : vector<2x128xf32>, vector<128x128xf32>, vector<2x128xf32> -> vector<2x128xf32>
    %dot_general3A_1865 = arith.constant dense<0.000000e+00> : vector<2x512xf32>
    %dot_general3A_1866 = tpu.matmul %dot_general3A_1864, %concatenate3A_1846, %dot_general3A_1865 {dimension_numbers = #tpu.dot_dimension_numbers<[1], [1], [0], [0], [0, 0, 1, 0], [], []>, transpose_lhs_hint = false} : vector<2x128xf32>, vector<512x128xf32>, vector<2x512xf32> -> vector<2x512xf32>
    %dot_general3A_1867 = arith.constant dense<0.000000e+00> : vector<512x2xf32>
    %dot_general3A_1868 = tpu.matmul %concatenate3A_1846, %dot_general3A_1864, %dot_general3A_1867 {dimension_numbers = #tpu.dot_dimension_numbers<[1], [1], [0], [0], [0, 0, 1, 0], [], []>, transpose_lhs_hint = false} : vector<512x128xf32>, vector<2x128xf32>, vector<512x2xf32> -> vector<512x2xf32>
    %slice3A_1869 = vector.extract_strided_slice %dot_general3A_1866 {offsets = [0, 0], sizes = [1, 512], strides = [1, 1]} : vector<2x512xf32> to vector<1x512xf32>
    %slice3A_1870 = vector.extract_strided_slice %dot_general3A_1868 {offsets = [0, 1], sizes = [512, 1], strides = [1, 1]} : vector<512x2xf32> to vector<512x1xf32>
    %reduce_max3A_1871 = vector.shape_cast %slice3A_1869 : vector<1x512xf32> to vector<1x1x512xf32>
    %reduce_max3A_1872 = arith.constant dense<0xFF800000> : vector<1xf32>
    %reduce_max3A_1873 = vector.multi_reduction <maximumf>, %reduce_max3A_1871, %reduce_max3A_1872 [1, 2] : vector<1x1x512xf32> to vector<1xf32>
    %reduce_max3A_1874 = vector.shape_cast %reduce_max3A_1873 : vector<1xf32> to vector<1x1x1xf32>
    %reduce_max3A_1875 = vector.extract %reduce_max3A_1874[0, 0, 0] : f32 from vector<1x1x1xf32>
    %add3A_1876 = vector.broadcast %reduce_max3A_1875 : f32 to vector<512x1xf32>
    %add3A_1877 = arith.addf %slice3A_1870, %add3A_1876 : vector<512x1xf32>
    %mul3A_1878 = arith.constant 2.000000e-01 : f32
    %mul3A_1879 = vector.broadcast %mul3A_1878 : f32 to vector<512x1xf32>
    %mul3A_1880 = arith.mulf %mul3A_1879, %add3A_1877 : vector<512x1xf32>
    %max3A_1881 = arith.maximumf %add3A_1877, %mul3A_1880 : vector<512x1xf32>
    %add3A_1882 = vector.broadcast %slice3A_1870 : vector<512x1xf32> to vector<512x512xf32>
    %add3A_1883 = vector.broadcast %slice3A_1869 : vector<1x512xf32> to vector<512x512xf32>
    %add3A_1884 = arith.addf %add3A_1882, %add3A_1883 : vector<512x512xf32>
    %mul3A_1885 = arith.constant 2.000000e-01 : f32
    %mul3A_1886 = vector.broadcast %mul3A_1885 : f32 to vector<512x512xf32>
    %mul3A_1887 = arith.mulf %mul3A_1886, %add3A_1884 : vector<512x512xf32>
    %max3A_1888 = arith.maximumf %add3A_1884, %mul3A_1887 : vector<512x512xf32>
    %sub3A_1889 = vector.broadcast %max3A_1881 : vector<512x1xf32> to vector<512x512xf32>
    %sub3A_1890 = arith.subf %max3A_1888, %sub3A_1889 : vector<512x512xf32>
    %exp3A_1891 = math.exp %sub3A_1890 : vector<512x512xf32>
    %mul3A_1892 = arith.mulf %get3A_1, %exp3A_1891 : vector<512x512xf32>
    %reduce_sum3A_1893 = arith.constant dense<0.000000e+00> : vector<512xf32>
    %reduce_sum3A_1894 = vector.multi_reduction <add>, %mul3A_1892, %reduce_sum3A_1893 [1] : vector<512x512xf32> to vector<512xf32>
    %broadcast_in_dim3A_1895 = vector.shape_cast %reduce_sum3A_1894 : vector<512xf32> to vector<512x1xf32>
    %convert_element_type3A_1896 = arith.truncf %mul3A_1892 : vector<512x512xf32> to vector<512x512xbf16>
    %convert_element_type3A_1897 = arith.truncf %dot_general3A_1855 : vector<512x128xf32> to vector<512x128xbf16>
    %dot_general3A_1898 = arith.constant dense<0.000000e+00> : vector<512x128xf32>
    %dot_general3A_1899 = tpu.matmul %convert_element_type3A_1896, %convert_element_type3A_1897, %dot_general3A_1898 {dimension_numbers = #tpu.dot_dimension_numbers<[1], [0], [0], [1], [0, 0, 1, 1], [], []>, transpose_lhs_hint = false} : vector<512x512xbf16>, vector<512x128xbf16>, vector<512x128xf32> -> vector<512x128xf32>
    %add3A_1900 = arith.constant 1.000000e-16 : f32
    %add3A_1901 = vector.broadcast %add3A_1900 : f32 to vector<512x1xf32>
    %add3A_1902 = arith.addf %broadcast_in_dim3A_1895, %add3A_1901 : vector<512x1xf32>
    %div3A_1903 = vector.broadcast %add3A_1902 : vector<512x1xf32> to vector<512x128xf32>
    %div3A_1904 = arith.divf %dot_general3A_1899, %div3A_1903 : vector<512x128xf32>
    %get3A_1905 = arith.constant 0 : index
    %get3A_1906 = arith.constant 0 : index
    %get3A_1907 = vector.load %arg7[%get3A_1905, %get3A_1906] : memref<2x128xf32, #tpu.memory_space<vmem>>, vector<1x128xf32>
    %get3A_1908 = vector.shape_cast %get3A_1907 : vector<1x128xf32> to vector<128xf32>
    %broadcast_in_dim3A_1909 = vector.shape_cast %get3A_1908 : vector<128xf32> to vector<1x128xf32>
    %add3A_1910 = vector.broadcast %broadcast_in_dim3A_1909 : vector<1x128xf32> to vector<512x128xf32>
    %add3A_1911 = arith.addf %div3A_1904, %add3A_1910 : vector<512x128xf32>
    %max3A_1912 = arith.constant 0.000000e+00 : f32
    %max3A_1913 = vector.broadcast %max3A_1912 : f32 to vector<512x128xf32>
    %max3A_1914 = arith.maximumf %add3A_1911, %max3A_1913 : vector<512x128xf32>
    %get3A_1915 = arith.constant 1 : index
    %get3A_1916 = arith.constant 0 : index
    %get3A_1917 = arith.constant 0 : index
    %get3A_1918 = vector.load %arg4[%get3A_1915, %get3A_1916, %get3A_1917] : memref<2x128x128xf32, #tpu.memory_space<vmem>>, vector<1x128x128xf32>
    %get3A_1919 = vector.shape_cast %get3A_1918 : vector<1x128x128xf32> to vector<128x128xf32>
    %convert_element_type3A_1920 = arith.truncf %max3A_1914 : vector<512x128xf32> to vector<512x128xbf16>
    %convert_element_type3A_1921 = arith.truncf %get3A_1919 : vector<128x128xf32> to vector<128x128xbf16>
    %dot_general3A_1922 = arith.constant dense<0.000000e+00> : vector<512x128xf32>
    %dot_general3A_1923 = tpu.matmul %convert_element_type3A_1920, %convert_element_type3A_1921, %dot_general3A_1922 {dimension_numbers = #tpu.dot_dimension_numbers<[1], [1], [0], [0], [0, 0, 1, 0], [], []>, transpose_lhs_hint = false} : vector<512x128xbf16>, vector<128x128xbf16>, vector<512x128xf32> -> vector<512x128xf32>
    %get3A_1924 = arith.constant 1 : index
    %get3A_1925 = arith.constant 0 : index
    %get3A_1926 = vector.load %arg5[%get3A_1924, %get3A_1925] : memref<2x128xf32, #tpu.memory_space<vmem>>, vector<1x128xf32>
    %get3A_1927 = arith.constant 1 : index
    %get3A_1928 = arith.constant 0 : index
    %get3A_1929 = vector.load %arg6[%get3A_1927, %get3A_1928] : memref<2x128xf32, #tpu.memory_space<vmem>>, vector<1x128xf32>
    %concatenate3A_1930 = tpu.concatenate %get3A_1926, %get3A_1929 in 0 : vector<1x128xf32>, vector<1x128xf32> -> vector<2x128xf32>
    %dot_general3A_1931 = arith.constant dense<0.000000e+00> : vector<2x128xf32>
    %dot_general3A_1932 = tpu.matmul %concatenate3A_1930, %get3A_1919, %dot_general3A_1931 {dimension_numbers = #tpu.dot_dimension_numbers<[1], [0], [0], [1], [0, 0, 1, 1], [], []>, transpose_lhs_hint = false} : vector<2x128xf32>, vector<128x128xf32>, vector<2x128xf32> -> vector<2x128xf32>
    %dot_general3A_1933 = arith.constant dense<0.000000e+00> : vector<2x512xf32>
    %dot_general3A_1934 = tpu.matmul %dot_general3A_1932, %max3A_1914, %dot_general3A_1933 {dimension_numbers = #tpu.dot_dimension_numbers<[1], [1], [0], [0], [0, 0, 1, 0], [], []>, transpose_lhs_hint = false} : vector<2x128xf32>, vector<512x128xf32>, vector<2x512xf32> -> vector<2x512xf32>
    %dot_general3A_1935 = arith.constant dense<0.000000e+00> : vector<512x2xf32>
    %dot_general3A_1936 = tpu.matmul %max3A_1914, %dot_general3A_1932, %dot_general3A_1935 {dimension_numbers = #tpu.dot_dimension_numbers<[1], [1], [0], [0], [0, 0, 1, 0], [], []>, transpose_lhs_hint = false} : vector<512x128xf32>, vector<2x128xf32>, vector<512x2xf32> -> vector<512x2xf32>
    %slice3A_1937 = vector.extract_strided_slice %dot_general3A_1934 {offsets = [0, 0], sizes = [1, 512], strides = [1, 1]} : vector<2x512xf32> to vector<1x512xf32>
    %slice3A_1938 = vector.extract_strided_slice %dot_general3A_1936 {offsets = [0, 1], sizes = [512, 1], strides = [1, 1]} : vector<512x2xf32> to vector<512x1xf32>
    %reduce_max3A_1939 = vector.shape_cast %slice3A_1937 : vector<1x512xf32> to vector<1x1x512xf32>
    %reduce_max3A_1940 = arith.constant dense<0xFF800000> : vector<1xf32>
    %reduce_max3A_1941 = vector.multi_reduction <maximumf>, %reduce_max3A_1939, %reduce_max3A_1940 [1, 2] : vector<1x1x512xf32> to vector<1xf32>
    %reduce_max3A_1942 = vector.shape_cast %reduce_max3A_1941 : vector<1xf32> to vector<1x1x1xf32>
    %reduce_max3A_1943 = vector.extract %reduce_max3A_1942[0, 0, 0] : f32 from vector<1x1x1xf32>
    %add3A_1944 = vector.broadcast %reduce_max3A_1943 : f32 to vector<512x1xf32>
    %add3A_1945 = arith.addf %slice3A_1938, %add3A_1944 : vector<512x1xf32>
    %mul3A_1946 = arith.constant 2.000000e-01 : f32
    %mul3A_1947 = vector.broadcast %mul3A_1946 : f32 to vector<512x1xf32>
    %mul3A_1948 = arith.mulf %mul3A_1947, %add3A_1945 : vector<512x1xf32>
    %max3A_1949 = arith.maximumf %add3A_1945, %mul3A_1948 : vector<512x1xf32>
    %add3A_1950 = vector.broadcast %slice3A_1938 : vector<512x1xf32> to vector<512x512xf32>
    %add3A_1951 = vector.broadcast %slice3A_1937 : vector<1x512xf32> to vector<512x512xf32>
    %add3A_1952 = arith.addf %add3A_1950, %add3A_1951 : vector<512x512xf32>
    %mul3A_1953 = arith.constant 2.000000e-01 : f32
    %mul3A_1954 = vector.broadcast %mul3A_1953 : f32 to vector<512x512xf32>
    %mul3A_1955 = arith.mulf %mul3A_1954, %add3A_1952 : vector<512x512xf32>
    %max3A_1956 = arith.maximumf %add3A_1952, %mul3A_1955 : vector<512x512xf32>
    %sub3A_1957 = vector.broadcast %max3A_1949 : vector<512x1xf32> to vector<512x512xf32>
    %sub3A_1958 = arith.subf %max3A_1956, %sub3A_1957 : vector<512x512xf32>
    %exp3A_1959 = math.exp %sub3A_1958 : vector<512x512xf32>
    %mul3A_1960 = arith.mulf %get3A_1, %exp3A_1959 : vector<512x512xf32>
    %reduce_sum3A_1961 = arith.constant dense<0.000000e+00> : vector<512xf32>
    %reduce_sum3A_1962 = vector.multi_reduction <add>, %mul3A_1960, %reduce_sum3A_1961 [1] : vector<512x512xf32> to vector<512xf32>
    %broadcast_in_dim3A_1963 = vector.shape_cast %reduce_sum3A_1962 : vector<512xf32> to vector<512x1xf32>
    %convert_element_type3A_1964 = arith.truncf %mul3A_1960 : vector<512x512xf32> to vector<512x512xbf16>
    %convert_element_type3A_1965 = arith.truncf %dot_general3A_1923 : vector<512x128xf32> to vector<512x128xbf16>
    %dot_general3A_1966 = arith.constant dense<0.000000e+00> : vector<512x128xf32>
    %dot_general3A_1967 = tpu.matmul %convert_element_type3A_1964, %convert_element_type3A_1965, %dot_general3A_1966 {dimension_numbers = #tpu.dot_dimension_numbers<[1], [0], [0], [1], [0, 0, 1, 1], [], []>, transpose_lhs_hint = false} : vector<512x512xbf16>, vector<512x128xbf16>, vector<512x128xf32> -> vector<512x128xf32>
    %add3A_1968 = arith.constant 1.000000e-16 : f32
    %add3A_1969 = vector.broadcast %add3A_1968 : f32 to vector<512x1xf32>
    %add3A_1970 = arith.addf %broadcast_in_dim3A_1963, %add3A_1969 : vector<512x1xf32>
    %div3A_1971 = vector.broadcast %add3A_1970 : vector<512x1xf32> to vector<512x128xf32>
    %div3A_1972 = arith.divf %dot_general3A_1967, %div3A_1971 : vector<512x128xf32>
    %get3A_1973 = arith.constant 1 : index
    %get3A_1974 = arith.constant 0 : index
    %get3A_1975 = vector.load %arg7[%get3A_1973, %get3A_1974] : memref<2x128xf32, #tpu.memory_space<vmem>>, vector<1x128xf32>
    %get3A_1976 = vector.shape_cast %get3A_1975 : vector<1x128xf32> to vector<128xf32>
    %broadcast_in_dim3A_1977 = vector.shape_cast %get3A_1976 : vector<128xf32> to vector<1x128xf32>
    %add3A_1978 = vector.broadcast %broadcast_in_dim3A_1977 : vector<1x128xf32> to vector<512x128xf32>
    %add3A_1979 = arith.addf %div3A_1972, %add3A_1978 : vector<512x128xf32>
    %max3A_1980 = arith.constant 0.000000e+00 : f32
    %max3A_1981 = vector.broadcast %max3A_1980 : f32 to vector<512x128xf32>
    %max3A_1982 = arith.maximumf %add3A_1979, %max3A_1981 : vector<512x128xf32>
    %convert_element_type3A_1983 = arith.truncf %max3A_1982 : vector<512x128xf32> to vector<512x128xbf16>
    %swap3A_1984 = arith.constant 12 : index
    %swap3A_1985 = arith.constant 0 : index
    %swap3A_1986 = arith.constant 0 : index
    %swap3A_1987 = vector.load %arg8[%swap3A_1984, %swap3A_1985, %swap3A_1986] : memref<16x512x128xbf16, #tpu.memory_space<vmem>>, vector<1x512x128xbf16>
    %swap3A_1988 = vector.shape_cast %swap3A_1987 : vector<1x512x128xbf16> to vector<512x128xbf16>
    %swap3A_1989 = vector.shape_cast %convert_element_type3A_1983 : vector<512x128xbf16> to vector<1x512x128xbf16>
    tpu.vector_store %arg8[%swap3A_1984, %swap3A_1985, %swap3A_1986], %swap3A_1989 {strides = array<i32>} : memref<16x512x128xbf16, #tpu.memory_space<vmem>>, vector<1x512x128xbf16>,
    %get3A_1990 = arith.constant 13 : index
    %get3A_1991 = arith.constant 0 : index
    %get3A_1992 = arith.constant 0 : index
    %get3A_1993 = vector.load %arg1[%get3A_1990, %get3A_1991, %get3A_1992] : memref<16x448x128xf32, #tpu.memory_space<vmem>>, vector<1x448x128xf32>
    %get3A_1994 = vector.shape_cast %get3A_1993 : vector<1x448x128xf32> to vector<448x128xf32>
    %get3A_1995 = arith.constant 13 : index
    %get3A_1996 = arith.constant 0 : index
    %get3A_1997 = arith.constant 0 : index
    %get3A_1998 = vector.load %arg2[%get3A_1995, %get3A_1996, %get3A_1997] : memref<16x64x128xf32, #tpu.memory_space<vmem>>, vector<1x64x128xf32>
    %get3A_1999 = vector.shape_cast %get3A_1998 : vector<1x64x128xf32> to vector<64x128xf32>
    %concatenate3A_2000 = tpu.concatenate %get3A_1994, %get3A_1999 in 0 : vector<448x128xf32>, vector<64x128xf32> -> vector<512x128xf32>
    %get3A_2001 = arith.constant 0 : index
    %get3A_2002 = arith.constant 0 : index
    %get3A_2003 = arith.constant 0 : index
    %get3A_2004 = vector.load %arg4[%get3A_2001, %get3A_2002, %get3A_2003] : memref<2x128x128xf32, #tpu.memory_space<vmem>>, vector<1x128x128xf32>
    %get3A_2005 = vector.shape_cast %get3A_2004 : vector<1x128x128xf32> to vector<128x128xf32>
    %convert_element_type3A_2006 = arith.truncf %concatenate3A_2000 : vector<512x128xf32> to vector<512x128xbf16>
    %convert_element_type3A_2007 = arith.truncf %get3A_2005 : vector<128x128xf32> to vector<128x128xbf16>
    %dot_general3A_2008 = arith.constant dense<0.000000e+00> : vector<512x128xf32>
    %dot_general3A_2009 = tpu.matmul %convert_element_type3A_2006, %convert_element_type3A_2007, %dot_general3A_2008 {dimension_numbers = #tpu.dot_dimension_numbers<[1], [1], [0], [0], [0, 0, 1, 0], [], []>, transpose_lhs_hint = false} : vector<512x128xbf16>, vector<128x128xbf16>, vector<512x128xf32> -> vector<512x128xf32>
    %get3A_2010 = arith.constant 0 : index
    %get3A_2011 = arith.constant 0 : index
    %get3A_2012 = vector.load %arg5[%get3A_2010, %get3A_2011] : memref<2x128xf32, #tpu.memory_space<vmem>>, vector<1x128xf32>
    %get3A_2013 = arith.constant 0 : index
    %get3A_2014 = arith.constant 0 : index
    %get3A_2015 = vector.load %arg6[%get3A_2013, %get3A_2014] : memref<2x128xf32, #tpu.memory_space<vmem>>, vector<1x128xf32>
    %concatenate3A_2016 = tpu.concatenate %get3A_2012, %get3A_2015 in 0 : vector<1x128xf32>, vector<1x128xf32> -> vector<2x128xf32>
    %dot_general3A_2017 = arith.constant dense<0.000000e+00> : vector<2x128xf32>
    %dot_general3A_2018 = tpu.matmul %concatenate3A_2016, %get3A_2005, %dot_general3A_2017 {dimension_numbers = #tpu.dot_dimension_numbers<[1], [0], [0], [1], [0, 0, 1, 1], [], []>, transpose_lhs_hint = false} : vector<2x128xf32>, vector<128x128xf32>, vector<2x128xf32> -> vector<2x128xf32>
    %dot_general3A_2019 = arith.constant dense<0.000000e+00> : vector<2x512xf32>
    %dot_general3A_2020 = tpu.matmul %dot_general3A_2018, %concatenate3A_2000, %dot_general3A_2019 {dimension_numbers = #tpu.dot_dimension_numbers<[1], [1], [0], [0], [0, 0, 1, 0], [], []>, transpose_lhs_hint = false} : vector<2x128xf32>, vector<512x128xf32>, vector<2x512xf32> -> vector<2x512xf32>
    %dot_general3A_2021 = arith.constant dense<0.000000e+00> : vector<512x2xf32>
    %dot_general3A_2022 = tpu.matmul %concatenate3A_2000, %dot_general3A_2018, %dot_general3A_2021 {dimension_numbers = #tpu.dot_dimension_numbers<[1], [1], [0], [0], [0, 0, 1, 0], [], []>, transpose_lhs_hint = false} : vector<512x128xf32>, vector<2x128xf32>, vector<512x2xf32> -> vector<512x2xf32>
    %slice3A_2023 = vector.extract_strided_slice %dot_general3A_2020 {offsets = [0, 0], sizes = [1, 512], strides = [1, 1]} : vector<2x512xf32> to vector<1x512xf32>
    %slice3A_2024 = vector.extract_strided_slice %dot_general3A_2022 {offsets = [0, 1], sizes = [512, 1], strides = [1, 1]} : vector<512x2xf32> to vector<512x1xf32>
    %reduce_max3A_2025 = vector.shape_cast %slice3A_2023 : vector<1x512xf32> to vector<1x1x512xf32>
    %reduce_max3A_2026 = arith.constant dense<0xFF800000> : vector<1xf32>
    %reduce_max3A_2027 = vector.multi_reduction <maximumf>, %reduce_max3A_2025, %reduce_max3A_2026 [1, 2] : vector<1x1x512xf32> to vector<1xf32>
    %reduce_max3A_2028 = vector.shape_cast %reduce_max3A_2027 : vector<1xf32> to vector<1x1x1xf32>
    %reduce_max3A_2029 = vector.extract %reduce_max3A_2028[0, 0, 0] : f32 from vector<1x1x1xf32>
    %add3A_2030 = vector.broadcast %reduce_max3A_2029 : f32 to vector<512x1xf32>
    %add3A_2031 = arith.addf %slice3A_2024, %add3A_2030 : vector<512x1xf32>
    %mul3A_2032 = arith.constant 2.000000e-01 : f32
    %mul3A_2033 = vector.broadcast %mul3A_2032 : f32 to vector<512x1xf32>
    %mul3A_2034 = arith.mulf %mul3A_2033, %add3A_2031 : vector<512x1xf32>
    %max3A_2035 = arith.maximumf %add3A_2031, %mul3A_2034 : vector<512x1xf32>
    %add3A_2036 = vector.broadcast %slice3A_2024 : vector<512x1xf32> to vector<512x512xf32>
    %add3A_2037 = vector.broadcast %slice3A_2023 : vector<1x512xf32> to vector<512x512xf32>
    %add3A_2038 = arith.addf %add3A_2036, %add3A_2037 : vector<512x512xf32>
    %mul3A_2039 = arith.constant 2.000000e-01 : f32
    %mul3A_2040 = vector.broadcast %mul3A_2039 : f32 to vector<512x512xf32>
    %mul3A_2041 = arith.mulf %mul3A_2040, %add3A_2038 : vector<512x512xf32>
    %max3A_2042 = arith.maximumf %add3A_2038, %mul3A_2041 : vector<512x512xf32>
    %sub3A_2043 = vector.broadcast %max3A_2035 : vector<512x1xf32> to vector<512x512xf32>
    %sub3A_2044 = arith.subf %max3A_2042, %sub3A_2043 : vector<512x512xf32>
    %exp3A_2045 = math.exp %sub3A_2044 : vector<512x512xf32>
    %mul3A_2046 = arith.mulf %get3A_1, %exp3A_2045 : vector<512x512xf32>
    %reduce_sum3A_2047 = arith.constant dense<0.000000e+00> : vector<512xf32>
    %reduce_sum3A_2048 = vector.multi_reduction <add>, %mul3A_2046, %reduce_sum3A_2047 [1] : vector<512x512xf32> to vector<512xf32>
    %broadcast_in_dim3A_2049 = vector.shape_cast %reduce_sum3A_2048 : vector<512xf32> to vector<512x1xf32>
    %convert_element_type3A_2050 = arith.truncf %mul3A_2046 : vector<512x512xf32> to vector<512x512xbf16>
    %convert_element_type3A_2051 = arith.truncf %dot_general3A_2009 : vector<512x128xf32> to vector<512x128xbf16>
    %dot_general3A_2052 = arith.constant dense<0.000000e+00> : vector<512x128xf32>
    %dot_general3A_2053 = tpu.matmul %convert_element_type3A_2050, %convert_element_type3A_2051, %dot_general3A_2052 {dimension_numbers = #tpu.dot_dimension_numbers<[1], [0], [0], [1], [0, 0, 1, 1], [], []>, transpose_lhs_hint = false} : vector<512x512xbf16>, vector<512x128xbf16>, vector<512x128xf32> -> vector<512x128xf32>
    %add3A_2054 = arith.constant 1.000000e-16 : f32
    %add3A_2055 = vector.broadcast %add3A_2054 : f32 to vector<512x1xf32>
    %add3A_2056 = arith.addf %broadcast_in_dim3A_2049, %add3A_2055 : vector<512x1xf32>
    %div3A_2057 = vector.broadcast %add3A_2056 : vector<512x1xf32> to vector<512x128xf32>
    %div3A_2058 = arith.divf %dot_general3A_2053, %div3A_2057 : vector<512x128xf32>
    %get3A_2059 = arith.constant 0 : index
    %get3A_2060 = arith.constant 0 : index
    %get3A_2061 = vector.load %arg7[%get3A_2059, %get3A_2060] : memref<2x128xf32, #tpu.memory_space<vmem>>, vector<1x128xf32>
    %get3A_2062 = vector.shape_cast %get3A_2061 : vector<1x128xf32> to vector<128xf32>
    %broadcast_in_dim3A_2063 = vector.shape_cast %get3A_2062 : vector<128xf32> to vector<1x128xf32>
    %add3A_2064 = vector.broadcast %broadcast_in_dim3A_2063 : vector<1x128xf32> to vector<512x128xf32>
    %add3A_2065 = arith.addf %div3A_2058, %add3A_2064 : vector<512x128xf32>
    %max3A_2066 = arith.constant 0.000000e+00 : f32
    %max3A_2067 = vector.broadcast %max3A_2066 : f32 to vector<512x128xf32>
    %max3A_2068 = arith.maximumf %add3A_2065, %max3A_2067 : vector<512x128xf32>
    %get3A_2069 = arith.constant 1 : index
    %get3A_2070 = arith.constant 0 : index
    %get3A_2071 = arith.constant 0 : index
    %get3A_2072 = vector.load %arg4[%get3A_2069, %get3A_2070, %get3A_2071] : memref<2x128x128xf32, #tpu.memory_space<vmem>>, vector<1x128x128xf32>
    %get3A_2073 = vector.shape_cast %get3A_2072 : vector<1x128x128xf32> to vector<128x128xf32>
    %convert_element_type3A_2074 = arith.truncf %max3A_2068 : vector<512x128xf32> to vector<512x128xbf16>
    %convert_element_type3A_2075 = arith.truncf %get3A_2073 : vector<128x128xf32> to vector<128x128xbf16>
    %dot_general3A_2076 = arith.constant dense<0.000000e+00> : vector<512x128xf32>
    %dot_general3A_2077 = tpu.matmul %convert_element_type3A_2074, %convert_element_type3A_2075, %dot_general3A_2076 {dimension_numbers = #tpu.dot_dimension_numbers<[1], [1], [0], [0], [0, 0, 1, 0], [], []>, transpose_lhs_hint = false} : vector<512x128xbf16>, vector<128x128xbf16>, vector<512x128xf32> -> vector<512x128xf32>
    %get3A_2078 = arith.constant 1 : index
    %get3A_2079 = arith.constant 0 : index
    %get3A_2080 = vector.load %arg5[%get3A_2078, %get3A_2079] : memref<2x128xf32, #tpu.memory_space<vmem>>, vector<1x128xf32>
    %get3A_2081 = arith.constant 1 : index
    %get3A_2082 = arith.constant 0 : index
    %get3A_2083 = vector.load %arg6[%get3A_2081, %get3A_2082] : memref<2x128xf32, #tpu.memory_space<vmem>>, vector<1x128xf32>
    %concatenate3A_2084 = tpu.concatenate %get3A_2080, %get3A_2083 in 0 : vector<1x128xf32>, vector<1x128xf32> -> vector<2x128xf32>
    %dot_general3A_2085 = arith.constant dense<0.000000e+00> : vector<2x128xf32>
    %dot_general3A_2086 = tpu.matmul %concatenate3A_2084, %get3A_2073, %dot_general3A_2085 {dimension_numbers = #tpu.dot_dimension_numbers<[1], [0], [0], [1], [0, 0, 1, 1], [], []>, transpose_lhs_hint = false} : vector<2x128xf32>, vector<128x128xf32>, vector<2x128xf32> -> vector<2x128xf32>
    %dot_general3A_2087 = arith.constant dense<0.000000e+00> : vector<2x512xf32>
    %dot_general3A_2088 = tpu.matmul %dot_general3A_2086, %max3A_2068, %dot_general3A_2087 {dimension_numbers = #tpu.dot_dimension_numbers<[1], [1], [0], [0], [0, 0, 1, 0], [], []>, transpose_lhs_hint = false} : vector<2x128xf32>, vector<512x128xf32>, vector<2x512xf32> -> vector<2x512xf32>
    %dot_general3A_2089 = arith.constant dense<0.000000e+00> : vector<512x2xf32>
    %dot_general3A_2090 = tpu.matmul %max3A_2068, %dot_general3A_2086, %dot_general3A_2089 {dimension_numbers = #tpu.dot_dimension_numbers<[1], [1], [0], [0], [0, 0, 1, 0], [], []>, transpose_lhs_hint = false} : vector<512x128xf32>, vector<2x128xf32>, vector<512x2xf32> -> vector<512x2xf32>
    %slice3A_2091 = vector.extract_strided_slice %dot_general3A_2088 {offsets = [0, 0], sizes = [1, 512], strides = [1, 1]} : vector<2x512xf32> to vector<1x512xf32>
    %slice3A_2092 = vector.extract_strided_slice %dot_general3A_2090 {offsets = [0, 1], sizes = [512, 1], strides = [1, 1]} : vector<512x2xf32> to vector<512x1xf32>
    %reduce_max3A_2093 = vector.shape_cast %slice3A_2091 : vector<1x512xf32> to vector<1x1x512xf32>
    %reduce_max3A_2094 = arith.constant dense<0xFF800000> : vector<1xf32>
    %reduce_max3A_2095 = vector.multi_reduction <maximumf>, %reduce_max3A_2093, %reduce_max3A_2094 [1, 2] : vector<1x1x512xf32> to vector<1xf32>
    %reduce_max3A_2096 = vector.shape_cast %reduce_max3A_2095 : vector<1xf32> to vector<1x1x1xf32>
    %reduce_max3A_2097 = vector.extract %reduce_max3A_2096[0, 0, 0] : f32 from vector<1x1x1xf32>
    %add3A_2098 = vector.broadcast %reduce_max3A_2097 : f32 to vector<512x1xf32>
    %add3A_2099 = arith.addf %slice3A_2092, %add3A_2098 : vector<512x1xf32>
    %mul3A_2100 = arith.constant 2.000000e-01 : f32
    %mul3A_2101 = vector.broadcast %mul3A_2100 : f32 to vector<512x1xf32>
    %mul3A_2102 = arith.mulf %mul3A_2101, %add3A_2099 : vector<512x1xf32>
    %max3A_2103 = arith.maximumf %add3A_2099, %mul3A_2102 : vector<512x1xf32>
    %add3A_2104 = vector.broadcast %slice3A_2092 : vector<512x1xf32> to vector<512x512xf32>
    %add3A_2105 = vector.broadcast %slice3A_2091 : vector<1x512xf32> to vector<512x512xf32>
    %add3A_2106 = arith.addf %add3A_2104, %add3A_2105 : vector<512x512xf32>
    %mul3A_2107 = arith.constant 2.000000e-01 : f32
    %mul3A_2108 = vector.broadcast %mul3A_2107 : f32 to vector<512x512xf32>
    %mul3A_2109 = arith.mulf %mul3A_2108, %add3A_2106 : vector<512x512xf32>
    %max3A_2110 = arith.maximumf %add3A_2106, %mul3A_2109 : vector<512x512xf32>
    %sub3A_2111 = vector.broadcast %max3A_2103 : vector<512x1xf32> to vector<512x512xf32>
    %sub3A_2112 = arith.subf %max3A_2110, %sub3A_2111 : vector<512x512xf32>
    %exp3A_2113 = math.exp %sub3A_2112 : vector<512x512xf32>
    %mul3A_2114 = arith.mulf %get3A_1, %exp3A_2113 : vector<512x512xf32>
    %reduce_sum3A_2115 = arith.constant dense<0.000000e+00> : vector<512xf32>
    %reduce_sum3A_2116 = vector.multi_reduction <add>, %mul3A_2114, %reduce_sum3A_2115 [1] : vector<512x512xf32> to vector<512xf32>
    %broadcast_in_dim3A_2117 = vector.shape_cast %reduce_sum3A_2116 : vector<512xf32> to vector<512x1xf32>
    %convert_element_type3A_2118 = arith.truncf %mul3A_2114 : vector<512x512xf32> to vector<512x512xbf16>
    %convert_element_type3A_2119 = arith.truncf %dot_general3A_2077 : vector<512x128xf32> to vector<512x128xbf16>
    %dot_general3A_2120 = arith.constant dense<0.000000e+00> : vector<512x128xf32>
    %dot_general3A_2121 = tpu.matmul %convert_element_type3A_2118, %convert_element_type3A_2119, %dot_general3A_2120 {dimension_numbers = #tpu.dot_dimension_numbers<[1], [0], [0], [1], [0, 0, 1, 1], [], []>, transpose_lhs_hint = false} : vector<512x512xbf16>, vector<512x128xbf16>, vector<512x128xf32> -> vector<512x128xf32>
    %add3A_2122 = arith.constant 1.000000e-16 : f32
    %add3A_2123 = vector.broadcast %add3A_2122 : f32 to vector<512x1xf32>
    %add3A_2124 = arith.addf %broadcast_in_dim3A_2117, %add3A_2123 : vector<512x1xf32>
    %div3A_2125 = vector.broadcast %add3A_2124 : vector<512x1xf32> to vector<512x128xf32>
    %div3A_2126 = arith.divf %dot_general3A_2121, %div3A_2125 : vector<512x128xf32>
    %get3A_2127 = arith.constant 1 : index
    %get3A_2128 = arith.constant 0 : index
    %get3A_2129 = vector.load %arg7[%get3A_2127, %get3A_2128] : memref<2x128xf32, #tpu.memory_space<vmem>>, vector<1x128xf32>
    %get3A_2130 = vector.shape_cast %get3A_2129 : vector<1x128xf32> to vector<128xf32>
    %broadcast_in_dim3A_2131 = vector.shape_cast %get3A_2130 : vector<128xf32> to vector<1x128xf32>
    %add3A_2132 = vector.broadcast %broadcast_in_dim3A_2131 : vector<1x128xf32> to vector<512x128xf32>
    %add3A_2133 = arith.addf %div3A_2126, %add3A_2132 : vector<512x128xf32>
    %max3A_2134 = arith.constant 0.000000e+00 : f32
    %max3A_2135 = vector.broadcast %max3A_2134 : f32 to vector<512x128xf32>
    %max3A_2136 = arith.maximumf %add3A_2133, %max3A_2135 : vector<512x128xf32>
    %convert_element_type3A_2137 = arith.truncf %max3A_2136 : vector<512x128xf32> to vector<512x128xbf16>
    %swap3A_2138 = arith.constant 13 : index
    %swap3A_2139 = arith.constant 0 : index
    %swap3A_2140 = arith.constant 0 : index
    %swap3A_2141 = vector.load %arg8[%swap3A_2138, %swap3A_2139, %swap3A_2140] : memref<16x512x128xbf16, #tpu.memory_space<vmem>>, vector<1x512x128xbf16>
    %swap3A_2142 = vector.shape_cast %swap3A_2141 : vector<1x512x128xbf16> to vector<512x128xbf16>
    %swap3A_2143 = vector.shape_cast %convert_element_type3A_2137 : vector<512x128xbf16> to vector<1x512x128xbf16>
    tpu.vector_store %arg8[%swap3A_2138, %swap3A_2139, %swap3A_2140], %swap3A_2143 {strides = array<i32>} : memref<16x512x128xbf16, #tpu.memory_space<vmem>>, vector<1x512x128xbf16>,
    %get3A_2144 = arith.constant 14 : index
    %get3A_2145 = arith.constant 0 : index
    %get3A_2146 = arith.constant 0 : index
    %get3A_2147 = vector.load %arg1[%get3A_2144, %get3A_2145, %get3A_2146] : memref<16x448x128xf32, #tpu.memory_space<vmem>>, vector<1x448x128xf32>
    %get3A_2148 = vector.shape_cast %get3A_2147 : vector<1x448x128xf32> to vector<448x128xf32>
    %get3A_2149 = arith.constant 14 : index
    %get3A_2150 = arith.constant 0 : index
    %get3A_2151 = arith.constant 0 : index
    %get3A_2152 = vector.load %arg2[%get3A_2149, %get3A_2150, %get3A_2151] : memref<16x64x128xf32, #tpu.memory_space<vmem>>, vector<1x64x128xf32>
    %get3A_2153 = vector.shape_cast %get3A_2152 : vector<1x64x128xf32> to vector<64x128xf32>
    %concatenate3A_2154 = tpu.concatenate %get3A_2148, %get3A_2153 in 0 : vector<448x128xf32>, vector<64x128xf32> -> vector<512x128xf32>
    %get3A_2155 = arith.constant 0 : index
    %get3A_2156 = arith.constant 0 : index
    %get3A_2157 = arith.constant 0 : index
    %get3A_2158 = vector.load %arg4[%get3A_2155, %get3A_2156, %get3A_2157] : memref<2x128x128xf32, #tpu.memory_space<vmem>>, vector<1x128x128xf32>
    %get3A_2159 = vector.shape_cast %get3A_2158 : vector<1x128x128xf32> to vector<128x128xf32>
    %convert_element_type3A_2160 = arith.truncf %concatenate3A_2154 : vector<512x128xf32> to vector<512x128xbf16>
    %convert_element_type3A_2161 = arith.truncf %get3A_2159 : vector<128x128xf32> to vector<128x128xbf16>
    %dot_general3A_2162 = arith.constant dense<0.000000e+00> : vector<512x128xf32>
    %dot_general3A_2163 = tpu.matmul %convert_element_type3A_2160, %convert_element_type3A_2161, %dot_general3A_2162 {dimension_numbers = #tpu.dot_dimension_numbers<[1], [1], [0], [0], [0, 0, 1, 0], [], []>, transpose_lhs_hint = false} : vector<512x128xbf16>, vector<128x128xbf16>, vector<512x128xf32> -> vector<512x128xf32>
    %get3A_2164 = arith.constant 0 : index
    %get3A_2165 = arith.constant 0 : index
    %get3A_2166 = vector.load %arg5[%get3A_2164, %get3A_2165] : memref<2x128xf32, #tpu.memory_space<vmem>>, vector<1x128xf32>
    %get3A_2167 = arith.constant 0 : index
    %get3A_2168 = arith.constant 0 : index
    %get3A_2169 = vector.load %arg6[%get3A_2167, %get3A_2168] : memref<2x128xf32, #tpu.memory_space<vmem>>, vector<1x128xf32>
    %concatenate3A_2170 = tpu.concatenate %get3A_2166, %get3A_2169 in 0 : vector<1x128xf32>, vector<1x128xf32> -> vector<2x128xf32>
    %dot_general3A_2171 = arith.constant dense<0.000000e+00> : vector<2x128xf32>
    %dot_general3A_2172 = tpu.matmul %concatenate3A_2170, %get3A_2159, %dot_general3A_2171 {dimension_numbers = #tpu.dot_dimension_numbers<[1], [0], [0], [1], [0, 0, 1, 1], [], []>, transpose_lhs_hint = false} : vector<2x128xf32>, vector<128x128xf32>, vector<2x128xf32> -> vector<2x128xf32>
    %dot_general3A_2173 = arith.constant dense<0.000000e+00> : vector<2x512xf32>
    %dot_general3A_2174 = tpu.matmul %dot_general3A_2172, %concatenate3A_2154, %dot_general3A_2173 {dimension_numbers = #tpu.dot_dimension_numbers<[1], [1], [0], [0], [0, 0, 1, 0], [], []>, transpose_lhs_hint = false} : vector<2x128xf32>, vector<512x128xf32>, vector<2x512xf32> -> vector<2x512xf32>
    %dot_general3A_2175 = arith.constant dense<0.000000e+00> : vector<512x2xf32>
    %dot_general3A_2176 = tpu.matmul %concatenate3A_2154, %dot_general3A_2172, %dot_general3A_2175 {dimension_numbers = #tpu.dot_dimension_numbers<[1], [1], [0], [0], [0, 0, 1, 0], [], []>, transpose_lhs_hint = false} : vector<512x128xf32>, vector<2x128xf32>, vector<512x2xf32> -> vector<512x2xf32>
    %slice3A_2177 = vector.extract_strided_slice %dot_general3A_2174 {offsets = [0, 0], sizes = [1, 512], strides = [1, 1]} : vector<2x512xf32> to vector<1x512xf32>
    %slice3A_2178 = vector.extract_strided_slice %dot_general3A_2176 {offsets = [0, 1], sizes = [512, 1], strides = [1, 1]} : vector<512x2xf32> to vector<512x1xf32>
    %reduce_max3A_2179 = vector.shape_cast %slice3A_2177 : vector<1x512xf32> to vector<1x1x512xf32>
    %reduce_max3A_2180 = arith.constant dense<0xFF800000> : vector<1xf32>
    %reduce_max3A_2181 = vector.multi_reduction <maximumf>, %reduce_max3A_2179, %reduce_max3A_2180 [1, 2] : vector<1x1x512xf32> to vector<1xf32>
    %reduce_max3A_2182 = vector.shape_cast %reduce_max3A_2181 : vector<1xf32> to vector<1x1x1xf32>
    %reduce_max3A_2183 = vector.extract %reduce_max3A_2182[0, 0, 0] : f32 from vector<1x1x1xf32>
    %add3A_2184 = vector.broadcast %reduce_max3A_2183 : f32 to vector<512x1xf32>
    %add3A_2185 = arith.addf %slice3A_2178, %add3A_2184 : vector<512x1xf32>
    %mul3A_2186 = arith.constant 2.000000e-01 : f32
    %mul3A_2187 = vector.broadcast %mul3A_2186 : f32 to vector<512x1xf32>
    %mul3A_2188 = arith.mulf %mul3A_2187, %add3A_2185 : vector<512x1xf32>
    %max3A_2189 = arith.maximumf %add3A_2185, %mul3A_2188 : vector<512x1xf32>
    %add3A_2190 = vector.broadcast %slice3A_2178 : vector<512x1xf32> to vector<512x512xf32>
    %add3A_2191 = vector.broadcast %slice3A_2177 : vector<1x512xf32> to vector<512x512xf32>
    %add3A_2192 = arith.addf %add3A_2190, %add3A_2191 : vector<512x512xf32>
    %mul3A_2193 = arith.constant 2.000000e-01 : f32
    %mul3A_2194 = vector.broadcast %mul3A_2193 : f32 to vector<512x512xf32>
    %mul3A_2195 = arith.mulf %mul3A_2194, %add3A_2192 : vector<512x512xf32>
    %max3A_2196 = arith.maximumf %add3A_2192, %mul3A_2195 : vector<512x512xf32>
    %sub3A_2197 = vector.broadcast %max3A_2189 : vector<512x1xf32> to vector<512x512xf32>
    %sub3A_2198 = arith.subf %max3A_2196, %sub3A_2197 : vector<512x512xf32>
    %exp3A_2199 = math.exp %sub3A_2198 : vector<512x512xf32>
    %mul3A_2200 = arith.mulf %get3A_1, %exp3A_2199 : vector<512x512xf32>
    %reduce_sum3A_2201 = arith.constant dense<0.000000e+00> : vector<512xf32>
    %reduce_sum3A_2202 = vector.multi_reduction <add>, %mul3A_2200, %reduce_sum3A_2201 [1] : vector<512x512xf32> to vector<512xf32>
    %broadcast_in_dim3A_2203 = vector.shape_cast %reduce_sum3A_2202 : vector<512xf32> to vector<512x1xf32>
    %convert_element_type3A_2204 = arith.truncf %mul3A_2200 : vector<512x512xf32> to vector<512x512xbf16>
    %convert_element_type3A_2205 = arith.truncf %dot_general3A_2163 : vector<512x128xf32> to vector<512x128xbf16>
    %dot_general3A_2206 = arith.constant dense<0.000000e+00> : vector<512x128xf32>
    %dot_general3A_2207 = tpu.matmul %convert_element_type3A_2204, %convert_element_type3A_2205, %dot_general3A_2206 {dimension_numbers = #tpu.dot_dimension_numbers<[1], [0], [0], [1], [0, 0, 1, 1], [], []>, transpose_lhs_hint = false} : vector<512x512xbf16>, vector<512x128xbf16>, vector<512x128xf32> -> vector<512x128xf32>
    %add3A_2208 = arith.constant 1.000000e-16 : f32
    %add3A_2209 = vector.broadcast %add3A_2208 : f32 to vector<512x1xf32>
    %add3A_2210 = arith.addf %broadcast_in_dim3A_2203, %add3A_2209 : vector<512x1xf32>
    %div3A_2211 = vector.broadcast %add3A_2210 : vector<512x1xf32> to vector<512x128xf32>
    %div3A_2212 = arith.divf %dot_general3A_2207, %div3A_2211 : vector<512x128xf32>
    %get3A_2213 = arith.constant 0 : index
    %get3A_2214 = arith.constant 0 : index
    %get3A_2215 = vector.load %arg7[%get3A_2213, %get3A_2214] : memref<2x128xf32, #tpu.memory_space<vmem>>, vector<1x128xf32>
    %get3A_2216 = vector.shape_cast %get3A_2215 : vector<1x128xf32> to vector<128xf32>
    %broadcast_in_dim3A_2217 = vector.shape_cast %get3A_2216 : vector<128xf32> to vector<1x128xf32>
    %add3A_2218 = vector.broadcast %broadcast_in_dim3A_2217 : vector<1x128xf32> to vector<512x128xf32>
    %add3A_2219 = arith.addf %div3A_2212, %add3A_2218 : vector<512x128xf32>
    %max3A_2220 = arith.constant 0.000000e+00 : f32
    %max3A_2221 = vector.broadcast %max3A_2220 : f32 to vector<512x128xf32>
    %max3A_2222 = arith.maximumf %add3A_2219, %max3A_2221 : vector<512x128xf32>
    %get3A_2223 = arith.constant 1 : index
    %get3A_2224 = arith.constant 0 : index
    %get3A_2225 = arith.constant 0 : index
    %get3A_2226 = vector.load %arg4[%get3A_2223, %get3A_2224, %get3A_2225] : memref<2x128x128xf32, #tpu.memory_space<vmem>>, vector<1x128x128xf32>
    %get3A_2227 = vector.shape_cast %get3A_2226 : vector<1x128x128xf32> to vector<128x128xf32>
    %convert_element_type3A_2228 = arith.truncf %max3A_2222 : vector<512x128xf32> to vector<512x128xbf16>
    %convert_element_type3A_2229 = arith.truncf %get3A_2227 : vector<128x128xf32> to vector<128x128xbf16>
    %dot_general3A_2230 = arith.constant dense<0.000000e+00> : vector<512x128xf32>
    %dot_general3A_2231 = tpu.matmul %convert_element_type3A_2228, %convert_element_type3A_2229, %dot_general3A_2230 {dimension_numbers = #tpu.dot_dimension_numbers<[1], [1], [0], [0], [0, 0, 1, 0], [], []>, transpose_lhs_hint = false} : vector<512x128xbf16>, vector<128x128xbf16>, vector<512x128xf32> -> vector<512x128xf32>
    %get3A_2232 = arith.constant 1 : index
    %get3A_2233 = arith.constant 0 : index
    %get3A_2234 = vector.load %arg5[%get3A_2232, %get3A_2233] : memref<2x128xf32, #tpu.memory_space<vmem>>, vector<1x128xf32>
    %get3A_2235 = arith.constant 1 : index
    %get3A_2236 = arith.constant 0 : index
    %get3A_2237 = vector.load %arg6[%get3A_2235, %get3A_2236] : memref<2x128xf32, #tpu.memory_space<vmem>>, vector<1x128xf32>
    %concatenate3A_2238 = tpu.concatenate %get3A_2234, %get3A_2237 in 0 : vector<1x128xf32>, vector<1x128xf32> -> vector<2x128xf32>
    %dot_general3A_2239 = arith.constant dense<0.000000e+00> : vector<2x128xf32>
    %dot_general3A_2240 = tpu.matmul %concatenate3A_2238, %get3A_2227, %dot_general3A_2239 {dimension_numbers = #tpu.dot_dimension_numbers<[1], [0], [0], [1], [0, 0, 1, 1], [], []>, transpose_lhs_hint = false} : vector<2x128xf32>, vector<128x128xf32>, vector<2x128xf32> -> vector<2x128xf32>
    %dot_general3A_2241 = arith.constant dense<0.000000e+00> : vector<2x512xf32>
    %dot_general3A_2242 = tpu.matmul %dot_general3A_2240, %max3A_2222, %dot_general3A_2241 {dimension_numbers = #tpu.dot_dimension_numbers<[1], [1], [0], [0], [0, 0, 1, 0], [], []>, transpose_lhs_hint = false} : vector<2x128xf32>, vector<512x128xf32>, vector<2x512xf32> -> vector<2x512xf32>
    %dot_general3A_2243 = arith.constant dense<0.000000e+00> : vector<512x2xf32>
    %dot_general3A_2244 = tpu.matmul %max3A_2222, %dot_general3A_2240, %dot_general3A_2243 {dimension_numbers = #tpu.dot_dimension_numbers<[1], [1], [0], [0], [0, 0, 1, 0], [], []>, transpose_lhs_hint = false} : vector<512x128xf32>, vector<2x128xf32>, vector<512x2xf32> -> vector<512x2xf32>
    %slice3A_2245 = vector.extract_strided_slice %dot_general3A_2242 {offsets = [0, 0], sizes = [1, 512], strides = [1, 1]} : vector<2x512xf32> to vector<1x512xf32>
    %slice3A_2246 = vector.extract_strided_slice %dot_general3A_2244 {offsets = [0, 1], sizes = [512, 1], strides = [1, 1]} : vector<512x2xf32> to vector<512x1xf32>
    %reduce_max3A_2247 = vector.shape_cast %slice3A_2245 : vector<1x512xf32> to vector<1x1x512xf32>
    %reduce_max3A_2248 = arith.constant dense<0xFF800000> : vector<1xf32>
    %reduce_max3A_2249 = vector.multi_reduction <maximumf>, %reduce_max3A_2247, %reduce_max3A_2248 [1, 2] : vector<1x1x512xf32> to vector<1xf32>
    %reduce_max3A_2250 = vector.shape_cast %reduce_max3A_2249 : vector<1xf32> to vector<1x1x1xf32>
    %reduce_max3A_2251 = vector.extract %reduce_max3A_2250[0, 0, 0] : f32 from vector<1x1x1xf32>
    %add3A_2252 = vector.broadcast %reduce_max3A_2251 : f32 to vector<512x1xf32>
    %add3A_2253 = arith.addf %slice3A_2246, %add3A_2252 : vector<512x1xf32>
    %mul3A_2254 = arith.constant 2.000000e-01 : f32
    %mul3A_2255 = vector.broadcast %mul3A_2254 : f32 to vector<512x1xf32>
    %mul3A_2256 = arith.mulf %mul3A_2255, %add3A_2253 : vector<512x1xf32>
    %max3A_2257 = arith.maximumf %add3A_2253, %mul3A_2256 : vector<512x1xf32>
    %add3A_2258 = vector.broadcast %slice3A_2246 : vector<512x1xf32> to vector<512x512xf32>
    %add3A_2259 = vector.broadcast %slice3A_2245 : vector<1x512xf32> to vector<512x512xf32>
    %add3A_2260 = arith.addf %add3A_2258, %add3A_2259 : vector<512x512xf32>
    %mul3A_2261 = arith.constant 2.000000e-01 : f32
    %mul3A_2262 = vector.broadcast %mul3A_2261 : f32 to vector<512x512xf32>
    %mul3A_2263 = arith.mulf %mul3A_2262, %add3A_2260 : vector<512x512xf32>
    %max3A_2264 = arith.maximumf %add3A_2260, %mul3A_2263 : vector<512x512xf32>
    %sub3A_2265 = vector.broadcast %max3A_2257 : vector<512x1xf32> to vector<512x512xf32>
    %sub3A_2266 = arith.subf %max3A_2264, %sub3A_2265 : vector<512x512xf32>
    %exp3A_2267 = math.exp %sub3A_2266 : vector<512x512xf32>
    %mul3A_2268 = arith.mulf %get3A_1, %exp3A_2267 : vector<512x512xf32>
    %reduce_sum3A_2269 = arith.constant dense<0.000000e+00> : vector<512xf32>
    %reduce_sum3A_2270 = vector.multi_reduction <add>, %mul3A_2268, %reduce_sum3A_2269 [1] : vector<512x512xf32> to vector<512xf32>
    %broadcast_in_dim3A_2271 = vector.shape_cast %reduce_sum3A_2270 : vector<512xf32> to vector<512x1xf32>
    %convert_element_type3A_2272 = arith.truncf %mul3A_2268 : vector<512x512xf32> to vector<512x512xbf16>
    %convert_element_type3A_2273 = arith.truncf %dot_general3A_2231 : vector<512x128xf32> to vector<512x128xbf16>
    %dot_general3A_2274 = arith.constant dense<0.000000e+00> : vector<512x128xf32>
    %dot_general3A_2275 = tpu.matmul %convert_element_type3A_2272, %convert_element_type3A_2273, %dot_general3A_2274 {dimension_numbers = #tpu.dot_dimension_numbers<[1], [0], [0], [1], [0, 0, 1, 1], [], []>, transpose_lhs_hint = false} : vector<512x512xbf16>, vector<512x128xbf16>, vector<512x128xf32> -> vector<512x128xf32>
    %add3A_2276 = arith.constant 1.000000e-16 : f32
    %add3A_2277 = vector.broadcast %add3A_2276 : f32 to vector<512x1xf32>
    %add3A_2278 = arith.addf %broadcast_in_dim3A_2271, %add3A_2277 : vector<512x1xf32>
    %div3A_2279 = vector.broadcast %add3A_2278 : vector<512x1xf32> to vector<512x128xf32>
    %div3A_2280 = arith.divf %dot_general3A_2275, %div3A_2279 : vector<512x128xf32>
    %get3A_2281 = arith.constant 1 : index
    %get3A_2282 = arith.constant 0 : index
    %get3A_2283 = vector.load %arg7[%get3A_2281, %get3A_2282] : memref<2x128xf32, #tpu.memory_space<vmem>>, vector<1x128xf32>
    %get3A_2284 = vector.shape_cast %get3A_2283 : vector<1x128xf32> to vector<128xf32>
    %broadcast_in_dim3A_2285 = vector.shape_cast %get3A_2284 : vector<128xf32> to vector<1x128xf32>
    %add3A_2286 = vector.broadcast %broadcast_in_dim3A_2285 : vector<1x128xf32> to vector<512x128xf32>
    %add3A_2287 = arith.addf %div3A_2280, %add3A_2286 : vector<512x128xf32>
    %max3A_2288 = arith.constant 0.000000e+00 : f32
    %max3A_2289 = vector.broadcast %max3A_2288 : f32 to vector<512x128xf32>
    %max3A_2290 = arith.maximumf %add3A_2287, %max3A_2289 : vector<512x128xf32>
    %convert_element_type3A_2291 = arith.truncf %max3A_2290 : vector<512x128xf32> to vector<512x128xbf16>
    %swap3A_2292 = arith.constant 14 : index
    %swap3A_2293 = arith.constant 0 : index
    %swap3A_2294 = arith.constant 0 : index
    %swap3A_2295 = vector.load %arg8[%swap3A_2292, %swap3A_2293, %swap3A_2294] : memref<16x512x128xbf16, #tpu.memory_space<vmem>>, vector<1x512x128xbf16>
    %swap3A_2296 = vector.shape_cast %swap3A_2295 : vector<1x512x128xbf16> to vector<512x128xbf16>
    %swap3A_2297 = vector.shape_cast %convert_element_type3A_2291 : vector<512x128xbf16> to vector<1x512x128xbf16>
    tpu.vector_store %arg8[%swap3A_2292, %swap3A_2293, %swap3A_2294], %swap3A_2297 {strides = array<i32>} : memref<16x512x128xbf16, #tpu.memory_space<vmem>>, vector<1x512x128xbf16>,
    %get3A_2298 = arith.constant 15 : index
    %get3A_2299 = arith.constant 0 : index
    %get3A_2300 = arith.constant 0 : index
    %get3A_2301 = vector.load %arg1[%get3A_2298, %get3A_2299, %get3A_2300] : memref<16x448x128xf32, #tpu.memory_space<vmem>>, vector<1x448x128xf32>
    %get3A_2302 = vector.shape_cast %get3A_2301 : vector<1x448x128xf32> to vector<448x128xf32>
    %get3A_2303 = arith.constant 15 : index
    %get3A_2304 = arith.constant 0 : index
    %get3A_2305 = arith.constant 0 : index
    %get3A_2306 = vector.load %arg2[%get3A_2303, %get3A_2304, %get3A_2305] : memref<16x64x128xf32, #tpu.memory_space<vmem>>, vector<1x64x128xf32>
    %get3A_2307 = vector.shape_cast %get3A_2306 : vector<1x64x128xf32> to vector<64x128xf32>
    %concatenate3A_2308 = tpu.concatenate %get3A_2302, %get3A_2307 in 0 : vector<448x128xf32>, vector<64x128xf32> -> vector<512x128xf32>
    %get3A_2309 = arith.constant 0 : index
    %get3A_2310 = arith.constant 0 : index
    %get3A_2311 = arith.constant 0 : index
    %get3A_2312 = vector.load %arg4[%get3A_2309, %get3A_2310, %get3A_2311] : memref<2x128x128xf32, #tpu.memory_space<vmem>>, vector<1x128x128xf32>
    %get3A_2313 = vector.shape_cast %get3A_2312 : vector<1x128x128xf32> to vector<128x128xf32>
    %convert_element_type3A_2314 = arith.truncf %concatenate3A_2308 : vector<512x128xf32> to vector<512x128xbf16>
    %convert_element_type3A_2315 = arith.truncf %get3A_2313 : vector<128x128xf32> to vector<128x128xbf16>
    %dot_general3A_2316 = arith.constant dense<0.000000e+00> : vector<512x128xf32>
    %dot_general3A_2317 = tpu.matmul %convert_element_type3A_2314, %convert_element_type3A_2315, %dot_general3A_2316 {dimension_numbers = #tpu.dot_dimension_numbers<[1], [1], [0], [0], [0, 0, 1, 0], [], []>, transpose_lhs_hint = false} : vector<512x128xbf16>, vector<128x128xbf16>, vector<512x128xf32> -> vector<512x128xf32>
    %get3A_2318 = arith.constant 0 : index
    %get3A_2319 = arith.constant 0 : index
    %get3A_2320 = vector.load %arg5[%get3A_2318, %get3A_2319] : memref<2x128xf32, #tpu.memory_space<vmem>>, vector<1x128xf32>
    %get3A_2321 = arith.constant 0 : index
    %get3A_2322 = arith.constant 0 : index
    %get3A_2323 = vector.load %arg6[%get3A_2321, %get3A_2322] : memref<2x128xf32, #tpu.memory_space<vmem>>, vector<1x128xf32>
    %concatenate3A_2324 = tpu.concatenate %get3A_2320, %get3A_2323 in 0 : vector<1x128xf32>, vector<1x128xf32> -> vector<2x128xf32>
    %dot_general3A_2325 = arith.constant dense<0.000000e+00> : vector<2x128xf32>
    %dot_general3A_2326 = tpu.matmul %concatenate3A_2324, %get3A_2313, %dot_general3A_2325 {dimension_numbers = #tpu.dot_dimension_numbers<[1], [0], [0], [1], [0, 0, 1, 1], [], []>, transpose_lhs_hint = false} : vector<2x128xf32>, vector<128x128xf32>, vector<2x128xf32> -> vector<2x128xf32>
    %dot_general3A_2327 = arith.constant dense<0.000000e+00> : vector<2x512xf32>
    %dot_general3A_2328 = tpu.matmul %dot_general3A_2326, %concatenate3A_2308, %dot_general3A_2327 {dimension_numbers = #tpu.dot_dimension_numbers<[1], [1], [0], [0], [0, 0, 1, 0], [], []>, transpose_lhs_hint = false} : vector<2x128xf32>, vector<512x128xf32>, vector<2x512xf32> -> vector<2x512xf32>
    %dot_general3A_2329 = arith.constant dense<0.000000e+00> : vector<512x2xf32>
    %dot_general3A_2330 = tpu.matmul %concatenate3A_2308, %dot_general3A_2326, %dot_general3A_2329 {dimension_numbers = #tpu.dot_dimension_numbers<[1], [1], [0], [0], [0, 0, 1, 0], [], []>, transpose_lhs_hint = false} : vector<512x128xf32>, vector<2x128xf32>, vector<512x2xf32> -> vector<512x2xf32>
    %slice3A_2331 = vector.extract_strided_slice %dot_general3A_2328 {offsets = [0, 0], sizes = [1, 512], strides = [1, 1]} : vector<2x512xf32> to vector<1x512xf32>
    %slice3A_2332 = vector.extract_strided_slice %dot_general3A_2330 {offsets = [0, 1], sizes = [512, 1], strides = [1, 1]} : vector<512x2xf32> to vector<512x1xf32>
    %reduce_max3A_2333 = vector.shape_cast %slice3A_2331 : vector<1x512xf32> to vector<1x1x512xf32>
    %reduce_max3A_2334 = arith.constant dense<0xFF800000> : vector<1xf32>
    %reduce_max3A_2335 = vector.multi_reduction <maximumf>, %reduce_max3A_2333, %reduce_max3A_2334 [1, 2] : vector<1x1x512xf32> to vector<1xf32>
    %reduce_max3A_2336 = vector.shape_cast %reduce_max3A_2335 : vector<1xf32> to vector<1x1x1xf32>
    %reduce_max3A_2337 = vector.extract %reduce_max3A_2336[0, 0, 0] : f32 from vector<1x1x1xf32>
    %add3A_2338 = vector.broadcast %reduce_max3A_2337 : f32 to vector<512x1xf32>
    %add3A_2339 = arith.addf %slice3A_2332, %add3A_2338 : vector<512x1xf32>
    %mul3A_2340 = arith.constant 2.000000e-01 : f32
    %mul3A_2341 = vector.broadcast %mul3A_2340 : f32 to vector<512x1xf32>
    %mul3A_2342 = arith.mulf %mul3A_2341, %add3A_2339 : vector<512x1xf32>
    %max3A_2343 = arith.maximumf %add3A_2339, %mul3A_2342 : vector<512x1xf32>
    %add3A_2344 = vector.broadcast %slice3A_2332 : vector<512x1xf32> to vector<512x512xf32>
    %add3A_2345 = vector.broadcast %slice3A_2331 : vector<1x512xf32> to vector<512x512xf32>
    %add3A_2346 = arith.addf %add3A_2344, %add3A_2345 : vector<512x512xf32>
    %mul3A_2347 = arith.constant 2.000000e-01 : f32
    %mul3A_2348 = vector.broadcast %mul3A_2347 : f32 to vector<512x512xf32>
    %mul3A_2349 = arith.mulf %mul3A_2348, %add3A_2346 : vector<512x512xf32>
    %max3A_2350 = arith.maximumf %add3A_2346, %mul3A_2349 : vector<512x512xf32>
    %sub3A_2351 = vector.broadcast %max3A_2343 : vector<512x1xf32> to vector<512x512xf32>
    %sub3A_2352 = arith.subf %max3A_2350, %sub3A_2351 : vector<512x512xf32>
    %exp3A_2353 = math.exp %sub3A_2352 : vector<512x512xf32>
    %mul3A_2354 = arith.mulf %get3A_1, %exp3A_2353 : vector<512x512xf32>
    %reduce_sum3A_2355 = arith.constant dense<0.000000e+00> : vector<512xf32>
    %reduce_sum3A_2356 = vector.multi_reduction <add>, %mul3A_2354, %reduce_sum3A_2355 [1] : vector<512x512xf32> to vector<512xf32>
    %broadcast_in_dim3A_2357 = vector.shape_cast %reduce_sum3A_2356 : vector<512xf32> to vector<512x1xf32>
    %convert_element_type3A_2358 = arith.truncf %mul3A_2354 : vector<512x512xf32> to vector<512x512xbf16>
    %convert_element_type3A_2359 = arith.truncf %dot_general3A_2317 : vector<512x128xf32> to vector<512x128xbf16>
    %dot_general3A_2360 = arith.constant dense<0.000000e+00> : vector<512x128xf32>
    %dot_general3A_2361 = tpu.matmul %convert_element_type3A_2358, %convert_element_type3A_2359, %dot_general3A_2360 {dimension_numbers = #tpu.dot_dimension_numbers<[1], [0], [0], [1], [0, 0, 1, 1], [], []>, transpose_lhs_hint = false} : vector<512x512xbf16>, vector<512x128xbf16>, vector<512x128xf32> -> vector<512x128xf32>
    %add3A_2362 = arith.constant 1.000000e-16 : f32
    %add3A_2363 = vector.broadcast %add3A_2362 : f32 to vector<512x1xf32>
    %add3A_2364 = arith.addf %broadcast_in_dim3A_2357, %add3A_2363 : vector<512x1xf32>
    %div3A_2365 = vector.broadcast %add3A_2364 : vector<512x1xf32> to vector<512x128xf32>
    %div3A_2366 = arith.divf %dot_general3A_2361, %div3A_2365 : vector<512x128xf32>
    %get3A_2367 = arith.constant 0 : index
    %get3A_2368 = arith.constant 0 : index
    %get3A_2369 = vector.load %arg7[%get3A_2367, %get3A_2368] : memref<2x128xf32, #tpu.memory_space<vmem>>, vector<1x128xf32>
    %get3A_2370 = vector.shape_cast %get3A_2369 : vector<1x128xf32> to vector<128xf32>
    %broadcast_in_dim3A_2371 = vector.shape_cast %get3A_2370 : vector<128xf32> to vector<1x128xf32>
    %add3A_2372 = vector.broadcast %broadcast_in_dim3A_2371 : vector<1x128xf32> to vector<512x128xf32>
    %add3A_2373 = arith.addf %div3A_2366, %add3A_2372 : vector<512x128xf32>
    %max3A_2374 = arith.constant 0.000000e+00 : f32
    %max3A_2375 = vector.broadcast %max3A_2374 : f32 to vector<512x128xf32>
    %max3A_2376 = arith.maximumf %add3A_2373, %max3A_2375 : vector<512x128xf32>
    %get3A_2377 = arith.constant 1 : index
    %get3A_2378 = arith.constant 0 : index
    %get3A_2379 = arith.constant 0 : index
    %get3A_2380 = vector.load %arg4[%get3A_2377, %get3A_2378, %get3A_2379] : memref<2x128x128xf32, #tpu.memory_space<vmem>>, vector<1x128x128xf32>
    %get3A_2381 = vector.shape_cast %get3A_2380 : vector<1x128x128xf32> to vector<128x128xf32>
    %convert_element_type3A_2382 = arith.truncf %max3A_2376 : vector<512x128xf32> to vector<512x128xbf16>
    %convert_element_type3A_2383 = arith.truncf %get3A_2381 : vector<128x128xf32> to vector<128x128xbf16>
    %dot_general3A_2384 = arith.constant dense<0.000000e+00> : vector<512x128xf32>
    %dot_general3A_2385 = tpu.matmul %convert_element_type3A_2382, %convert_element_type3A_2383, %dot_general3A_2384 {dimension_numbers = #tpu.dot_dimension_numbers<[1], [1], [0], [0], [0, 0, 1, 0], [], []>, transpose_lhs_hint = false} : vector<512x128xbf16>, vector<128x128xbf16>, vector<512x128xf32> -> vector<512x128xf32>
    %get3A_2386 = arith.constant 1 : index
    %get3A_2387 = arith.constant 0 : index
    %get3A_2388 = vector.load %arg5[%get3A_2386, %get3A_2387] : memref<2x128xf32, #tpu.memory_space<vmem>>, vector<1x128xf32>
    %get3A_2389 = arith.constant 1 : index
    %get3A_2390 = arith.constant 0 : index
    %get3A_2391 = vector.load %arg6[%get3A_2389, %get3A_2390] : memref<2x128xf32, #tpu.memory_space<vmem>>, vector<1x128xf32>
    %concatenate3A_2392 = tpu.concatenate %get3A_2388, %get3A_2391 in 0 : vector<1x128xf32>, vector<1x128xf32> -> vector<2x128xf32>
    %dot_general3A_2393 = arith.constant dense<0.000000e+00> : vector<2x128xf32>
    %dot_general3A_2394 = tpu.matmul %concatenate3A_2392, %get3A_2381, %dot_general3A_2393 {dimension_numbers = #tpu.dot_dimension_numbers<[1], [0], [0], [1], [0, 0, 1, 1], [], []>, transpose_lhs_hint = false} : vector<2x128xf32>, vector<128x128xf32>, vector<2x128xf32> -> vector<2x128xf32>
    %dot_general3A_2395 = arith.constant dense<0.000000e+00> : vector<2x512xf32>
    %dot_general3A_2396 = tpu.matmul %dot_general3A_2394, %max3A_2376, %dot_general3A_2395 {dimension_numbers = #tpu.dot_dimension_numbers<[1], [1], [0], [0], [0, 0, 1, 0], [], []>, transpose_lhs_hint = false} : vector<2x128xf32>, vector<512x128xf32>, vector<2x512xf32> -> vector<2x512xf32>
    %dot_general3A_2397 = arith.constant dense<0.000000e+00> : vector<512x2xf32>
    %dot_general3A_2398 = tpu.matmul %max3A_2376, %dot_general3A_2394, %dot_general3A_2397 {dimension_numbers = #tpu.dot_dimension_numbers<[1], [1], [0], [0], [0, 0, 1, 0], [], []>, transpose_lhs_hint = false} : vector<512x128xf32>, vector<2x128xf32>, vector<512x2xf32> -> vector<512x2xf32>
    %slice3A_2399 = vector.extract_strided_slice %dot_general3A_2396 {offsets = [0, 0], sizes = [1, 512], strides = [1, 1]} : vector<2x512xf32> to vector<1x512xf32>
    %slice3A_2400 = vector.extract_strided_slice %dot_general3A_2398 {offsets = [0, 1], sizes = [512, 1], strides = [1, 1]} : vector<512x2xf32> to vector<512x1xf32>
    %reduce_max3A_2401 = vector.shape_cast %slice3A_2399 : vector<1x512xf32> to vector<1x1x512xf32>
    %reduce_max3A_2402 = arith.constant dense<0xFF800000> : vector<1xf32>
    %reduce_max3A_2403 = vector.multi_reduction <maximumf>, %reduce_max3A_2401, %reduce_max3A_2402 [1, 2] : vector<1x1x512xf32> to vector<1xf32>
    %reduce_max3A_2404 = vector.shape_cast %reduce_max3A_2403 : vector<1xf32> to vector<1x1x1xf32>
    %reduce_max3A_2405 = vector.extract %reduce_max3A_2404[0, 0, 0] : f32 from vector<1x1x1xf32>
    %add3A_2406 = vector.broadcast %reduce_max3A_2405 : f32 to vector<512x1xf32>
    %add3A_2407 = arith.addf %slice3A_2400, %add3A_2406 : vector<512x1xf32>
    %mul3A_2408 = arith.constant 2.000000e-01 : f32
    %mul3A_2409 = vector.broadcast %mul3A_2408 : f32 to vector<512x1xf32>
    %mul3A_2410 = arith.mulf %mul3A_2409, %add3A_2407 : vector<512x1xf32>
    %max3A_2411 = arith.maximumf %add3A_2407, %mul3A_2410 : vector<512x1xf32>
    %add3A_2412 = vector.broadcast %slice3A_2400 : vector<512x1xf32> to vector<512x512xf32>
    %add3A_2413 = vector.broadcast %slice3A_2399 : vector<1x512xf32> to vector<512x512xf32>
    %add3A_2414 = arith.addf %add3A_2412, %add3A_2413 : vector<512x512xf32>
    %mul3A_2415 = arith.constant 2.000000e-01 : f32
    %mul3A_2416 = vector.broadcast %mul3A_2415 : f32 to vector<512x512xf32>
    %mul3A_2417 = arith.mulf %mul3A_2416, %add3A_2414 : vector<512x512xf32>
    %max3A_2418 = arith.maximumf %add3A_2414, %mul3A_2417 : vector<512x512xf32>
    %sub3A_2419 = vector.broadcast %max3A_2411 : vector<512x1xf32> to vector<512x512xf32>
    %sub3A_2420 = arith.subf %max3A_2418, %sub3A_2419 : vector<512x512xf32>
    %exp3A_2421 = math.exp %sub3A_2420 : vector<512x512xf32>
    %mul3A_2422 = arith.mulf %get3A_1, %exp3A_2421 : vector<512x512xf32>
    %reduce_sum3A_2423 = arith.constant dense<0.000000e+00> : vector<512xf32>
    %reduce_sum3A_2424 = vector.multi_reduction <add>, %mul3A_2422, %reduce_sum3A_2423 [1] : vector<512x512xf32> to vector<512xf32>
    %broadcast_in_dim3A_2425 = vector.shape_cast %reduce_sum3A_2424 : vector<512xf32> to vector<512x1xf32>
    %convert_element_type3A_2426 = arith.truncf %mul3A_2422 : vector<512x512xf32> to vector<512x512xbf16>
    %convert_element_type3A_2427 = arith.truncf %dot_general3A_2385 : vector<512x128xf32> to vector<512x128xbf16>
    %dot_general3A_2428 = arith.constant dense<0.000000e+00> : vector<512x128xf32>
    %dot_general3A_2429 = tpu.matmul %convert_element_type3A_2426, %convert_element_type3A_2427, %dot_general3A_2428 {dimension_numbers = #tpu.dot_dimension_numbers<[1], [0], [0], [1], [0, 0, 1, 1], [], []>, transpose_lhs_hint = false} : vector<512x512xbf16>, vector<512x128xbf16>, vector<512x128xf32> -> vector<512x128xf32>
    %add3A_2430 = arith.constant 1.000000e-16 : f32
    %add3A_2431 = vector.broadcast %add3A_2430 : f32 to vector<512x1xf32>
    %add3A_2432 = arith.addf %broadcast_in_dim3A_2425, %add3A_2431 : vector<512x1xf32>
    %div3A_2433 = vector.broadcast %add3A_2432 : vector<512x1xf32> to vector<512x128xf32>
    %div3A_2434 = arith.divf %dot_general3A_2429, %div3A_2433 : vector<512x128xf32>
    %get3A_2435 = arith.constant 1 : index
    %get3A_2436 = arith.constant 0 : index
    %get3A_2437 = vector.load %arg7[%get3A_2435, %get3A_2436] : memref<2x128xf32, #tpu.memory_space<vmem>>, vector<1x128xf32>
    %get3A_2438 = vector.shape_cast %get3A_2437 : vector<1x128xf32> to vector<128xf32>
    %broadcast_in_dim3A_2439 = vector.shape_cast %get3A_2438 : vector<128xf32> to vector<1x128xf32>
    %add3A_2440 = vector.broadcast %broadcast_in_dim3A_2439 : vector<1x128xf32> to vector<512x128xf32>
    %add3A_2441 = arith.addf %div3A_2434, %add3A_2440 : vector<512x128xf32>
    %max3A_2442 = arith.constant 0.000000e+00 : f32
    %max3A_2443 = vector.broadcast %max3A_2442 : f32 to vector<512x128xf32>
    %max3A_2444 = arith.maximumf %add3A_2441, %max3A_2443 : vector<512x128xf32>
    %convert_element_type3A_2445 = arith.truncf %max3A_2444 : vector<512x128xf32> to vector<512x128xbf16>
    %swap3A_2446 = arith.constant 15 : index
    %swap3A_2447 = arith.constant 0 : index
    %swap3A_2448 = arith.constant 0 : index
    %swap3A_2449 = vector.load %arg8[%swap3A_2446, %swap3A_2447, %swap3A_2448] : memref<16x512x128xbf16, #tpu.memory_space<vmem>>, vector<1x512x128xbf16>
    %swap3A_2450 = vector.shape_cast %swap3A_2449 : vector<1x512x128xbf16> to vector<512x128xbf16>
    %swap3A_2451 = vector.shape_cast %convert_element_type3A_2445 : vector<512x128xbf16> to vector<1x512x128xbf16>
    tpu.vector_store %arg8[%swap3A_2446, %swap3A_2447, %swap3A_2448], %swap3A_2451 {strides = array<i32>} : memref<16x512x128xbf16, #tpu.memory_space<vmem>>, vector<1x512x128xbf16>,
    return
  }
  func.func @transform_0(%arg0: i32) -> (i32, i32, i32) {
    %c0_i32 = arith.constant 0 : i32
    %c0_i32_0 = arith.constant 0 : i32
    %c0_i32_1 = arith.constant 0 : i32
    return %arg0, %c0_i32, %c0_i32_0 : i32, i32, i32
  }
  func.func @transform_1(%arg0: i32) -> (i32, i32, i32) {
    %c0_i32 = arith.constant 0 : i32
    %c0_i32_0 = arith.constant 0 : i32
    %c0_i32_1 = arith.constant 0 : i32
    return %arg0, %c0_i32, %c0_i32_0 : i32, i32, i32
  }
  func.func @transform_2(%arg0: i32) -> (i32, i32) {
    %c0_i32 = arith.constant 0 : i32
    %c0_i32_0 = arith.constant 0 : i32
    %c0_i32_1 = arith.constant 0 : i32
    return %c0_i32, %c0_i32_0 : i32, i32
  }
  func.func @transform_3(%arg0: i32) -> (i32, i32, i32) {
    %c0_i32 = arith.constant 0 : i32
    %c0_i32_0 = arith.constant 0 : i32
    %c0_i32_1 = arith.constant 0 : i32
    %c0_i32_2 = arith.constant 0 : i32
    return %c0_i32, %c0_i32_0, %c0_i32_1 : i32, i32, i32
  }
  func.func @transform_4(%arg0: i32) -> (i32, i32) {
    %c0_i32 = arith.constant 0 : i32
    %c0_i32_0 = arith.constant 0 : i32
    %c0_i32_1 = arith.constant 0 : i32
    return %c0_i32, %c0_i32_0 : i32, i32
  }
  func.func @transform_5(%arg0: i32) -> (i32, i32) {
    %c0_i32 = arith.constant 0 : i32
    %c0_i32_0 = arith.constant 0 : i32
    %c0_i32_1 = arith.constant 0 : i32
    return %c0_i32, %c0_i32_0 : i32, i32
  }
  func.func @transform_6(%arg0: i32) -> (i32, i32) {
    %c0_i32 = arith.constant 0 : i32
    %c0_i32_0 = arith.constant 0 : i32
    %c0_i32_1 = arith.constant 0 : i32
    return %c0_i32, %c0_i32_0 : i32, i32
  }
  func.func @transform_7(%arg0: i32) -> (i32, i32, i32) {
    %c0_i32 = arith.constant 0 : i32
    %c0_i32_0 = arith.constant 0 : i32
    %c0_i32_1 = arith.constant 0 : i32
    return %arg0, %c0_i32, %c0_i32_0 : i32, i32, i32
  }
}

</mosaic_0001>

<sc_bundles>
// kernel: kernel.5.cloned.1.call-start
scs
__scs_entry_jumppad:
0x0: {  	(pc) =	sbr.rel $0x88, $3  }
0x1: {  	(tag) =	ssettag $0x0;
	lr =	simm.s32 $0x1  }
0x2: {  	[smem:$0x3F98] =	sst lr;
	_ =	strace $0xD0000000  }
0x3: {  	_ = 	snop  }
0x4: {  	_ = 	snop  }
0x5: {  	_ = 	snop  }
0x6: {  	_ = 	snop  }
0x7: {  	_ = 	snop  }
__scs_overlays_trampoline_lowered:
0x8: {  	[smem:$0x3FA7] =	sst s0  }
0x9: {  	[smem:$0x3FA8] =	sst s1  }
0xa: {  	[smem:$0x3FA9] =	sst s2  }
0xb: {  	[smem:$0x3FAA] =	sst s3  }
0xc: {  	[smem:$0x3FAB] =	sst s4  }
0xd: {  	[smem:$0x3FAC] =	sst s5  }
0xe: {  	[smem:$0x3FAD] =	sst s6  }
0xf: {  	[smem:$0x3FAE] =	sst s7  }
0x10: {  	[smem:$0x3FAF] =	sst s8  }
0x11: {  	[smem:$0x3FB0] =	sst s9;
	s0 =	simm.s32 @!p0 $0x0  }
0x12: {  	s1 =	sld [smem:$0x3F96];
	s0 =	simm.s32 @p0 $0x1  }
0x13: {  	[smem:$0x3FB1] =	sst s0;
	s0 =	simm.s32 @!p1 $0x0  }
0x14: {  	s2 =	sld [smem:$0x3F95];
	s0 =	simm.s32 @p1 $0x1  }
0x15: {  	[smem:$0x3FB2] =	sst s0;
	s0 =	simm.s32 @!p2 $0x0  }
0x16: {  	s3 =	sld [smem:$0x3FDB];
	s0 =	simm.s32 @p2 $0x1  }
0x17: {  	s4 =	simm.s32 $0x1BF5;
	[smem:$0x3FB4] =	sst s0  }
0x18: {  	s0 =	sld [smem:$0x3F97];
	_ =	swait.ge [sflag:s4], $0x0  }
0x19: {  	s7 =	sld [smem:$0x3F98]  }
0x1a: {  	s8 =	sadd.s32 $0xFFFFE003, lr  }
0x1b: {  	s9 =	sadd.s32 $0xFFFFFEF7, lr;
	s5 =	simm.s32 $0xFFFFFFFF;
	p2 =	slt.u32 s8, $0xFFFFF086  }
0x1c: {  	p1 =	slt.u32 s9, $0xF7A;
	s5 =	simm.s32 @!p2 $0x0  }
0x1d: {  	s5 =	simm.s32 @p1 $0x1;
	p0 =	seq.s32 s7, s2  }
0x1e: {  	s7 =	smul.u32 @!p0 $0xF7A, s2;
	p2 =	seq.s32 @!p0 s5, $0x0  }
0x1f: {  	s9 =	smul.u32 $0xF7A, s1;
	s8 =	simm.s32 @!p0 $0x1BF5;
	p2 =	por !p2, p0  }
0x20: {  	[sflag:s8] =	ssyncset.s32 @!p0 $0xFFFFF086;
	s6 =	sadd.s32 @!p0 s3, s7;
	s7 =	simm.s32 @!p0 $0x108  }
0x21: {  	s3 =	sadd.s32 s3, s9;
	s6 =	sadd.s32 @!p0 $0x88, s6;
	s7 =	simm.s32 @p2 $0x1082  }
0x22: {  	[simem:s7], [sflag:s8] =	dma.local @!p0 [hbm:s6], $0xF7A  }
0x23: {  	s9 =	sor.u32 $0xD0000000, s2;
	s6 =	simm.s32 $0x108;
	_ =	swait.ge @!p0 [sflag:s8], $0x0  }
0x24: {  	s3 =	sadd.s32 $0x88, s3;
	s6 =	simm.s32 @!p1 $0x1082;
	[sflag:s4] =	ssyncset.s32 $0xFFFFF086  }
0x25: {  	[simem:s6], [sflag:s4] =	dma.local [hbm:s3], $0xF7A  }
0x26: {  	[smem:$0x3F98] =	sst s1;
	(tag) =	ssettag s2;
	_ =	strace s9  }
0x27: {  	s1 =	sld [smem:$0x3FA8]  }
0x28: {  	s2 =	sld [smem:$0x3FA9]  }
0x29: {  	s4 =	sld [smem:$0x3FAB]  }
0x2a: {  	p0 =	seq.s32 s5, $0x0;
	s5 =	sld [smem:$0x3FAC]  }
0x2b: {  	s6 =	sld [smem:$0x3FAD]  }
0x2c: {  	s7 =	sld [smem:$0x3FAE]  }
0x2d: {  	s3 =	simm.s32 $0x108;
	s8 =	sld [smem:$0x3FAF]  }
0x2e: {  	s3 =	simm.s32 @!p0 $0x1082;
	s9 =	sld [smem:$0x3FB0]  }
0x2f: {  	lr =	sadd.s32 s0, s3;
	s0 =	sld [smem:$0x3FA7]  }
0x30: {  	s3 =	sld [smem:$0x3FAA]  }
0x31: {  	[smem:$0x3FB3] =	sst s10  }
0x32: {  	s10 =	sld [smem:$0x3FB1];
	_ =	sdelay $0x3  }
0x33: {  	p0 =	seq.s32 s10, $0x1;
	s10 =	sld [smem:$0x3FB3];
	_ =	sdelay $0x3  }
0x34: {  	[smem:$0x3FB3] =	sst s10  }
0x35: {  	s10 =	sld [smem:$0x3FB2];
	_ =	sdelay $0x3  }
0x36: {  	p1 =	seq.s32 s10, $0x1;
	s10 =	sld [smem:$0x3FB3];
	_ =	sdelay $0x3  }
0x37: {  	[smem:$0x3FB3] =	sst s10  }
0x38: {  	s10 =	sld [smem:$0x3FB4]  }
0x39: {  	_ = 	snop;
	(pc) =	sbr.ind lr, $3  }
0x3a: {  	_ = 	snop  }
0x3b: {  	_ = 	snop  }
0x3c: {  	p2 =	seq.s32 s10, $0x1;
	s10 =	sld [smem:$0x3FB3]  }
0x3d: {  	_ =	shalt  }
0x3e: {  	_ =	shalt  }
0x3f: {  	_ =	shalt  }
0x40: {  	_ =	shalt  }
0x41: {  	_ =	shalt  }
0x42: {  	_ =	shalt  }
0x43: {  	_ =	shalt  }
0x44: {  	_ =	shalt  }
0x45: {  	_ =	shalt  }
0x46: {  	_ =	shalt  }
0x47: {  	_ =	shalt  }
0x48: {  	_ =	shalt  }
0x49: {  	_ =	shalt  }
0x4a: {  	_ =	shalt  }
0x4b: {  	_ =	shalt  }
0x4c: {  	_ =	shalt  }
0x4d: {  	_ =	shalt  }
0x4e: {  	_ =	shalt  }
0x4f: {  	_ =	shalt  }
0x50: {  	_ =	shalt  }
0x51: {  	_ =	shalt  }
0x52: {  	_ =	shalt  }
0x53: {  	_ =	shalt  }
0x54: {  	_ =	shalt  }
0x55: {  	_ =	shalt  }
0x56: {  	_ =	shalt  }
0x57: {  	_ =	shalt  }
0x58: {  	_ =	shalt  }
0x59: {  	_ =	shalt  }
0x5a: {  	_ =	shalt  }
0x5b: {  	_ =	shalt  }
0x5c: {  	_ =	shalt  }
0x5d: {  	_ =	shalt  }
0x5e: {  	_ =	shalt  }
0x5f: {  	_ =	shalt  }
0x60: {  	_ =	shalt  }
0x61: {  	_ =	shalt  }
0x62: {  	_ =	shalt  }
0x63: {  	_ =	shalt  }
0x64: {  	_ =	shalt  }
0x65: {  	_ =	shalt  }
0x66: {  	_ =	shalt  }
0x67: {  	_ =	shalt  }
0x68: {  	_ =	shalt  }
0x69: {  	_ =	shalt  }
0x6a: {  	_ =	shalt  }
0x6b: {  	_ =	shalt  }
0x6c: {  	_ =	shalt  }
0x6d: {  	_ =	shalt  }
0x6e: {  	_ =	shalt  }
0x6f: {  	_ =	shalt  }
0x70: {  	_ =	shalt  }
0x71: {  	_ =	shalt  }
0x72: {  	_ =	shalt  }
0x73: {  	_ =	shalt  }
0x74: {  	_ =	shalt  }
0x75: {  	_ =	shalt  }
0x76: {  	_ =	shalt  }
0x77: {  	_ =	shalt  }
0x78: {  	_ =	shalt  }
0x79: {  	_ =	shalt  }
0x7a: {  	_ =	shalt  }
0x7b: {  	_ =	shalt  }
0x7c: {  	_ =	shalt  }
0x7d: {  	_ =	shalt  }
0x7e: {  	_ =	shalt  }
0x7f: {  	_ =	shalt  }
0x80: {  	_ =	shalt  }
0x81: {  	_ =	shalt  }
0x82: {  	_ =	shalt  }
0x83: {  	_ =	shalt  }
0x84: {  	_ =	shalt  }
0x85: {  	_ =	shalt  }
0x86: {  	_ =	shalt  }
0x87: {  	_ =	shalt  }
.Lfunc_end0:
.L_simem_size_0:
called_computation_lowered:
.L_overlay_start_0:
0x88: {  	s2 =	sld [smem:$0x3FD9]  }
0x89: {  	s3 =	sld [smem:$0x3FFE];
	_ =	sdelay $0x1  }
0x8a: {  	s1 =	srdreg.scid  }
0x8b: {  	s0 =	sand.u32 $0x1, s1  }
0x8c: {  	s14 =	sshll.u32 s0, $0xA;
	s2 =	sadd.s32 s3, s2  }
0x8d: {  	s2 =	sadd.s32 s2, s14  }
0x8e: {  	[smem:$0x3FBF] =	sst s2  }
0x8f: {  	_ = 	snop  }
0x90: {  	s2 =	sld [smem:$0x3FD0];
	_ =	sdelay $0x2  }
0x91: {  	s15 =	simm.s32 $0xA;
	s4 =	simm.s32 $0x10  }
0x92: {  	[smem:s4], [sflag:s15] =	dma.local [hbm:s2], $0x1  }
0x93: {  	_ =	swait.eq [sflag:s15], $0x1  }
0x94: {  	[sflag:s15] =	ssyncset.done $0x0  }
0x95: {  	s16 =	sld [smem:$0x10];
	[sflag:s15] =	ssyncadd.s32 $0xFFFFFFFF  }
0x96: {  	s17 =	sld [smem:$0x11];
	(tm) =	ssettm $0x1  }
0x97: {  	s18 =	sld [smem:$0x3FFB];
	_ =	sdelay $0x3  }
0x98: {  	_ =	strace s18  }
0x99: {  	s4 =	sld [smem:$0x3FFC];
	_ =	sdelay $0x3  }
0x9a: {  	_ =	strace s4  }
0x9b: {  	s4 =	sld [smem:$0x3FFD];
	_ =	sdelay $0x3  }
0x9c: {  	_ =	strace s4  }
0x9d: {  	_ =	strace $0x8FFFFFFF  }
0x9e: {  	s19 =	sld [smem:$0x3FDB];
	_ =	sdelay $0x1  }
0x9f: {  	s5 =	simm.s32 $_scs_section_size  }
0xa0: {  	s6 =	simm.s32 $_size__tile_overlayer_lowered;
	s7 =	simm.s32 $_tile_overlayer_lowered  }
0xa1: {  	s22 =	simm.s32 $0x1BFF;
	s21 =	sshll.u32 s7, $0x1;
	s4 =	sadd.s32 s5, s19  }
0xa2: {  	s8 =	simm.s32 $0x0;
	s20 =	sshll.u32 s6, $0x1;
	s6 =	sadd.s32 s21, s4  }
0xa3: {  	[timem:s8], [sflag:s22] =	dma.local [hbm:s6], s20  }
0xa4: {  	_ =	swait.ge [sflag:s22], s20  }
0xa5: {  	s5 =	ssub.s32 $0x0, s20;
	[sflag:s22] =	ssyncset.done $0x0  }
0xa6: {  	[sflag:s22] =	ssyncadd.s32 s5;
	_ =	sdelay $0x1  }
0xa7: {  	s23 =	simm.s32 $0x1B8B  }
0xa8: {  	_ =	swait.ge [sflag:s23], $0x1  }
0xa9: {  	[sflag:s23] =	ssyncset.done $0x0  }
0xaa: {  	s25 =	simm.s32 $0x1B8E;
	s24 =	sld [smem:$0x3FFE];
	[sflag:s23] =	ssyncadd.s32 $0xFFFFFFFF  }
0xab: {  	s26 =	simm.s32 $execute0_lowered;
	[smem:$0x3FD2] =	sst s25  }
0xac: {  	s6 =	sshll.u32 s26, $0x1;
	_ =	strace $0x80000046;
	[dreg:$0x1] =	wrdreg $0xFFFFFFFF  }
0xad: {  	s28 =	simm.s32 $_size_execute0_lowered;
	s4 =	sadd.s32 s4, s6;
	[dreg:$0x0] =	wrdreg $0x0  }
0xae: {  	s6 =	sshll.u32 s28, $0x1;
	[dreg:$0x2] =	wrdreg s4  }
0xaf: {  	[dreg:$0x3] =	wrdreg s6  }
0xb0: {  	[dreg:$0x4] =	wrdreg $0xC0  }
0xb1: {  	_ =	task [dreg:s8], $0x5FFFF  }
0xb2: {  	[dreg:$0x1] =	wrdreg $0xFFFFFFFF  }
0xb3: {  	[dreg:$0x0] =	wrdreg $0x60  }
0xb4: {  	[dreg:$0x2] =	wrdreg s17  }
0xb5: {  	[dreg:$0x3] =	wrdreg s24  }
0xb6: {  	[dreg:$0x4] =	wrdreg s16  }
0xb7: {  	[dreg:$0x5] =	wrdreg $0x9  }
0xb8: {  	_ =	task.clear_ibuf [dreg:s8], $0x6FFFF;
	_ =	strace $0x90000046  }
0xb9: {  	s29 =	simm.s32 $0x9;
	_ =	strace $0x80000048  }
0xba: {  	_ =	swait.ge [sflag:s29], $0x1  }
0xbb: {  	[sflag:s29] =	ssyncadd.s32 $0xFFFFFFFF  }
0xbc: {  	_ =	strace $0x90000048  }
0xbd: {  	_ =	sfence  }
0xbe: {  	s30 =	sld [smem:$0x0];
	_ =	sdelay $0x2  }
0xbf: {  	s31 =	sshll.u32 s1, $0xD;
	s1 =	sshrl.u32 s1, $0x2  }
0xc0: {  	s3 =	sand.u32 $0x4000, s31;
	s1 =	sadd.s32 s1, s30  }
0xc1: {  	s0 =	sor.u32 s3, s0;
	s1 =	sshll.u32 s1, $0x11  }
0xc2: {  	s0 =	sor.u32 s1, s0  }
0xc3: {  	s0 =	sadd.s32 $0x8F2B, s0  }
0xc4: {  	[sflag:s0] =	ssyncadd.remote.s32 $0x1  }
0xc5: {  	_ =	sfence.sel $0xFFFF  }
0xc6: {  	[dreg:$0x0] =	wrdreg $0xFFFFFFFF;
	(pc) =	sbr.abs _section_cstart, $3  }
0xc7: {  	[dreg:$0x1] =	wrdreg $0xFFFFFFFF  }
0xc8: {  	_ =	task.clear_ibuf [dreg:s8], $0x2FFFF;
	_ =	strace $0x9FFFFFFF  }
0xc9: {  	(tm) =	ssettm $0x7FFFFFFF  }
tec
execute0_lowered:
.L_overlay_start_1:
0x0: {  	(tag) =	ssettag $0x1  }
0x1: {  	s5 =	rddreg [dreg:$0x0]  }
0x2: {  	s4 =	rddreg [dreg:$0x1]  }
0x3: {  	s6 =	rddreg [dreg:$0x2]  }
0x4: {  	s0 =	rddreg [dreg:$0x3];
	s2 =	simm.s32 $0x0;
	s7 =	srdreg.scid  }
0x5: {  	s1 =	stileid.u32;
	s11 =	simm.s32 $0x0;
	[smem:$0x7FF] =	sst s2  }
0x6: {  	s3 =	sadd.s32 $0x1800, s4;
	s7 =	sand.u32 $0x1, s7;
	s8 =	sshll.u32 s1, $0x1  }
0x7: {  	s4 =	sadd.s32 $0x1400, s4;
	s9 =	ssub.s32 $0x2, s7;
	s7 =	sor.u32 s7, s8  }
0x8: {  	s30 =	sshrl.u32 s9, $0x1;
	s10 =	sshll.u32 s7, $0x4;
	s7 =	sshll.u32 s7, $0xA  }
0x9: {  	_ =	strace $0x80000047;
	s8 =	ssub.s32 s9, s30;
	s5 =	sadd.s32 s5, s7  }
0xa: {  	s31 =	sadd.s32 $0x10, s10;
	s6 =	sadd.s32 s6, s7;
	s9 =	simm.s32 $0x2000  }
0xb: {  	v2 =	vimm.f32 $1.000000000e+00;
	v0 =	vmov s10;
	s10 =	simm.s32 $0x4000;
	s7 =	smax.u32 s8, $0x1;
	s8 =	simm.s32 $0x1;
	v1 =	vmov s31  }
.LBB2_1:
0xc: {  	[tilespmem:s2], [sflag:$0x1] =	stream.linear.gather [hbm4b:s3+s2], $0x2000, $0x38;
	[tilespmem:$0x6000] =	vst v63  }
0xd: {  	_ =	swait.ge [sflag:s8], $0x2000  }
0xe: {  	[sflag:s8] =	ssyncset.done $0x0  }
0xf: {  	[sflag:s8] =	ssyncadd.s32 $0xFFFFE000  }
0x10: {  	[tilespmem:s9], [sflag:$0x1] =	stream.linear.gather [hbm4b:s4+s2], $0x2000, $0x38;
	[tilespmem:$0x6000] =	vst v63  }
0x11: {  	_ =	swait.ge [sflag:s8], $0x2000  }
0x12: {  	[sflag:s8] =	ssyncset.done $0x0  }
0x13: {  	[sflag:s8] =	ssyncadd.s32 $0xFFFFE000  }
0x14: {  	[tilespmem:s10], [sflag:$0x1] =	stream.linear.gather [hbm4b:s5+s2], $0x2000, $0x38;
	[tilespmem:$0x6000] =	vst v63  }
0x15: {  	_ =	swait.ge [sflag:s8], $0x2000  }
0x16: {  	[sflag:s8] =	ssyncset.done $0x0  }
0x17: {  	s13 =	simm.s32 $0x0;
	s12 =	simm.s32 $0x40;
	[sflag:s8] =	ssyncadd.s32 $0xFFFFE000  }
.LBB2_2:
0x18: {  	p0 =	sne.s32 s12, $0x7FC0;
	v3 =	vld [tilespmem:s13+$0x2000];
	_ =	sdelay $0x1  }
0x19: {  	v4 =	vld [tilespmem:s13+$0x0];
	_ =	sdelay $0x2  }
0x1a: {  	v5 =	vsub.s32 v3, v0  }
0x1b: {  	vm0 =	vge.s32 v3, v0;
	vm1 =	vlt.s32 v3, v1;
	v3 =	vshll.u32 v5, $0x9  }
0x1c: {  	vm0 =	vmand vm0, vm1;
	v3 =	vadd.s32 v4, v3  }
0x1d: {  	v3 =	vnsel vm0, $0x0, v3  }
.Ltmp0:
0x1e: {  	(pc) =	sbr.rel @p0 .LBB2_2-.Ltmp0, $2  }
0x1f: {  	_ =	sdelay $0x2  }
0x20: {  	s13 =	sshra.s32 s12, $0x2;
	s12 =	sadd.s32 $0x40, s12;
	[tilespmem:v3+s10+$0x0] =	vst.idx.add.f32.msk vm0, v2  }
0x21: {  	v3 =	vld [tilespmem:s13+$0x2000];
	_ =	sdelay $0x1  }
0x22: {  	v4 =	vld [tilespmem:s13+$0x0];
	_ =	sdelay $0x2  }
0x23: {  	v5 =	vsub.s32 v3, v0  }
0x24: {  	vm0 =	vge.s32 v3, v0;
	vm1 =	vlt.s32 v3, v1;
	v3 =	vshll.u32 v5, $0x9  }
0x25: {  	vm0 =	vmand vm0, vm1;
	v3 =	vadd.s32 v4, v3  }
0x26: {  	v3 =	vnsel vm0, $0x0, v3;
	_ =	sdelay $0x2  }
0x27: {  	s11 =	sadd.s32 $0x1, s11  }
0x28: {  	p0 =	sne.s32 s11, s7  }
.Ltmp1:
0x29: {  	[tilespmem:v3+s10+$0x0] =	vst.idx.add.f32.msk vm0, v2;
	(pc) =	sbr.rel @p0 .LBB2_1-.Ltmp1, $4  }
0x2a: {  	[hbm4b:s6+s2] =	stream.linear.scatter [tilespmem:s10], [sflag:$0x1], $0x2000, $0x38;
	[tilespmem:$0x6000] =	vst v63  }
0x2b: {  	_ =	swait.ge [sflag:s8], $0x2000  }
0x2c: {  	[sflag:s8] =	ssyncset.done $0x0  }
0x2d: {  	[sflag:s8] =	ssyncadd.s32 $0xFFFFE000  }
0x2e: {  	_ =	sfence.sel $0x180000  }
0x2f: {  	[bflag:$0x0] =	sbarrier.arrive $0xFFFF  }
0x30: {  	p0 =	sne.s32 s1, $0x0;
	_ =	strace $0x90000047  }
0x31: {  	s0 =	sadd.s32 @!p0 $0x100000, s0;
	[bflag:$0x2] =	sbarrier.arrive $0xFFFF  }
0x32: {  	[sflag:s0] =	ssyncadd.tile.s32 @!p0 $0x1;
	_ =	shalt  }
.Lfunc_end2:
_tile_overlayer_lowered:
.L_overlay_start_2:
0x33: {  	(tag) =	ssettag $0x2  }
0x34: {  	s0 =	rddreg [dreg:$0x0];
	s2 =	stileid.u32  }
0x35: {  	s1 =	rddreg [dreg:$0x1];
	p0 =	sne.s32 s2, $0x0  }
0x36: {  	s3 =	rddreg [dreg:$0x2];
	[bflag:$0x3] =	sbarrier.arrive $0xFFFF;
	s2 =	simm.s32 @!p0 $0x1C01  }
0x37: {  	[timem:s3], [sflag:s2] =	dma.local @!p0 [hbm:s0], s1  }
0x38: {  	s0 =	simm.s32 @!p0 $0x1  }
0x39: {  	_ =	swait.ge @!p0 [sflag:s0], s1  }
0x3a: {  	s1 =	ssub.s32 @!p0 $0x0, s1;
	[sflag:s0] =	ssyncset.done @!p0 $0x0  }
0x3b: {  	[sflag:s0] =	ssyncadd.s32 @!p0 s1  }
0x3c: {  	[bflag:$0x3] =	sbarrier.arrive $0xFFFF  }
0x3d: {  	_ =	shalt  }

</sc_bundles>
